<compile_context>
chip_gen: v7x
topology: tpu7x:2x2x1
jax: 0.10.2.dev20260603
libtpu: 0.0.44.dev20260713+nightly
codegen_flags: <defaults>
</compile_context>

<pallas_src>
import functools

import jax
import jax.numpy as jnp
from jax import lax
from jax.experimental import pallas as pl
from jax.experimental.pallas import tpu as pltpu
from jax.experimental.pallas import tpu_sc as plsc

_LANES = 128
_NC = 2
_NS = 16
_RPT = 640
_G = 16



def _deg_kernel(N2, R32):
    mesh = plsc.VectorSubcoreMesh(core_axis_name="c", subcore_axis_name="s",
                                  num_cores=_NC, num_subcores=_NS)

    @functools.partial(
        pl.kernel,
        mesh=mesh,
        out_type=jax.ShapeDtypeStruct((2 * N2, _LANES), jnp.float32),
        scratch_types=[
            pltpu.VMEM((R32, _LANES), jnp.int32),
            pltpu.VMEM((_LANES, _LANES), jnp.float32),
            pltpu.VMEM_SHARED((N2, _LANES), jnp.float32),
        ],
    )
    def body(dst_hbm, ones_hbm, out_hbm, dst_v, ones_v, acc_sh):
        c = lax.axis_index("c")
        s = lax.axis_index("s")
        wid = s * _NC + c
        pltpu.sync_copy(dst_hbm.at[wid], dst_v)
        pltpu.sync_copy(ones_hbm.at[pl.ds(0, _LANES)], ones_v)
        r0 = s * _RPT
        pltpu.sync_copy(ones_hbm.at[pl.ds(r0, _RPT)], acc_sh.at[pl.ds(r0, _RPT)])
        plsc.subcore_barrier()

        def step(j, carry):
            pltpu.sync_copy(ones_v, acc_sh.at[dst_v.at[j]], add=True)
            return carry

        lax.fori_loop(0, R32, step, 0)
        plsc.subcore_barrier()
        pltpu.sync_copy(acc_sh.at[pl.ds(r0, _RPT)],
                        out_hbm.at[pl.ds(c * N2 + r0, _RPT)])

    return body


def _agg_kernel(N2, R, C):
    mesh = plsc.VectorSubcoreMesh(core_axis_name="c", subcore_axis_name="s",
                                  num_cores=_NC, num_subcores=_NS)

    @functools.partial(
        pl.kernel,
        mesh=mesh,
        out_type=jax.ShapeDtypeStruct((2 * N2, _LANES), jnp.float32),
        scratch_types=[
            pltpu.VMEM((R, C), jnp.int32),
            pltpu.VMEM((_G, C), jnp.int32),
            pltpu.VMEM((C, _LANES), jnp.float32),
            pltpu.VMEM((C, _LANES), jnp.float32),
            pltpu.VMEM_SHARED((N2, _LANES), jnp.float32),
            pltpu.SemaphoreType.DMA,
            pltpu.SemaphoreType.DMA,
        ],
    )
    def body(y_hbm, src_hbm, dst_hbm, out_hbm, src_v, dst_st, rows0, rows1,
             acc_sh, sem0, sem1):
        c = lax.axis_index("c")
        s = lax.axis_index("s")
        pltpu.sync_copy(src_hbm.at[c, s], src_v)
        r0 = s * _RPT
        pltpu.sync_copy(y_hbm.at[pl.ds(c * N2 + r0, _RPT)],
                        acc_sh.at[pl.ds(r0, _RPT)])
        plsc.subcore_barrier()

        rows = (rows0, rows1)
        sems = (sem0, sem1)

        def group(g, carry):
            j0 = g * _G
            h = [pltpu.async_copy(y_hbm.at[src_v.at[j0]], rows0, sem0),
                 pltpu.async_copy(y_hbm.at[src_v.at[j0 + 1]], rows1, sem1)]
            pltpu.sync_copy(dst_hbm.at[s, g], dst_st)
            for k in range(_G):
                b = k % 2
                h[b].wait()
                pltpu.sync_copy(rows[b], acc_sh.at[dst_st.at[k]], add=True)
                if k + 2 < _G:
                    h[b] = pltpu.async_copy(y_hbm.at[src_v.at[j0 + k + 2]],
                                            rows[b], sems[b])
            return carry

        lax.fori_loop(0, R // _G, group, 0)
        plsc.subcore_barrier()
        pltpu.sync_copy(acc_sh.at[pl.ds(r0, _RPT)],
                        out_hbm.at[pl.ds(c * N2 + r0, _RPT)])

    return body



def _scale_body(d0_ref, d1_ref, x_ref, dinv_ref, y2_ref):
    dv = lax.rsqrt(d0_ref[:, 0:1] + d1_ref[:, 0:1] - 1.0)
    dinv_ref[...] = dv
    y2_ref[...] = x_ref[...] * dv


def _layer1_body(zl_ref, zr_ref, dv_ref, w_ref, b_ref, y_ref):
    dv = dv_ref[...]
    al = zl_ref[...] * dv
    ar = zr_ref[...] * dv
    pre = jnp.dot(al, w_ref[0:128, :], preferred_element_type=jnp.float32)
    pre = pre + jnp.dot(ar, w_ref[128:256, :], preferred_element_type=jnp.float32)
    pre = pre + b_ref[...]
    y_ref[...] = dv * jnp.maximum(pre, 0.0)


def _heads_body(zl_ref, zr_ref, dv_ref, wmu_ref, bmu_ref, wlv_ref, blv_ref,
                mu_ref, lv_ref):
    dv = dv_ref[...]
    al = zl_ref[...] * dv
    ar = zr_ref[...] * dv
    mu_ref[...] = (jnp.dot(al, wmu_ref[0:128, :], preferred_element_type=jnp.float32)
                   + jnp.dot(ar, wmu_ref[128:256, :], preferred_element_type=jnp.float32)
                   + bmu_ref[...])
    lv_ref[...] = (jnp.dot(al, wlv_ref[0:128, :], preferred_element_type=jnp.float32)
                   + jnp.dot(ar, wlv_ref[128:256, :], preferred_element_type=jnp.float32)
                   + blv_ref[...])


def kernel(x, edge_index, W1, b1, Wmu, bmu, Wlv, blv):
    N, D = x.shape
    E = edge_index.shape[1]
    H = W1.shape[1]
    N2 = _NS * _RPT
    nb = N2 // _RPT

    R32 = -(-E // (_NC * _NS * _LANES))
    Epad = _NC * _NS * R32 * _LANES
    C_AGG = _LANES
    R_AGG = Epad // (_NS * C_AGG)

    src = edge_index[0]
    dst = edge_index[1]
    padn = Epad - E
    src_p = jnp.concatenate([src, jnp.zeros((padn,), src.dtype)])
    dst_p = jnp.concatenate([dst, jnp.full((padn,), N, dst.dtype)])
    srcs = jnp.stack([src_p, src_p + N2]).reshape(_NC, _NS, R_AGG, C_AGG)
    dsts = dst_p.reshape(_NS, R_AGG // _G, _G, C_AGG)
    dst32 = dst_p.reshape(_NC * _NS, R32, _LANES)
    ones = jnp.ones((N2, _LANES), jnp.float32)

    degpart = _deg_kernel(N2, R32)(dst32, ones)

    dinv, y0 = pl.pallas_call(
        _scale_body,
        grid=(nb, 2),
        in_specs=[
            pl.BlockSpec((_RPT, 128), lambda i, h: (i, 0)),
            pl.BlockSpec((_RPT, 128), lambda i, h: (nb + i, 0)),
            pl.BlockSpec((_RPT, 128), lambda i, h: (i, h)),
        ],
        out_specs=[
            pl.BlockSpec((_RPT, 1), lambda i, h: (i, 0)),
            pl.BlockSpec((_RPT, 128), lambda i, h: (h * nb + i, 0)),
        ],
        out_shape=[
            jax.ShapeDtypeStruct((N, 1), jnp.float32),
            jax.ShapeDtypeStruct((2 * N2, 128), jnp.float32),
        ],
    )(degpart, degpart, x)

    agg = _agg_kernel(N2, R_AGG, C_AGG)
    z0 = agg(y0, srcs, dsts)

    y1 = pl.pallas_call(
        _layer1_body,
        grid=(nb, 2),
        in_specs=[
            pl.BlockSpec((_RPT, 128), lambda i, h: (i, 0)),
            pl.BlockSpec((_RPT, 128), lambda i, h: (nb + i, 0)),
            pl.BlockSpec((_RPT, 1), lambda i, h: (i, 0)),
            pl.BlockSpec((D, 128), lambda i, h: (0, h)),
            pl.BlockSpec((1, 128), lambda i, h: (0, h)),
        ],
        out_specs=pl.BlockSpec((_RPT, 128), lambda i, h: (h * nb + i, 0)),
        out_shape=jax.ShapeDtypeStruct((2 * N2, 128), jnp.float32),
    )(z0, z0, dinv, W1, b1.reshape(1, H))

    z1 = agg(y1, srcs, dsts)

    mu, lv = pl.pallas_call(
        _heads_body,
        grid=(nb, 2),
        in_specs=[
            pl.BlockSpec((_RPT, 128), lambda i, h: (i, 0)),
            pl.BlockSpec((_RPT, 128), lambda i, h: (nb + i, 0)),
            pl.BlockSpec((_RPT, 1), lambda i, h: (i, 0)),
            pl.BlockSpec((H, 128), lambda i, h: (0, h)),
            pl.BlockSpec((1, 128), lambda i, h: (0, h)),
            pl.BlockSpec((H, 128), lambda i, h: (0, h)),
            pl.BlockSpec((1, 128), lambda i, h: (0, h)),
        ],
        out_specs=[
            pl.BlockSpec((_RPT, 128), lambda i, h: (i, h)),
            pl.BlockSpec((_RPT, 128), lambda i, h: (i, h)),
        ],
        out_shape=[
            jax.ShapeDtypeStruct((N, H), jnp.float32),
            jax.ShapeDtypeStruct((N, H), jnp.float32),
        ],
    )(z1, z1, dinv, Wmu, bmu.reshape(1, H), Wlv, blv.reshape(1, H))

    return (mu, lv)

# --- scband reference (transcript-rebuilt; emitter-appended) ---
"""Pipeline reference for scband-encoder-85134841741774 (READ-ONLY COPY).

The authoritative reference and input builder live on the scoring server;
editing this copy changes nothing except your own understanding.
"""

import jax, jax.numpy as jnp
import numpy as np

N = 10000
E = 160000
D = 256
H = 256


def setup_inputs(seed: int = 0) -> dict:
    key = jax.random.key(seed)
    ks = jax.random.split(key, 8)
    x = jax.random.normal(ks[0], (N, D), dtype=jnp.float32)
    edge_index = jax.random.randint(ks[1], (2, E), 0, N, dtype=jnp.int32)
    W1 = jax.random.normal(ks[2], (D, H), dtype=jnp.float32) * (1.0 / np.sqrt(D))
    b1 = jnp.zeros((H,), dtype=jnp.float32)
    Wmu = jax.random.normal(ks[3], (H, H), dtype=jnp.float32) * (1.0 / np.sqrt(H))
    bmu = jnp.zeros((H,), dtype=jnp.float32)
    Wlv = jax.random.normal(ks[4], (H, H), dtype=jnp.float32) * (1.0 / np.sqrt(H))
    blv = jnp.zeros((H,), dtype=jnp.float32)
    return {"x": x, "edge_index": edge_index, "W1": W1, "b1": b1,
            "Wmu": Wmu, "bmu": bmu, "Wlv": Wlv, "blv": blv}


def reference(x, edge_index, W1, b1, Wmu, bmu, Wlv, blv):
    # GCNConv with self-loops and symmetric normalization:
    # X' = D^{-1/2} (A + I) D^{-1/2} X W + b
    src = edge_index[0]
    dst = edge_index[1]
    loop = jnp.arange(N, dtype=src.dtype)
    src_f = jnp.concatenate([src, loop])
    dst_f = jnp.concatenate([dst, loop])
    deg = jax.ops.segment_sum(jnp.ones((E + N,), dtype=jnp.float32), dst_f, num_segments=N)
    dinv = jnp.where(deg > 0, deg ** -0.5, 0.0)
    norm = dinv[src_f] * dinv[dst_f]

    def gcn(h, W, b):
        hw = h @ W
        msg = hw[src_f] * norm[:, None]
        agg = jax.ops.segment_sum(msg, dst_f, num_segments=N)
        return agg + b

    h1 = jax.nn.relu(gcn(x, W1, b1))
    mu = gcn(h1, Wmu, bmu)
    logvar = gcn(h1, Wlv, blv)
    return (mu, logvar)

if __name__ == "__main__":
    import jax
    _d = setup_inputs()
    print(jax.jit(kernel)(*tuple(_d.values())))

</pallas_src>

<mosaic_0001>
#map = affine_map<(d0, d1) -> (0, 0, 0)>
#map1 = affine_map<(d0, d1) -> (0, 0)>
module attributes {stable_mosaic.version = 14 : i64} {
  func.func @body(%arg0: i32, %arg1: i32, %arg2: memref<32x40x128xi32, #tpu.memory_space<hbm>>, %arg3: memref<10240x128xf32, #tpu.memory_space<hbm>>, %arg4: memref<20480x128xf32, #tpu.memory_space<hbm>>, %arg5: memref<40x128xi32, #tpu.memory_space<vmem>>, %arg6: memref<128x128xf32, #tpu.memory_space<vmem>>, %arg7: memref<10240x128xf32, #tpu.memory_space<vmem_shared>>) attributes {dimension_semantics = [#tpu.dimension_semantics<core_parallel>, #tpu.dimension_semantics<subcore_parallel>], iteration_bounds = array<i64: 2, 16>, scalar_prefetch = 0 : i64, scratch_operands = 3 : i64, tpu.core_type = #tpu.core_type<sc_vector_subcore>, window_params = [{transform_indices = #map}, {transform_indices = #map1}, {transform_indices = #map1}]} {
    %mul3A = arith.constant 2 : i32
    %mul3A_0 = arith.muli %arg1, %mul3A : i32
    %add3A = arith.addi %mul3A_0, %arg0 : i32
    "tpu.region"() ({
      %run_scoped3A = tpu.sem_alloc : memref<!tpu.dma_semaphore, #tpu.memory_space<semaphore_mem>>
      %dma_start3A = arith.constant 0 : i32
      %dma_start3A_12 = arith.constant 0 : i32
      %dma_start3A_13 = tpu.memref_slice %arg2[%add3A, %dma_start3A, %dma_start3A_12] : memref<32x40x128xi32, #tpu.memory_space<hbm>> -> memref<1x40x128xi32, #tpu.memory_space<hbm>>
      %dma_start3A_14 = tpu.memref_squeeze %dma_start3A_13 : memref<1x40x128xi32, #tpu.memory_space<hbm>> -> memref<40x128xi32, #tpu.memory_space<hbm>>
      %dma_start3A_15 = arith.constant 0 : i32
      %dma_start3A_16 = arith.constant 0 : i32
      %dma_start3A_17 = tpu.memref_slice %arg2[%add3A, %dma_start3A_15, %dma_start3A_16] : memref<32x40x128xi32, #tpu.memory_space<hbm>> -> memref<1x40x128xi32, #tpu.memory_space<hbm>>
      %dma_start3A_18 = tpu.memref_squeeze %dma_start3A_17 : memref<1x40x128xi32, #tpu.memory_space<hbm>> -> memref<40x128xi32, #tpu.memory_space<hbm>>
      tpu.enqueue_dma source(%dma_start3A_18 : memref<40x128xi32, #tpu.memory_space<hbm>>) target(%arg5 : memref<40x128xi32, #tpu.memory_space<vmem>>) target_semaphore(%run_scoped3A : memref<!tpu.dma_semaphore, #tpu.memory_space<semaphore_mem>>)
      %dma_wait3A = arith.constant 0 : i32
      %dma_wait3A_19 = arith.constant 0 : i32
      %dma_wait3A_20 = tpu.memref_slice %arg2[%add3A, %dma_wait3A, %dma_wait3A_19] : memref<32x40x128xi32, #tpu.memory_space<hbm>> -> memref<1x40x128xi32, #tpu.memory_space<hbm>>
      %dma_wait3A_21 = tpu.memref_squeeze %dma_wait3A_20 : memref<1x40x128xi32, #tpu.memory_space<hbm>> -> memref<40x128xi32, #tpu.memory_space<hbm>>
      %dma_wait3A_22 = arith.constant 0 : i32
      %dma_wait3A_23 = arith.constant 0 : i32
      %dma_wait3A_24 = tpu.memref_slice %arg2[%add3A, %dma_wait3A_22, %dma_wait3A_23] : memref<32x40x128xi32, #tpu.memory_space<hbm>> -> memref<1x40x128xi32, #tpu.memory_space<hbm>>
      %dma_wait3A_25 = tpu.memref_squeeze %dma_wait3A_24 : memref<1x40x128xi32, #tpu.memory_space<hbm>> -> memref<40x128xi32, #tpu.memory_space<hbm>>
      tpu.wait_dma2 semaphore(%run_scoped3A : memref<!tpu.dma_semaphore, #tpu.memory_space<semaphore_mem>>) src(%dma_wait3A_25 : memref<40x128xi32, #tpu.memory_space<hbm>>) dst(%arg5 : memref<40x128xi32, #tpu.memory_space<vmem>>)
      tpu.yield
    }) : () -> ()
    "tpu.region"() ({
      %run_scoped3A = tpu.sem_alloc : memref<!tpu.dma_semaphore, #tpu.memory_space<semaphore_mem>>
      %dma_start3A = arith.constant 0 : i32
      %dma_start3A_12 = arith.constant 0 : i32
      %dma_start3A_13 = tpu.memref_slice %arg3[%dma_start3A, %dma_start3A_12] : memref<10240x128xf32, #tpu.memory_space<hbm>> -> memref<128x128xf32, #tpu.memory_space<hbm>>
      %dma_start3A_14 = arith.constant 0 : i32
      %dma_start3A_15 = arith.constant 0 : i32
      %dma_start3A_16 = tpu.memref_slice %arg3[%dma_start3A_14, %dma_start3A_15] : memref<10240x128xf32, #tpu.memory_space<hbm>> -> memref<128x128xf32, #tpu.memory_space<hbm>>
      tpu.enqueue_dma source(%dma_start3A_16 : memref<128x128xf32, #tpu.memory_space<hbm>>) target(%arg6 : memref<128x128xf32, #tpu.memory_space<vmem>>) target_semaphore(%run_scoped3A : memref<!tpu.dma_semaphore, #tpu.memory_space<semaphore_mem>>)
      %dma_wait3A = arith.constant 0 : i32
      %dma_wait3A_17 = arith.constant 0 : i32
      %dma_wait3A_18 = tpu.memref_slice %arg3[%dma_wait3A, %dma_wait3A_17] : memref<10240x128xf32, #tpu.memory_space<hbm>> -> memref<128x128xf32, #tpu.memory_space<hbm>>
      %dma_wait3A_19 = arith.constant 0 : i32
      %dma_wait3A_20 = arith.constant 0 : i32
      %dma_wait3A_21 = tpu.memref_slice %arg3[%dma_wait3A_19, %dma_wait3A_20] : memref<10240x128xf32, #tpu.memory_space<hbm>> -> memref<128x128xf32, #tpu.memory_space<hbm>>
      tpu.wait_dma2 semaphore(%run_scoped3A : memref<!tpu.dma_semaphore, #tpu.memory_space<semaphore_mem>>) src(%dma_wait3A_21 : memref<128x128xf32, #tpu.memory_space<hbm>>) dst(%arg6 : memref<128x128xf32, #tpu.memory_space<vmem>>)
      tpu.yield
    }) : () -> ()
    %mul3A_1 = arith.constant 640 : i32
    %mul3A_2 = arith.muli %arg1, %mul3A_1 : i32
    "tpu.region"() ({
      %run_scoped3A = tpu.sem_alloc : memref<!tpu.dma_semaphore, #tpu.memory_space<semaphore_mem>>
      %dma_start3A = arith.constant 0 : i32
      %dma_start3A_12 = tpu.memref_slice %arg7[%mul3A_2, %dma_start3A] : memref<10240x128xf32, #tpu.memory_space<vmem_shared>> -> memref<640x128xf32, #tpu.memory_space<vmem_shared>>
      %dma_start3A_13 = arith.constant 0 : i32
      %dma_start3A_14 = tpu.memref_slice %arg3[%mul3A_2, %dma_start3A_13] : memref<10240x128xf32, #tpu.memory_space<hbm>> -> memref<640x128xf32, #tpu.memory_space<hbm>>
      tpu.enqueue_dma source(%dma_start3A_14 : memref<640x128xf32, #tpu.memory_space<hbm>>) target(%dma_start3A_12 : memref<640x128xf32, #tpu.memory_space<vmem_shared>>) target_semaphore(%run_scoped3A : memref<!tpu.dma_semaphore, #tpu.memory_space<semaphore_mem>>)
      %dma_wait3A = arith.constant 0 : i32
      %dma_wait3A_15 = tpu.memref_slice %arg7[%mul3A_2, %dma_wait3A] : memref<10240x128xf32, #tpu.memory_space<vmem_shared>> -> memref<640x128xf32, #tpu.memory_space<vmem_shared>>
      %dma_wait3A_16 = arith.constant 0 : i32
      %dma_wait3A_17 = tpu.memref_slice %arg3[%mul3A_2, %dma_wait3A_16] : memref<10240x128xf32, #tpu.memory_space<hbm>> -> memref<640x128xf32, #tpu.memory_space<hbm>>
      tpu.wait_dma2 semaphore(%run_scoped3A : memref<!tpu.dma_semaphore, #tpu.memory_space<semaphore_mem>>) src(%dma_wait3A_17 : memref<640x128xf32, #tpu.memory_space<hbm>>) dst(%dma_wait3A_15 : memref<640x128xf32, #tpu.memory_space<vmem_shared>>)
      tpu.yield
    }) : () -> ()
    %barrier3A = arith.constant 0 : index
    tpu.barrier barrier_id(%barrier3A)
    %scan3A = arith.constant 0 : i32
    %scan3A_3 = arith.constant 0 : i32
    %scan3A_4 = arith.constant 40 : i32
    %scan3A_5 = arith.addi %scan3A_3, %scan3A_4 : i32
    %scan3A_6 = arith.constant 1 : i32
    scf.for %scan3A_12 = %scan3A_3 to %scan3A_5 step %scan3A_6  : i32 {
      "tpu.region"() ({
        %run_scoped3A = tpu.sem_alloc : memref<!tpu.dma_semaphore, #tpu.memory_space<semaphore_mem>>
        %dma_start3A = arith.constant 0 : i32
        %dma_start3A_13 = tpu.memref_slice %arg5[%scan3A_12, %dma_start3A] : memref<40x128xi32, #tpu.memory_space<vmem>> -> memref<1x128xi32, #tpu.memory_space<vmem>>
        %dma_start3A_14 = tpu.memref_squeeze %dma_start3A_13 : memref<1x128xi32, #tpu.memory_space<vmem>> -> memref<128xi32, #tpu.memory_space<vmem>>
        %dma_start3A_15 = arith.constant 0 : i32
        %dma_start3A_16 = arith.constant 0 : i32
        %dma_start3A_17 = tpu.memref_slice %arg7[%dma_start3A_15, %dma_start3A_16] : memref<10240x128xf32, #tpu.memory_space<vmem_shared>> -> memref<10240x128xf32, #tpu.memory_space<vmem_shared>>
        tpu.enqueue_indirect_dma source(%arg6 : memref<128x128xf32, #tpu.memory_space<vmem>>) target(%dma_start3A_17 : memref<10240x128xf32, #tpu.memory_space<vmem_shared>>) offsets(%dma_start3A_14 : memref<128xi32, #tpu.memory_space<vmem>>) semaphore(%run_scoped3A : memref<!tpu.dma_semaphore, #tpu.memory_space<semaphore_mem>>) {add = true}
        %dma_wait3A = arith.constant 0 : i32
        %dma_wait3A_18 = tpu.memref_slice %arg5[%scan3A_12, %dma_wait3A] : memref<40x128xi32, #tpu.memory_space<vmem>> -> memref<1x128xi32, #tpu.memory_space<vmem>>
        %dma_wait3A_19 = tpu.memref_squeeze %dma_wait3A_18 : memref<1x128xi32, #tpu.memory_space<vmem>> -> memref<128xi32, #tpu.memory_space<vmem>>
        %dma_wait3A_20 = arith.constant 0 : i32
        %dma_wait3A_21 = arith.constant 0 : i32
        %dma_wait3A_22 = tpu.memref_slice %arg7[%dma_wait3A_20, %dma_wait3A_21] : memref<10240x128xf32, #tpu.memory_space<vmem_shared>> -> memref<10240x128xf32, #tpu.memory_space<vmem_shared>>
        tpu.wait_indirect_dma semaphore(%run_scoped3A : memref<!tpu.dma_semaphore, #tpu.memory_space<semaphore_mem>>) src(%arg6 : memref<128x128xf32, #tpu.memory_space<vmem>>) dst(%dma_wait3A_22 : memref<10240x128xf32, #tpu.memory_space<vmem_shared>>)
        tpu.yield
      }) : () -> ()
    }
    %scan3A_7 = arith.constant 40 : i32
    %barrier3A_8 = arith.constant 0 : index
    tpu.barrier barrier_id(%barrier3A_8)
    %mul3A_9 = arith.constant 10240 : i32
    %mul3A_10 = arith.muli %arg0, %mul3A_9 : i32
    %add3A_11 = arith.addi %mul3A_10, %mul3A_2 : i32
    "tpu.region"() ({
      %run_scoped3A = tpu.sem_alloc : memref<!tpu.dma_semaphore, #tpu.memory_space<semaphore_mem>>
      %dma_start3A = arith.constant 0 : i32
      %dma_start3A_12 = tpu.memref_slice %arg4[%add3A_11, %dma_start3A] : memref<20480x128xf32, #tpu.memory_space<hbm>> -> memref<640x128xf32, #tpu.memory_space<hbm>>
      %dma_start3A_13 = arith.constant 0 : i32
      %dma_start3A_14 = tpu.memref_slice %arg7[%mul3A_2, %dma_start3A_13] : memref<10240x128xf32, #tpu.memory_space<vmem_shared>> -> memref<640x128xf32, #tpu.memory_space<vmem_shared>>
      tpu.enqueue_dma source(%dma_start3A_14 : memref<640x128xf32, #tpu.memory_space<vmem_shared>>) target(%dma_start3A_12 : memref<640x128xf32, #tpu.memory_space<hbm>>) target_semaphore(%run_scoped3A : memref<!tpu.dma_semaphore, #tpu.memory_space<semaphore_mem>>)
      %dma_wait3A = arith.constant 0 : i32
      %dma_wait3A_15 = tpu.memref_slice %arg4[%add3A_11, %dma_wait3A] : memref<20480x128xf32, #tpu.memory_space<hbm>> -> memref<640x128xf32, #tpu.memory_space<hbm>>
      %dma_wait3A_16 = arith.constant 0 : i32
      %dma_wait3A_17 = tpu.memref_slice %arg7[%mul3A_2, %dma_wait3A_16] : memref<10240x128xf32, #tpu.memory_space<vmem_shared>> -> memref<640x128xf32, #tpu.memory_space<vmem_shared>>
      tpu.wait_dma2 semaphore(%run_scoped3A : memref<!tpu.dma_semaphore, #tpu.memory_space<semaphore_mem>>) src(%dma_wait3A_17 : memref<640x128xf32, #tpu.memory_space<vmem_shared>>) dst(%dma_wait3A_15 : memref<640x128xf32, #tpu.memory_space<hbm>>)
      tpu.yield
    }) : () -> ()
    return
  }
}

#map = affine_map<(d0, d1) -> (0, 0)>
#map1 = affine_map<(d0, d1) -> (0, 0, 0, 0)>
module attributes {stable_mosaic.version = 14 : i64} {
  func.func @body(%arg0: i32, %arg1: i32, %arg2: memref<20480x128xf32, #tpu.memory_space<hbm>>, %arg3: memref<2x16x80x128xi32, #tpu.memory_space<hbm>>, %arg4: memref<16x5x16x128xi32, #tpu.memory_space<hbm>>, %arg5: memref<20480x128xf32, #tpu.memory_space<hbm>>, %arg6: memref<80x128xi32, #tpu.memory_space<vmem>>, %arg7: memref<16x128xi32, #tpu.memory_space<vmem>>, %arg8: memref<128x128xf32, #tpu.memory_space<vmem>>, %arg9: memref<128x128xf32, #tpu.memory_space<vmem>>, %arg10: memref<10240x128xf32, #tpu.memory_space<vmem_shared>>, %arg11: memref<!tpu.dma_semaphore, #tpu.memory_space<semaphore_mem>>, %arg12: memref<!tpu.dma_semaphore, #tpu.memory_space<semaphore_mem>>) attributes {dimension_semantics = [#tpu.dimension_semantics<core_parallel>, #tpu.dimension_semantics<subcore_parallel>], iteration_bounds = array<i64: 2, 16>, scalar_prefetch = 0 : i64, scratch_operands = 7 : i64, tpu.core_type = #tpu.core_type<sc_vector_subcore>, window_params = [{transform_indices = #map}, {transform_indices = #map1}, {transform_indices = #map1}, {transform_indices = #map}]} {
    "tpu.region"() ({
      %run_scoped3A = tpu.sem_alloc : memref<!tpu.dma_semaphore, #tpu.memory_space<semaphore_mem>>
      %dma_start3A = arith.constant 0 : i32
      %dma_start3A_12 = arith.constant 0 : i32
      %dma_start3A_13 = tpu.memref_slice %arg3[%arg0, %arg1, %dma_start3A, %dma_start3A_12] : memref<2x16x80x128xi32, #tpu.memory_space<hbm>> -> memref<1x1x80x128xi32, #tpu.memory_space<hbm>>
      %dma_start3A_14 = tpu.memref_squeeze %dma_start3A_13 : memref<1x1x80x128xi32, #tpu.memory_space<hbm>> -> memref<80x128xi32, #tpu.memory_space<hbm>>
      %dma_start3A_15 = arith.constant 0 : i32
      %dma_start3A_16 = arith.constant 0 : i32
      %dma_start3A_17 = tpu.memref_slice %arg3[%arg0, %arg1, %dma_start3A_15, %dma_start3A_16] : memref<2x16x80x128xi32, #tpu.memory_space<hbm>> -> memref<1x1x80x128xi32, #tpu.memory_space<hbm>>
      %dma_start3A_18 = tpu.memref_squeeze %dma_start3A_17 : memref<1x1x80x128xi32, #tpu.memory_space<hbm>> -> memref<80x128xi32, #tpu.memory_space<hbm>>
      tpu.enqueue_dma source(%dma_start3A_18 : memref<80x128xi32, #tpu.memory_space<hbm>>) target(%arg6 : memref<80x128xi32, #tpu.memory_space<vmem>>) target_semaphore(%run_scoped3A : memref<!tpu.dma_semaphore, #tpu.memory_space<semaphore_mem>>)
      %dma_wait3A = arith.constant 0 : i32
      %dma_wait3A_19 = arith.constant 0 : i32
      %dma_wait3A_20 = tpu.memref_slice %arg3[%arg0, %arg1, %dma_wait3A, %dma_wait3A_19] : memref<2x16x80x128xi32, #tpu.memory_space<hbm>> -> memref<1x1x80x128xi32, #tpu.memory_space<hbm>>
      %dma_wait3A_21 = tpu.memref_squeeze %dma_wait3A_20 : memref<1x1x80x128xi32, #tpu.memory_space<hbm>> -> memref<80x128xi32, #tpu.memory_space<hbm>>
      %dma_wait3A_22 = arith.constant 0 : i32
      %dma_wait3A_23 = arith.constant 0 : i32
      %dma_wait3A_24 = tpu.memref_slice %arg3[%arg0, %arg1, %dma_wait3A_22, %dma_wait3A_23] : memref<2x16x80x128xi32, #tpu.memory_space<hbm>> -> memref<1x1x80x128xi32, #tpu.memory_space<hbm>>
      %dma_wait3A_25 = tpu.memref_squeeze %dma_wait3A_24 : memref<1x1x80x128xi32, #tpu.memory_space<hbm>> -> memref<80x128xi32, #tpu.memory_space<hbm>>
      tpu.wait_dma2 semaphore(%run_scoped3A : memref<!tpu.dma_semaphore, #tpu.memory_space<semaphore_mem>>) src(%dma_wait3A_25 : memref<80x128xi32, #tpu.memory_space<hbm>>) dst(%arg6 : memref<80x128xi32, #tpu.memory_space<vmem>>)
      tpu.yield
    }) : () -> ()
    %mul3A = arith.constant 640 : i32
    %mul3A_0 = arith.muli %arg1, %mul3A : i32
    %mul3A_1 = arith.constant 10240 : i32
    %mul3A_2 = arith.muli %arg0, %mul3A_1 : i32
    %add3A = arith.addi %mul3A_2, %mul3A_0 : i32
    "tpu.region"() ({
      %run_scoped3A = tpu.sem_alloc : memref<!tpu.dma_semaphore, #tpu.memory_space<semaphore_mem>>
      %dma_start3A = arith.constant 0 : i32
      %dma_start3A_12 = tpu.memref_slice %arg10[%mul3A_0, %dma_start3A] : memref<10240x128xf32, #tpu.memory_space<vmem_shared>> -> memref<640x128xf32, #tpu.memory_space<vmem_shared>>
      %dma_start3A_13 = arith.constant 0 : i32
      %dma_start3A_14 = tpu.memref_slice %arg2[%add3A, %dma_start3A_13] : memref<20480x128xf32, #tpu.memory_space<hbm>> -> memref<640x128xf32, #tpu.memory_space<hbm>>
      tpu.enqueue_dma source(%dma_start3A_14 : memref<640x128xf32, #tpu.memory_space<hbm>>) target(%dma_start3A_12 : memref<640x128xf32, #tpu.memory_space<vmem_shared>>) target_semaphore(%run_scoped3A : memref<!tpu.dma_semaphore, #tpu.memory_space<semaphore_mem>>)
      %dma_wait3A = arith.constant 0 : i32
      %dma_wait3A_15 = tpu.memref_slice %arg10[%mul3A_0, %dma_wait3A] : memref<10240x128xf32, #tpu.memory_space<vmem_shared>> -> memref<640x128xf32, #tpu.memory_space<vmem_shared>>
      %dma_wait3A_16 = arith.constant 0 : i32
      %dma_wait3A_17 = tpu.memref_slice %arg2[%add3A, %dma_wait3A_16] : memref<20480x128xf32, #tpu.memory_space<hbm>> -> memref<640x128xf32, #tpu.memory_space<hbm>>
      tpu.wait_dma2 semaphore(%run_scoped3A : memref<!tpu.dma_semaphore, #tpu.memory_space<semaphore_mem>>) src(%dma_wait3A_17 : memref<640x128xf32, #tpu.memory_space<hbm>>) dst(%dma_wait3A_15 : memref<640x128xf32, #tpu.memory_space<vmem_shared>>)
      tpu.yield
    }) : () -> ()
    %barrier3A = arith.constant 0 : index
    tpu.barrier barrier_id(%barrier3A)
    %scan3A = arith.constant 0 : i32
    %scan3A_3 = arith.constant 0 : i32
    %scan3A_4 = arith.constant 5 : i32
    %scan3A_5 = arith.addi %scan3A_3, %scan3A_4 : i32
    %scan3A_6 = arith.constant 1 : i32
    scf.for %scan3A_12 = %scan3A_3 to %scan3A_5 step %scan3A_6  : i32 {
      %mul3A_13 = arith.constant 16 : i32
      %mul3A_14 = arith.muli %scan3A_12, %mul3A_13 : i32
      %dma_start3A = arith.constant 0 : i32
      %dma_start3A_15 = tpu.memref_slice %arg6[%mul3A_14, %dma_start3A] : memref<80x128xi32, #tpu.memory_space<vmem>> -> memref<1x128xi32, #tpu.memory_space<vmem>>
      %dma_start3A_16 = tpu.memref_squeeze %dma_start3A_15 : memref<1x128xi32, #tpu.memory_space<vmem>> -> memref<128xi32, #tpu.memory_space<vmem>>
      %dma_start3A_17 = arith.constant 0 : i32
      %dma_start3A_18 = arith.constant 0 : i32
      %dma_start3A_19 = tpu.memref_slice %arg2[%dma_start3A_17, %dma_start3A_18] : memref<20480x128xf32, #tpu.memory_space<hbm>> -> memref<20480x128xf32, #tpu.memory_space<hbm>>
      tpu.enqueue_indirect_dma source(%dma_start3A_19 : memref<20480x128xf32, #tpu.memory_space<hbm>>) target(%arg8 : memref<128x128xf32, #tpu.memory_space<vmem>>) offsets(%dma_start3A_16 : memref<128xi32, #tpu.memory_space<vmem>>) semaphore(%arg11 : memref<!tpu.dma_semaphore, #tpu.memory_space<semaphore_mem>>)
      %add3A_20 = arith.constant 1 : i32
      %add3A_21 = arith.addi %mul3A_14, %add3A_20 : i32
      %dma_start3A_22 = arith.constant 0 : i32
      %dma_start3A_23 = tpu.memref_slice %arg6[%add3A_21, %dma_start3A_22] : memref<80x128xi32, #tpu.memory_space<vmem>> -> memref<1x128xi32, #tpu.memory_space<vmem>>
      %dma_start3A_24 = tpu.memref_squeeze %dma_start3A_23 : memref<1x128xi32, #tpu.memory_space<vmem>> -> memref<128xi32, #tpu.memory_space<vmem>>
      %dma_start3A_25 = arith.constant 0 : i32
      %dma_start3A_26 = arith.constant 0 : i32
      %dma_start3A_27 = tpu.memref_slice %arg2[%dma_start3A_25, %dma_start3A_26] : memref<20480x128xf32, #tpu.memory_space<hbm>> -> memref<20480x128xf32, #tpu.memory_space<hbm>>
      tpu.enqueue_indirect_dma source(%dma_start3A_27 : memref<20480x128xf32, #tpu.memory_space<hbm>>) target(%arg9 : memref<128x128xf32, #tpu.memory_space<vmem>>) offsets(%dma_start3A_24 : memref<128xi32, #tpu.memory_space<vmem>>) semaphore(%arg12 : memref<!tpu.dma_semaphore, #tpu.memory_space<semaphore_mem>>)
      "tpu.region"() ({
        %run_scoped3A_278 = tpu.sem_alloc : memref<!tpu.dma_semaphore, #tpu.memory_space<semaphore_mem>>
        %dma_start3A_279 = arith.constant 0 : i32
        %dma_start3A_280 = arith.constant 0 : i32
        %dma_start3A_281 = tpu.memref_slice %arg4[%arg1, %scan3A_12, %dma_start3A_279, %dma_start3A_280] : memref<16x5x16x128xi32, #tpu.memory_space<hbm>> -> memref<1x1x16x128xi32, #tpu.memory_space<hbm>>
        %dma_start3A_282 = tpu.memref_squeeze %dma_start3A_281 : memref<1x1x16x128xi32, #tpu.memory_space<hbm>> -> memref<16x128xi32, #tpu.memory_space<hbm>>
        %dma_start3A_283 = arith.constant 0 : i32
        %dma_start3A_284 = arith.constant 0 : i32
        %dma_start3A_285 = tpu.memref_slice %arg4[%arg1, %scan3A_12, %dma_start3A_283, %dma_start3A_284] : memref<16x5x16x128xi32, #tpu.memory_space<hbm>> -> memref<1x1x16x128xi32, #tpu.memory_space<hbm>>
        %dma_start3A_286 = tpu.memref_squeeze %dma_start3A_285 : memref<1x1x16x128xi32, #tpu.memory_space<hbm>> -> memref<16x128xi32, #tpu.memory_space<hbm>>
        tpu.enqueue_dma source(%dma_start3A_286 : memref<16x128xi32, #tpu.memory_space<hbm>>) target(%arg7 : memref<16x128xi32, #tpu.memory_space<vmem>>) target_semaphore(%run_scoped3A_278 : memref<!tpu.dma_semaphore, #tpu.memory_space<semaphore_mem>>)
        %dma_wait3A_287 = arith.constant 0 : i32
        %dma_wait3A_288 = arith.constant 0 : i32
        %dma_wait3A_289 = tpu.memref_slice %arg4[%arg1, %scan3A_12, %dma_wait3A_287, %dma_wait3A_288] : memref<16x5x16x128xi32, #tpu.memory_space<hbm>> -> memref<1x1x16x128xi32, #tpu.memory_space<hbm>>
        %dma_wait3A_290 = tpu.memref_squeeze %dma_wait3A_289 : memref<1x1x16x128xi32, #tpu.memory_space<hbm>> -> memref<16x128xi32, #tpu.memory_space<hbm>>
        %dma_wait3A_291 = arith.constant 0 : i32
        %dma_wait3A_292 = arith.constant 0 : i32
        %dma_wait3A_293 = tpu.memref_slice %arg4[%arg1, %scan3A_12, %dma_wait3A_291, %dma_wait3A_292] : memref<16x5x16x128xi32, #tpu.memory_space<hbm>> -> memref<1x1x16x128xi32, #tpu.memory_space<hbm>>
        %dma_wait3A_294 = tpu.memref_squeeze %dma_wait3A_293 : memref<1x1x16x128xi32, #tpu.memory_space<hbm>> -> memref<16x128xi32, #tpu.memory_space<hbm>>
        tpu.wait_dma2 semaphore(%run_scoped3A_278 : memref<!tpu.dma_semaphore, #tpu.memory_space<semaphore_mem>>) src(%dma_wait3A_294 : memref<16x128xi32, #tpu.memory_space<hbm>>) dst(%arg7 : memref<16x128xi32, #tpu.memory_space<vmem>>)
        tpu.yield
      }) : () -> ()
      %dma_wait3A = arith.constant 0 : i32
      %dma_wait3A_28 = tpu.memref_slice %arg6[%mul3A_14, %dma_wait3A] : memref<80x128xi32, #tpu.memory_space<vmem>> -> memref<1x128xi32, #tpu.memory_space<vmem>>
      %dma_wait3A_29 = tpu.memref_squeeze %dma_wait3A_28 : memref<1x128xi32, #tpu.memory_space<vmem>> -> memref<128xi32, #tpu.memory_space<vmem>>
      %dma_wait3A_30 = arith.constant 0 : i32
      %dma_wait3A_31 = arith.constant 0 : i32
      %dma_wait3A_32 = tpu.memref_slice %arg2[%dma_wait3A_30, %dma_wait3A_31] : memref<20480x128xf32, #tpu.memory_space<hbm>> -> memref<20480x128xf32, #tpu.memory_space<hbm>>
      tpu.wait_indirect_dma semaphore(%arg11 : memref<!tpu.dma_semaphore, #tpu.memory_space<semaphore_mem>>) src(%dma_wait3A_32 : memref<20480x128xf32, #tpu.memory_space<hbm>>) dst(%arg8 : memref<128x128xf32, #tpu.memory_space<vmem>>)
      %run_scoped3A = arith.constant 0 : i32
      "tpu.region"() ({
        %run_scoped3A_278 = tpu.sem_alloc : memref<!tpu.dma_semaphore, #tpu.memory_space<semaphore_mem>>
        %dma_start3A_279 = arith.constant 0 : i32
        %dma_start3A_280 = tpu.memref_slice %arg7[%run_scoped3A, %dma_start3A_279] : memref<16x128xi32, #tpu.memory_space<vmem>> -> memref<1x128xi32, #tpu.memory_space<vmem>>
        %dma_start3A_281 = tpu.memref_squeeze %dma_start3A_280 : memref<1x128xi32, #tpu.memory_space<vmem>> -> memref<128xi32, #tpu.memory_space<vmem>>
        %dma_start3A_282 = arith.constant 0 : i32
        %dma_start3A_283 = arith.constant 0 : i32
        %dma_start3A_284 = tpu.memref_slice %arg10[%dma_start3A_282, %dma_start3A_283] : memref<10240x128xf32, #tpu.memory_space<vmem_shared>> -> memref<10240x128xf32, #tpu.memory_space<vmem_shared>>
        tpu.enqueue_indirect_dma source(%arg8 : memref<128x128xf32, #tpu.memory_space<vmem>>) target(%dma_start3A_284 : memref<10240x128xf32, #tpu.memory_space<vmem_shared>>) offsets(%dma_start3A_281 : memref<128xi32, #tpu.memory_space<vmem>>) semaphore(%run_scoped3A_278 : memref<!tpu.dma_semaphore, #tpu.memory_space<semaphore_mem>>) {add = true}
        %dma_wait3A_285 = arith.constant 0 : i32
        %dma_wait3A_286 = tpu.memref_slice %arg7[%run_scoped3A, %dma_wait3A_285] : memref<16x128xi32, #tpu.memory_space<vmem>> -> memref<1x128xi32, #tpu.memory_space<vmem>>
        %dma_wait3A_287 = tpu.memref_squeeze %dma_wait3A_286 : memref<1x128xi32, #tpu.memory_space<vmem>> -> memref<128xi32, #tpu.memory_space<vmem>>
        %dma_wait3A_288 = arith.constant 0 : i32
        %dma_wait3A_289 = arith.constant 0 : i32
        %dma_wait3A_290 = tpu.memref_slice %arg10[%dma_wait3A_288, %dma_wait3A_289] : memref<10240x128xf32, #tpu.memory_space<vmem_shared>> -> memref<10240x128xf32, #tpu.memory_space<vmem_shared>>
        tpu.wait_indirect_dma semaphore(%run_scoped3A_278 : memref<!tpu.dma_semaphore, #tpu.memory_space<semaphore_mem>>) src(%arg8 : memref<128x128xf32, #tpu.memory_space<vmem>>) dst(%dma_wait3A_290 : memref<10240x128xf32, #tpu.memory_space<vmem_shared>>)
        tpu.yield
      }) : () -> ()
      %add3A_33 = arith.constant 0 : i32
      %add3A_34 = arith.addi %mul3A_14, %add3A_33 : i32
      %add3A_35 = arith.constant 2 : i32
      %add3A_36 = arith.addi %add3A_34, %add3A_35 : i32
      %dma_start3A_37 = arith.constant 0 : i32
      %dma_start3A_38 = tpu.memref_slice %arg6[%add3A_36, %dma_start3A_37] : memref<80x128xi32, #tpu.memory_space<vmem>> -> memref<1x128xi32, #tpu.memory_space<vmem>>
      %dma_start3A_39 = tpu.memref_squeeze %dma_start3A_38 : memref<1x128xi32, #tpu.memory_space<vmem>> -> memref<128xi32, #tpu.memory_space<vmem>>
      %dma_start3A_40 = arith.constant 0 : i32
      %dma_start3A_41 = arith.constant 0 : i32
      %dma_start3A_42 = tpu.memref_slice %arg2[%dma_start3A_40, %dma_start3A_41] : memref<20480x128xf32, #tpu.memory_space<hbm>> -> memref<20480x128xf32, #tpu.memory_space<hbm>>
      tpu.enqueue_indirect_dma source(%dma_start3A_42 : memref<20480x128xf32, #tpu.memory_space<hbm>>) target(%arg8 : memref<128x128xf32, #tpu.memory_space<vmem>>) offsets(%dma_start3A_39 : memref<128xi32, #tpu.memory_space<vmem>>) semaphore(%arg11 : memref<!tpu.dma_semaphore, #tpu.memory_space<semaphore_mem>>)
      %dma_wait3A_43 = arith.constant 0 : i32
      %dma_wait3A_44 = tpu.memref_slice %arg6[%add3A_21, %dma_wait3A_43] : memref<80x128xi32, #tpu.memory_space<vmem>> -> memref<1x128xi32, #tpu.memory_space<vmem>>
      %dma_wait3A_45 = tpu.memref_squeeze %dma_wait3A_44 : memref<1x128xi32, #tpu.memory_space<vmem>> -> memref<128xi32, #tpu.memory_space<vmem>>
      %dma_wait3A_46 = arith.constant 0 : i32
      %dma_wait3A_47 = arith.constant 0 : i32
      %dma_wait3A_48 = tpu.memref_slice %arg2[%dma_wait3A_46, %dma_wait3A_47] : memref<20480x128xf32, #tpu.memory_space<hbm>> -> memref<20480x128xf32, #tpu.memory_space<hbm>>
      tpu.wait_indirect_dma semaphore(%arg12 : memref<!tpu.dma_semaphore, #tpu.memory_space<semaphore_mem>>) src(%dma_wait3A_48 : memref<20480x128xf32, #tpu.memory_space<hbm>>) dst(%arg9 : memref<128x128xf32, #tpu.memory_space<vmem>>)
      %run_scoped3A_49 = arith.constant 1 : i32
      "tpu.region"() ({
        %run_scoped3A_278 = tpu.sem_alloc : memref<!tpu.dma_semaphore, #tpu.memory_space<semaphore_mem>>
        %dma_start3A_279 = arith.constant 0 : i32
        %dma_start3A_280 = tpu.memref_slice %arg7[%run_scoped3A_49, %dma_start3A_279] : memref<16x128xi32, #tpu.memory_space<vmem>> -> memref<1x128xi32, #tpu.memory_space<vmem>>
        %dma_start3A_281 = tpu.memref_squeeze %dma_start3A_280 : memref<1x128xi32, #tpu.memory_space<vmem>> -> memref<128xi32, #tpu.memory_space<vmem>>
        %dma_start3A_282 = arith.constant 0 : i32
        %dma_start3A_283 = arith.constant 0 : i32
        %dma_start3A_284 = tpu.memref_slice %arg10[%dma_start3A_282, %dma_start3A_283] : memref<10240x128xf32, #tpu.memory_space<vmem_shared>> -> memref<10240x128xf32, #tpu.memory_space<vmem_shared>>
        tpu.enqueue_indirect_dma source(%arg9 : memref<128x128xf32, #tpu.memory_space<vmem>>) target(%dma_start3A_284 : memref<10240x128xf32, #tpu.memory_space<vmem_shared>>) offsets(%dma_start3A_281 : memref<128xi32, #tpu.memory_space<vmem>>) semaphore(%run_scoped3A_278 : memref<!tpu.dma_semaphore, #tpu.memory_space<semaphore_mem>>) {add = true}
        %dma_wait3A_285 = arith.constant 0 : i32
        %dma_wait3A_286 = tpu.memref_slice %arg7[%run_scoped3A_49, %dma_wait3A_285] : memref<16x128xi32, #tpu.memory_space<vmem>> -> memref<1x128xi32, #tpu.memory_space<vmem>>
        %dma_wait3A_287 = tpu.memref_squeeze %dma_wait3A_286 : memref<1x128xi32, #tpu.memory_space<vmem>> -> memref<128xi32, #tpu.memory_space<vmem>>
        %dma_wait3A_288 = arith.constant 0 : i32
        %dma_wait3A_289 = arith.constant 0 : i32
        %dma_wait3A_290 = tpu.memref_slice %arg10[%dma_wait3A_288, %dma_wait3A_289] : memref<10240x128xf32, #tpu.memory_space<vmem_shared>> -> memref<10240x128xf32, #tpu.memory_space<vmem_shared>>
        tpu.wait_indirect_dma semaphore(%run_scoped3A_278 : memref<!tpu.dma_semaphore, #tpu.memory_space<semaphore_mem>>) src(%arg9 : memref<128x128xf32, #tpu.memory_space<vmem>>) dst(%dma_wait3A_290 : memref<10240x128xf32, #tpu.memory_space<vmem_shared>>)
        tpu.yield
      }) : () -> ()
      %add3A_50 = arith.constant 1 : i32
      %add3A_51 = arith.addi %mul3A_14, %add3A_50 : i32
      %add3A_52 = arith.constant 2 : i32
      %add3A_53 = arith.addi %add3A_51, %add3A_52 : i32
      %dma_start3A_54 = arith.constant 0 : i32
      %dma_start3A_55 = tpu.memref_slice %arg6[%add3A_53, %dma_start3A_54] : memref<80x128xi32, #tpu.memory_space<vmem>> -> memref<1x128xi32, #tpu.memory_space<vmem>>
      %dma_start3A_56 = tpu.memref_squeeze %dma_start3A_55 : memref<1x128xi32, #tpu.memory_space<vmem>> -> memref<128xi32, #tpu.memory_space<vmem>>
      %dma_start3A_57 = arith.constant 0 : i32
      %dma_start3A_58 = arith.constant 0 : i32
      %dma_start3A_59 = tpu.memref_slice %arg2[%dma_start3A_57, %dma_start3A_58] : memref<20480x128xf32, #tpu.memory_space<hbm>> -> memref<20480x128xf32, #tpu.memory_space<hbm>>
      tpu.enqueue_indirect_dma source(%dma_start3A_59 : memref<20480x128xf32, #tpu.memory_space<hbm>>) target(%arg9 : memref<128x128xf32, #tpu.memory_space<vmem>>) offsets(%dma_start3A_56 : memref<128xi32, #tpu.memory_space<vmem>>) semaphore(%arg12 : memref<!tpu.dma_semaphore, #tpu.memory_space<semaphore_mem>>)
      %dma_wait3A_60 = arith.constant 0 : i32
      %dma_wait3A_61 = tpu.memref_slice %arg6[%add3A_36, %dma_wait3A_60] : memref<80x128xi32, #tpu.memory_space<vmem>> -> memref<1x128xi32, #tpu.memory_space<vmem>>
      %dma_wait3A_62 = tpu.memref_squeeze %dma_wait3A_61 : memref<1x128xi32, #tpu.memory_space<vmem>> -> memref<128xi32, #tpu.memory_space<vmem>>
      %dma_wait3A_63 = arith.constant 0 : i32
      %dma_wait3A_64 = arith.constant 0 : i32
      %dma_wait3A_65 = tpu.memref_slice %arg2[%dma_wait3A_63, %dma_wait3A_64] : memref<20480x128xf32, #tpu.memory_space<hbm>> -> memref<20480x128xf32, #tpu.memory_space<hbm>>
      tpu.wait_indirect_dma semaphore(%arg11 : memref<!tpu.dma_semaphore, #tpu.memory_space<semaphore_mem>>) src(%dma_wait3A_65 : memref<20480x128xf32, #tpu.memory_space<hbm>>) dst(%arg8 : memref<128x128xf32, #tpu.memory_space<vmem>>)
      %run_scoped3A_66 = arith.constant 2 : i32
      "tpu.region"() ({
        %run_scoped3A_278 = tpu.sem_alloc : memref<!tpu.dma_semaphore, #tpu.memory_space<semaphore_mem>>
        %dma_start3A_279 = arith.constant 0 : i32
        %dma_start3A_280 = tpu.memref_slice %arg7[%run_scoped3A_66, %dma_start3A_279] : memref<16x128xi32, #tpu.memory_space<vmem>> -> memref<1x128xi32, #tpu.memory_space<vmem>>
        %dma_start3A_281 = tpu.memref_squeeze %dma_start3A_280 : memref<1x128xi32, #tpu.memory_space<vmem>> -> memref<128xi32, #tpu.memory_space<vmem>>
        %dma_start3A_282 = arith.constant 0 : i32
        %dma_start3A_283 = arith.constant 0 : i32
        %dma_start3A_284 = tpu.memref_slice %arg10[%dma_start3A_282, %dma_start3A_283] : memref<10240x128xf32, #tpu.memory_space<vmem_shared>> -> memref<10240x128xf32, #tpu.memory_space<vmem_shared>>
        tpu.enqueue_indirect_dma source(%arg8 : memref<128x128xf32, #tpu.memory_space<vmem>>) target(%dma_start3A_284 : memref<10240x128xf32, #tpu.memory_space<vmem_shared>>) offsets(%dma_start3A_281 : memref<128xi32, #tpu.memory_space<vmem>>) semaphore(%run_scoped3A_278 : memref<!tpu.dma_semaphore, #tpu.memory_space<semaphore_mem>>) {add = true}
        %dma_wait3A_285 = arith.constant 0 : i32
        %dma_wait3A_286 = tpu.memref_slice %arg7[%run_scoped3A_66, %dma_wait3A_285] : memref<16x128xi32, #tpu.memory_space<vmem>> -> memref<1x128xi32, #tpu.memory_space<vmem>>
        %dma_wait3A_287 = tpu.memref_squeeze %dma_wait3A_286 : memref<1x128xi32, #tpu.memory_space<vmem>> -> memref<128xi32, #tpu.memory_space<vmem>>
        %dma_wait3A_288 = arith.constant 0 : i32
        %dma_wait3A_289 = arith.constant 0 : i32
        %dma_wait3A_290 = tpu.memref_slice %arg10[%dma_wait3A_288, %dma_wait3A_289] : memref<10240x128xf32, #tpu.memory_space<vmem_shared>> -> memref<10240x128xf32, #tpu.memory_space<vmem_shared>>
        tpu.wait_indirect_dma semaphore(%run_scoped3A_278 : memref<!tpu.dma_semaphore, #tpu.memory_space<semaphore_mem>>) src(%arg8 : memref<128x128xf32, #tpu.memory_space<vmem>>) dst(%dma_wait3A_290 : memref<10240x128xf32, #tpu.memory_space<vmem_shared>>)
        tpu.yield
      }) : () -> ()
      %add3A_67 = arith.constant 2 : i32
      %add3A_68 = arith.addi %mul3A_14, %add3A_67 : i32
      %add3A_69 = arith.constant 2 : i32
      %add3A_70 = arith.addi %add3A_68, %add3A_69 : i32
      %dma_start3A_71 = arith.constant 0 : i32
      %dma_start3A_72 = tpu.memref_slice %arg6[%add3A_70, %dma_start3A_71] : memref<80x128xi32, #tpu.memory_space<vmem>> -> memref<1x128xi32, #tpu.memory_space<vmem>>
      %dma_start3A_73 = tpu.memref_squeeze %dma_start3A_72 : memref<1x128xi32, #tpu.memory_space<vmem>> -> memref<128xi32, #tpu.memory_space<vmem>>
      %dma_start3A_74 = arith.constant 0 : i32
      %dma_start3A_75 = arith.constant 0 : i32
      %dma_start3A_76 = tpu.memref_slice %arg2[%dma_start3A_74, %dma_start3A_75] : memref<20480x128xf32, #tpu.memory_space<hbm>> -> memref<20480x128xf32, #tpu.memory_space<hbm>>
      tpu.enqueue_indirect_dma source(%dma_start3A_76 : memref<20480x128xf32, #tpu.memory_space<hbm>>) target(%arg8 : memref<128x128xf32, #tpu.memory_space<vmem>>) offsets(%dma_start3A_73 : memref<128xi32, #tpu.memory_space<vmem>>) semaphore(%arg11 : memref<!tpu.dma_semaphore, #tpu.memory_space<semaphore_mem>>)
      %dma_wait3A_77 = arith.constant 0 : i32
      %dma_wait3A_78 = tpu.memref_slice %arg6[%add3A_53, %dma_wait3A_77] : memref<80x128xi32, #tpu.memory_space<vmem>> -> memref<1x128xi32, #tpu.memory_space<vmem>>
      %dma_wait3A_79 = tpu.memref_squeeze %dma_wait3A_78 : memref<1x128xi32, #tpu.memory_space<vmem>> -> memref<128xi32, #tpu.memory_space<vmem>>
      %dma_wait3A_80 = arith.constant 0 : i32
      %dma_wait3A_81 = arith.constant 0 : i32
      %dma_wait3A_82 = tpu.memref_slice %arg2[%dma_wait3A_80, %dma_wait3A_81] : memref<20480x128xf32, #tpu.memory_space<hbm>> -> memref<20480x128xf32, #tpu.memory_space<hbm>>
      tpu.wait_indirect_dma semaphore(%arg12 : memref<!tpu.dma_semaphore, #tpu.memory_space<semaphore_mem>>) src(%dma_wait3A_82 : memref<20480x128xf32, #tpu.memory_space<hbm>>) dst(%arg9 : memref<128x128xf32, #tpu.memory_space<vmem>>)
      %run_scoped3A_83 = arith.constant 3 : i32
      "tpu.region"() ({
        %run_scoped3A_278 = tpu.sem_alloc : memref<!tpu.dma_semaphore, #tpu.memory_space<semaphore_mem>>
        %dma_start3A_279 = arith.constant 0 : i32
        %dma_start3A_280 = tpu.memref_slice %arg7[%run_scoped3A_83, %dma_start3A_279] : memref<16x128xi32, #tpu.memory_space<vmem>> -> memref<1x128xi32, #tpu.memory_space<vmem>>
        %dma_start3A_281 = tpu.memref_squeeze %dma_start3A_280 : memref<1x128xi32, #tpu.memory_space<vmem>> -> memref<128xi32, #tpu.memory_space<vmem>>
        %dma_start3A_282 = arith.constant 0 : i32
        %dma_start3A_283 = arith.constant 0 : i32
        %dma_start3A_284 = tpu.memref_slice %arg10[%dma_start3A_282, %dma_start3A_283] : memref<10240x128xf32, #tpu.memory_space<vmem_shared>> -> memref<10240x128xf32, #tpu.memory_space<vmem_shared>>
        tpu.enqueue_indirect_dma source(%arg9 : memref<128x128xf32, #tpu.memory_space<vmem>>) target(%dma_start3A_284 : memref<10240x128xf32, #tpu.memory_space<vmem_shared>>) offsets(%dma_start3A_281 : memref<128xi32, #tpu.memory_space<vmem>>) semaphore(%run_scoped3A_278 : memref<!tpu.dma_semaphore, #tpu.memory_space<semaphore_mem>>) {add = true}
        %dma_wait3A_285 = arith.constant 0 : i32
        %dma_wait3A_286 = tpu.memref_slice %arg7[%run_scoped3A_83, %dma_wait3A_285] : memref<16x128xi32, #tpu.memory_space<vmem>> -> memref<1x128xi32, #tpu.memory_space<vmem>>
        %dma_wait3A_287 = tpu.memref_squeeze %dma_wait3A_286 : memref<1x128xi32, #tpu.memory_space<vmem>> -> memref<128xi32, #tpu.memory_space<vmem>>
        %dma_wait3A_288 = arith.constant 0 : i32
        %dma_wait3A_289 = arith.constant 0 : i32
        %dma_wait3A_290 = tpu.memref_slice %arg10[%dma_wait3A_288, %dma_wait3A_289] : memref<10240x128xf32, #tpu.memory_space<vmem_shared>> -> memref<10240x128xf32, #tpu.memory_space<vmem_shared>>
        tpu.wait_indirect_dma semaphore(%run_scoped3A_278 : memref<!tpu.dma_semaphore, #tpu.memory_space<semaphore_mem>>) src(%arg9 : memref<128x128xf32, #tpu.memory_space<vmem>>) dst(%dma_wait3A_290 : memref<10240x128xf32, #tpu.memory_space<vmem_shared>>)
        tpu.yield
      }) : () -> ()
      %add3A_84 = arith.constant 3 : i32
      %add3A_85 = arith.addi %mul3A_14, %add3A_84 : i32
      %add3A_86 = arith.constant 2 : i32
      %add3A_87 = arith.addi %add3A_85, %add3A_86 : i32
      %dma_start3A_88 = arith.constant 0 : i32
      %dma_start3A_89 = tpu.memref_slice %arg6[%add3A_87, %dma_start3A_88] : memref<80x128xi32, #tpu.memory_space<vmem>> -> memref<1x128xi32, #tpu.memory_space<vmem>>
      %dma_start3A_90 = tpu.memref_squeeze %dma_start3A_89 : memref<1x128xi32, #tpu.memory_space<vmem>> -> memref<128xi32, #tpu.memory_space<vmem>>
      %dma_start3A_91 = arith.constant 0 : i32
      %dma_start3A_92 = arith.constant 0 : i32
      %dma_start3A_93 = tpu.memref_slice %arg2[%dma_start3A_91, %dma_start3A_92] : memref<20480x128xf32, #tpu.memory_space<hbm>> -> memref<20480x128xf32, #tpu.memory_space<hbm>>
      tpu.enqueue_indirect_dma source(%dma_start3A_93 : memref<20480x128xf32, #tpu.memory_space<hbm>>) target(%arg9 : memref<128x128xf32, #tpu.memory_space<vmem>>) offsets(%dma_start3A_90 : memref<128xi32, #tpu.memory_space<vmem>>) semaphore(%arg12 : memref<!tpu.dma_semaphore, #tpu.memory_space<semaphore_mem>>)
      %dma_wait3A_94 = arith.constant 0 : i32
      %dma_wait3A_95 = tpu.memref_slice %arg6[%add3A_70, %dma_wait3A_94] : memref<80x128xi32, #tpu.memory_space<vmem>> -> memref<1x128xi32, #tpu.memory_space<vmem>>
      %dma_wait3A_96 = tpu.memref_squeeze %dma_wait3A_95 : memref<1x128xi32, #tpu.memory_space<vmem>> -> memref<128xi32, #tpu.memory_space<vmem>>
      %dma_wait3A_97 = arith.constant 0 : i32
      %dma_wait3A_98 = arith.constant 0 : i32
      %dma_wait3A_99 = tpu.memref_slice %arg2[%dma_wait3A_97, %dma_wait3A_98] : memref<20480x128xf32, #tpu.memory_space<hbm>> -> memref<20480x128xf32, #tpu.memory_space<hbm>>
      tpu.wait_indirect_dma semaphore(%arg11 : memref<!tpu.dma_semaphore, #tpu.memory_space<semaphore_mem>>) src(%dma_wait3A_99 : memref<20480x128xf32, #tpu.memory_space<hbm>>) dst(%arg8 : memref<128x128xf32, #tpu.memory_space<vmem>>)
      %run_scoped3A_100 = arith.constant 4 : i32
      "tpu.region"() ({
        %run_scoped3A_278 = tpu.sem_alloc : memref<!tpu.dma_semaphore, #tpu.memory_space<semaphore_mem>>
        %dma_start3A_279 = arith.constant 0 : i32
        %dma_start3A_280 = tpu.memref_slice %arg7[%run_scoped3A_100, %dma_start3A_279] : memref<16x128xi32, #tpu.memory_space<vmem>> -> memref<1x128xi32, #tpu.memory_space<vmem>>
        %dma_start3A_281 = tpu.memref_squeeze %dma_start3A_280 : memref<1x128xi32, #tpu.memory_space<vmem>> -> memref<128xi32, #tpu.memory_space<vmem>>
        %dma_start3A_282 = arith.constant 0 : i32
        %dma_start3A_283 = arith.constant 0 : i32
        %dma_start3A_284 = tpu.memref_slice %arg10[%dma_start3A_282, %dma_start3A_283] : memref<10240x128xf32, #tpu.memory_space<vmem_shared>> -> memref<10240x128xf32, #tpu.memory_space<vmem_shared>>
        tpu.enqueue_indirect_dma source(%arg8 : memref<128x128xf32, #tpu.memory_space<vmem>>) target(%dma_start3A_284 : memref<10240x128xf32, #tpu.memory_space<vmem_shared>>) offsets(%dma_start3A_281 : memref<128xi32, #tpu.memory_space<vmem>>) semaphore(%run_scoped3A_278 : memref<!tpu.dma_semaphore, #tpu.memory_space<semaphore_mem>>) {add = true}
        %dma_wait3A_285 = arith.constant 0 : i32
        %dma_wait3A_286 = tpu.memref_slice %arg7[%run_scoped3A_100, %dma_wait3A_285] : memref<16x128xi32, #tpu.memory_space<vmem>> -> memref<1x128xi32, #tpu.memory_space<vmem>>
        %dma_wait3A_287 = tpu.memref_squeeze %dma_wait3A_286 : memref<1x128xi32, #tpu.memory_space<vmem>> -> memref<128xi32, #tpu.memory_space<vmem>>
        %dma_wait3A_288 = arith.constant 0 : i32
        %dma_wait3A_289 = arith.constant 0 : i32
        %dma_wait3A_290 = tpu.memref_slice %arg10[%dma_wait3A_288, %dma_wait3A_289] : memref<10240x128xf32, #tpu.memory_space<vmem_shared>> -> memref<10240x128xf32, #tpu.memory_space<vmem_shared>>
        tpu.wait_indirect_dma semaphore(%run_scoped3A_278 : memref<!tpu.dma_semaphore, #tpu.memory_space<semaphore_mem>>) src(%arg8 : memref<128x128xf32, #tpu.memory_space<vmem>>) dst(%dma_wait3A_290 : memref<10240x128xf32, #tpu.memory_space<vmem_shared>>)
        tpu.yield
      }) : () -> ()
      %add3A_101 = arith.constant 4 : i32
      %add3A_102 = arith.addi %mul3A_14, %add3A_101 : i32
      %add3A_103 = arith.constant 2 : i32
      %add3A_104 = arith.addi %add3A_102, %add3A_103 : i32
      %dma_start3A_105 = arith.constant 0 : i32
      %dma_start3A_106 = tpu.memref_slice %arg6[%add3A_104, %dma_start3A_105] : memref<80x128xi32, #tpu.memory_space<vmem>> -> memref<1x128xi32, #tpu.memory_space<vmem>>
      %dma_start3A_107 = tpu.memref_squeeze %dma_start3A_106 : memref<1x128xi32, #tpu.memory_space<vmem>> -> memref<128xi32, #tpu.memory_space<vmem>>
      %dma_start3A_108 = arith.constant 0 : i32
      %dma_start3A_109 = arith.constant 0 : i32
      %dma_start3A_110 = tpu.memref_slice %arg2[%dma_start3A_108, %dma_start3A_109] : memref<20480x128xf32, #tpu.memory_space<hbm>> -> memref<20480x128xf32, #tpu.memory_space<hbm>>
      tpu.enqueue_indirect_dma source(%dma_start3A_110 : memref<20480x128xf32, #tpu.memory_space<hbm>>) target(%arg8 : memref<128x128xf32, #tpu.memory_space<vmem>>) offsets(%dma_start3A_107 : memref<128xi32, #tpu.memory_space<vmem>>) semaphore(%arg11 : memref<!tpu.dma_semaphore, #tpu.memory_space<semaphore_mem>>)
      %dma_wait3A_111 = arith.constant 0 : i32
      %dma_wait3A_112 = tpu.memref_slice %arg6[%add3A_87, %dma_wait3A_111] : memref<80x128xi32, #tpu.memory_space<vmem>> -> memref<1x128xi32, #tpu.memory_space<vmem>>
      %dma_wait3A_113 = tpu.memref_squeeze %dma_wait3A_112 : memref<1x128xi32, #tpu.memory_space<vmem>> -> memref<128xi32, #tpu.memory_space<vmem>>
      %dma_wait3A_114 = arith.constant 0 : i32
      %dma_wait3A_115 = arith.constant 0 : i32
      %dma_wait3A_116 = tpu.memref_slice %arg2[%dma_wait3A_114, %dma_wait3A_115] : memref<20480x128xf32, #tpu.memory_space<hbm>> -> memref<20480x128xf32, #tpu.memory_space<hbm>>
      tpu.wait_indirect_dma semaphore(%arg12 : memref<!tpu.dma_semaphore, #tpu.memory_space<semaphore_mem>>) src(%dma_wait3A_116 : memref<20480x128xf32, #tpu.memory_space<hbm>>) dst(%arg9 : memref<128x128xf32, #tpu.memory_space<vmem>>)
      %run_scoped3A_117 = arith.constant 5 : i32
      "tpu.region"() ({
        %run_scoped3A_278 = tpu.sem_alloc : memref<!tpu.dma_semaphore, #tpu.memory_space<semaphore_mem>>
        %dma_start3A_279 = arith.constant 0 : i32
        %dma_start3A_280 = tpu.memref_slice %arg7[%run_scoped3A_117, %dma_start3A_279] : memref<16x128xi32, #tpu.memory_space<vmem>> -> memref<1x128xi32, #tpu.memory_space<vmem>>
        %dma_start3A_281 = tpu.memref_squeeze %dma_start3A_280 : memref<1x128xi32, #tpu.memory_space<vmem>> -> memref<128xi32, #tpu.memory_space<vmem>>
        %dma_start3A_282 = arith.constant 0 : i32
        %dma_start3A_283 = arith.constant 0 : i32
        %dma_start3A_284 = tpu.memref_slice %arg10[%dma_start3A_282, %dma_start3A_283] : memref<10240x128xf32, #tpu.memory_space<vmem_shared>> -> memref<10240x128xf32, #tpu.memory_space<vmem_shared>>
        tpu.enqueue_indirect_dma source(%arg9 : memref<128x128xf32, #tpu.memory_space<vmem>>) target(%dma_start3A_284 : memref<10240x128xf32, #tpu.memory_space<vmem_shared>>) offsets(%dma_start3A_281 : memref<128xi32, #tpu.memory_space<vmem>>) semaphore(%run_scoped3A_278 : memref<!tpu.dma_semaphore, #tpu.memory_space<semaphore_mem>>) {add = true}
        %dma_wait3A_285 = arith.constant 0 : i32
        %dma_wait3A_286 = tpu.memref_slice %arg7[%run_scoped3A_117, %dma_wait3A_285] : memref<16x128xi32, #tpu.memory_space<vmem>> -> memref<1x128xi32, #tpu.memory_space<vmem>>
        %dma_wait3A_287 = tpu.memref_squeeze %dma_wait3A_286 : memref<1x128xi32, #tpu.memory_space<vmem>> -> memref<128xi32, #tpu.memory_space<vmem>>
        %dma_wait3A_288 = arith.constant 0 : i32
        %dma_wait3A_289 = arith.constant 0 : i32
        %dma_wait3A_290 = tpu.memref_slice %arg10[%dma_wait3A_288, %dma_wait3A_289] : memref<10240x128xf32, #tpu.memory_space<vmem_shared>> -> memref<10240x128xf32, #tpu.memory_space<vmem_shared>>
        tpu.wait_indirect_dma semaphore(%run_scoped3A_278 : memref<!tpu.dma_semaphore, #tpu.memory_space<semaphore_mem>>) src(%arg9 : memref<128x128xf32, #tpu.memory_space<vmem>>) dst(%dma_wait3A_290 : memref<10240x128xf32, #tpu.memory_space<vmem_shared>>)
        tpu.yield
      }) : () -> ()
      %add3A_118 = arith.constant 5 : i32
      %add3A_119 = arith.addi %mul3A_14, %add3A_118 : i32
      %add3A_120 = arith.constant 2 : i32
      %add3A_121 = arith.addi %add3A_119, %add3A_120 : i32
      %dma_start3A_122 = arith.constant 0 : i32
      %dma_start3A_123 = tpu.memref_slice %arg6[%add3A_121, %dma_start3A_122] : memref<80x128xi32, #tpu.memory_space<vmem>> -> memref<1x128xi32, #tpu.memory_space<vmem>>
      %dma_start3A_124 = tpu.memref_squeeze %dma_start3A_123 : memref<1x128xi32, #tpu.memory_space<vmem>> -> memref<128xi32, #tpu.memory_space<vmem>>
      %dma_start3A_125 = arith.constant 0 : i32
      %dma_start3A_126 = arith.constant 0 : i32
      %dma_start3A_127 = tpu.memref_slice %arg2[%dma_start3A_125, %dma_start3A_126] : memref<20480x128xf32, #tpu.memory_space<hbm>> -> memref<20480x128xf32, #tpu.memory_space<hbm>>
      tpu.enqueue_indirect_dma source(%dma_start3A_127 : memref<20480x128xf32, #tpu.memory_space<hbm>>) target(%arg9 : memref<128x128xf32, #tpu.memory_space<vmem>>) offsets(%dma_start3A_124 : memref<128xi32, #tpu.memory_space<vmem>>) semaphore(%arg12 : memref<!tpu.dma_semaphore, #tpu.memory_space<semaphore_mem>>)
      %dma_wait3A_128 = arith.constant 0 : i32
      %dma_wait3A_129 = tpu.memref_slice %arg6[%add3A_104, %dma_wait3A_128] : memref<80x128xi32, #tpu.memory_space<vmem>> -> memref<1x128xi32, #tpu.memory_space<vmem>>
      %dma_wait3A_130 = tpu.memref_squeeze %dma_wait3A_129 : memref<1x128xi32, #tpu.memory_space<vmem>> -> memref<128xi32, #tpu.memory_space<vmem>>
      %dma_wait3A_131 = arith.constant 0 : i32
      %dma_wait3A_132 = arith.constant 0 : i32
      %dma_wait3A_133 = tpu.memref_slice %arg2[%dma_wait3A_131, %dma_wait3A_132] : memref<20480x128xf32, #tpu.memory_space<hbm>> -> memref<20480x128xf32, #tpu.memory_space<hbm>>
      tpu.wait_indirect_dma semaphore(%arg11 : memref<!tpu.dma_semaphore, #tpu.memory_space<semaphore_mem>>) src(%dma_wait3A_133 : memref<20480x128xf32, #tpu.memory_space<hbm>>) dst(%arg8 : memref<128x128xf32, #tpu.memory_space<vmem>>)
      %run_scoped3A_134 = arith.constant 6 : i32
      "tpu.region"() ({
        %run_scoped3A_278 = tpu.sem_alloc : memref<!tpu.dma_semaphore, #tpu.memory_space<semaphore_mem>>
        %dma_start3A_279 = arith.constant 0 : i32
        %dma_start3A_280 = tpu.memref_slice %arg7[%run_scoped3A_134, %dma_start3A_279] : memref<16x128xi32, #tpu.memory_space<vmem>> -> memref<1x128xi32, #tpu.memory_space<vmem>>
        %dma_start3A_281 = tpu.memref_squeeze %dma_start3A_280 : memref<1x128xi32, #tpu.memory_space<vmem>> -> memref<128xi32, #tpu.memory_space<vmem>>
        %dma_start3A_282 = arith.constant 0 : i32
        %dma_start3A_283 = arith.constant 0 : i32
        %dma_start3A_284 = tpu.memref_slice %arg10[%dma_start3A_282, %dma_start3A_283] : memref<10240x128xf32, #tpu.memory_space<vmem_shared>> -> memref<10240x128xf32, #tpu.memory_space<vmem_shared>>
        tpu.enqueue_indirect_dma source(%arg8 : memref<128x128xf32, #tpu.memory_space<vmem>>) target(%dma_start3A_284 : memref<10240x128xf32, #tpu.memory_space<vmem_shared>>) offsets(%dma_start3A_281 : memref<128xi32, #tpu.memory_space<vmem>>) semaphore(%run_scoped3A_278 : memref<!tpu.dma_semaphore, #tpu.memory_space<semaphore_mem>>) {add = true}
        %dma_wait3A_285 = arith.constant 0 : i32
        %dma_wait3A_286 = tpu.memref_slice %arg7[%run_scoped3A_134, %dma_wait3A_285] : memref<16x128xi32, #tpu.memory_space<vmem>> -> memref<1x128xi32, #tpu.memory_space<vmem>>
        %dma_wait3A_287 = tpu.memref_squeeze %dma_wait3A_286 : memref<1x128xi32, #tpu.memory_space<vmem>> -> memref<128xi32, #tpu.memory_space<vmem>>
        %dma_wait3A_288 = arith.constant 0 : i32
        %dma_wait3A_289 = arith.constant 0 : i32
        %dma_wait3A_290 = tpu.memref_slice %arg10[%dma_wait3A_288, %dma_wait3A_289] : memref<10240x128xf32, #tpu.memory_space<vmem_shared>> -> memref<10240x128xf32, #tpu.memory_space<vmem_shared>>
        tpu.wait_indirect_dma semaphore(%run_scoped3A_278 : memref<!tpu.dma_semaphore, #tpu.memory_space<semaphore_mem>>) src(%arg8 : memref<128x128xf32, #tpu.memory_space<vmem>>) dst(%dma_wait3A_290 : memref<10240x128xf32, #tpu.memory_space<vmem_shared>>)
        tpu.yield
      }) : () -> ()
      %add3A_135 = arith.constant 6 : i32
      %add3A_136 = arith.addi %mul3A_14, %add3A_135 : i32
      %add3A_137 = arith.constant 2 : i32
      %add3A_138 = arith.addi %add3A_136, %add3A_137 : i32
      %dma_start3A_139 = arith.constant 0 : i32
      %dma_start3A_140 = tpu.memref_slice %arg6[%add3A_138, %dma_start3A_139] : memref<80x128xi32, #tpu.memory_space<vmem>> -> memref<1x128xi32, #tpu.memory_space<vmem>>
      %dma_start3A_141 = tpu.memref_squeeze %dma_start3A_140 : memref<1x128xi32, #tpu.memory_space<vmem>> -> memref<128xi32, #tpu.memory_space<vmem>>
      %dma_start3A_142 = arith.constant 0 : i32
      %dma_start3A_143 = arith.constant 0 : i32
      %dma_start3A_144 = tpu.memref_slice %arg2[%dma_start3A_142, %dma_start3A_143] : memref<20480x128xf32, #tpu.memory_space<hbm>> -> memref<20480x128xf32, #tpu.memory_space<hbm>>
      tpu.enqueue_indirect_dma source(%dma_start3A_144 : memref<20480x128xf32, #tpu.memory_space<hbm>>) target(%arg8 : memref<128x128xf32, #tpu.memory_space<vmem>>) offsets(%dma_start3A_141 : memref<128xi32, #tpu.memory_space<vmem>>) semaphore(%arg11 : memref<!tpu.dma_semaphore, #tpu.memory_space<semaphore_mem>>)
      %dma_wait3A_145 = arith.constant 0 : i32
      %dma_wait3A_146 = tpu.memref_slice %arg6[%add3A_121, %dma_wait3A_145] : memref<80x128xi32, #tpu.memory_space<vmem>> -> memref<1x128xi32, #tpu.memory_space<vmem>>
      %dma_wait3A_147 = tpu.memref_squeeze %dma_wait3A_146 : memref<1x128xi32, #tpu.memory_space<vmem>> -> memref<128xi32, #tpu.memory_space<vmem>>
      %dma_wait3A_148 = arith.constant 0 : i32
      %dma_wait3A_149 = arith.constant 0 : i32
      %dma_wait3A_150 = tpu.memref_slice %arg2[%dma_wait3A_148, %dma_wait3A_149] : memref<20480x128xf32, #tpu.memory_space<hbm>> -> memref<20480x128xf32, #tpu.memory_space<hbm>>
      tpu.wait_indirect_dma semaphore(%arg12 : memref<!tpu.dma_semaphore, #tpu.memory_space<semaphore_mem>>) src(%dma_wait3A_150 : memref<20480x128xf32, #tpu.memory_space<hbm>>) dst(%arg9 : memref<128x128xf32, #tpu.memory_space<vmem>>)
      %run_scoped3A_151 = arith.constant 7 : i32
      "tpu.region"() ({
        %run_scoped3A_278 = tpu.sem_alloc : memref<!tpu.dma_semaphore, #tpu.memory_space<semaphore_mem>>
        %dma_start3A_279 = arith.constant 0 : i32
        %dma_start3A_280 = tpu.memref_slice %arg7[%run_scoped3A_151, %dma_start3A_279] : memref<16x128xi32, #tpu.memory_space<vmem>> -> memref<1x128xi32, #tpu.memory_space<vmem>>
        %dma_start3A_281 = tpu.memref_squeeze %dma_start3A_280 : memref<1x128xi32, #tpu.memory_space<vmem>> -> memref<128xi32, #tpu.memory_space<vmem>>
        %dma_start3A_282 = arith.constant 0 : i32
        %dma_start3A_283 = arith.constant 0 : i32
        %dma_start3A_284 = tpu.memref_slice %arg10[%dma_start3A_282, %dma_start3A_283] : memref<10240x128xf32, #tpu.memory_space<vmem_shared>> -> memref<10240x128xf32, #tpu.memory_space<vmem_shared>>
        tpu.enqueue_indirect_dma source(%arg9 : memref<128x128xf32, #tpu.memory_space<vmem>>) target(%dma_start3A_284 : memref<10240x128xf32, #tpu.memory_space<vmem_shared>>) offsets(%dma_start3A_281 : memref<128xi32, #tpu.memory_space<vmem>>) semaphore(%run_scoped3A_278 : memref<!tpu.dma_semaphore, #tpu.memory_space<semaphore_mem>>) {add = true}
        %dma_wait3A_285 = arith.constant 0 : i32
        %dma_wait3A_286 = tpu.memref_slice %arg7[%run_scoped3A_151, %dma_wait3A_285] : memref<16x128xi32, #tpu.memory_space<vmem>> -> memref<1x128xi32, #tpu.memory_space<vmem>>
        %dma_wait3A_287 = tpu.memref_squeeze %dma_wait3A_286 : memref<1x128xi32, #tpu.memory_space<vmem>> -> memref<128xi32, #tpu.memory_space<vmem>>
        %dma_wait3A_288 = arith.constant 0 : i32
        %dma_wait3A_289 = arith.constant 0 : i32
        %dma_wait3A_290 = tpu.memref_slice %arg10[%dma_wait3A_288, %dma_wait3A_289] : memref<10240x128xf32, #tpu.memory_space<vmem_shared>> -> memref<10240x128xf32, #tpu.memory_space<vmem_shared>>
        tpu.wait_indirect_dma semaphore(%run_scoped3A_278 : memref<!tpu.dma_semaphore, #tpu.memory_space<semaphore_mem>>) src(%arg9 : memref<128x128xf32, #tpu.memory_space<vmem>>) dst(%dma_wait3A_290 : memref<10240x128xf32, #tpu.memory_space<vmem_shared>>)
        tpu.yield
      }) : () -> ()
      %add3A_152 = arith.constant 7 : i32
      %add3A_153 = arith.addi %mul3A_14, %add3A_152 : i32
      %add3A_154 = arith.constant 2 : i32
      %add3A_155 = arith.addi %add3A_153, %add3A_154 : i32
      %dma_start3A_156 = arith.constant 0 : i32
      %dma_start3A_157 = tpu.memref_slice %arg6[%add3A_155, %dma_start3A_156] : memref<80x128xi32, #tpu.memory_space<vmem>> -> memref<1x128xi32, #tpu.memory_space<vmem>>
      %dma_start3A_158 = tpu.memref_squeeze %dma_start3A_157 : memref<1x128xi32, #tpu.memory_space<vmem>> -> memref<128xi32, #tpu.memory_space<vmem>>
      %dma_start3A_159 = arith.constant 0 : i32
      %dma_start3A_160 = arith.constant 0 : i32
      %dma_start3A_161 = tpu.memref_slice %arg2[%dma_start3A_159, %dma_start3A_160] : memref<20480x128xf32, #tpu.memory_space<hbm>> -> memref<20480x128xf32, #tpu.memory_space<hbm>>
      tpu.enqueue_indirect_dma source(%dma_start3A_161 : memref<20480x128xf32, #tpu.memory_space<hbm>>) target(%arg9 : memref<128x128xf32, #tpu.memory_space<vmem>>) offsets(%dma_start3A_158 : memref<128xi32, #tpu.memory_space<vmem>>) semaphore(%arg12 : memref<!tpu.dma_semaphore, #tpu.memory_space<semaphore_mem>>)
      %dma_wait3A_162 = arith.constant 0 : i32
      %dma_wait3A_163 = tpu.memref_slice %arg6[%add3A_138, %dma_wait3A_162] : memref<80x128xi32, #tpu.memory_space<vmem>> -> memref<1x128xi32, #tpu.memory_space<vmem>>
      %dma_wait3A_164 = tpu.memref_squeeze %dma_wait3A_163 : memref<1x128xi32, #tpu.memory_space<vmem>> -> memref<128xi32, #tpu.memory_space<vmem>>
      %dma_wait3A_165 = arith.constant 0 : i32
      %dma_wait3A_166 = arith.constant 0 : i32
      %dma_wait3A_167 = tpu.memref_slice %arg2[%dma_wait3A_165, %dma_wait3A_166] : memref<20480x128xf32, #tpu.memory_space<hbm>> -> memref<20480x128xf32, #tpu.memory_space<hbm>>
      tpu.wait_indirect_dma semaphore(%arg11 : memref<!tpu.dma_semaphore, #tpu.memory_space<semaphore_mem>>) src(%dma_wait3A_167 : memref<20480x128xf32, #tpu.memory_space<hbm>>) dst(%arg8 : memref<128x128xf32, #tpu.memory_space<vmem>>)
      %run_scoped3A_168 = arith.constant 8 : i32
      "tpu.region"() ({
        %run_scoped3A_278 = tpu.sem_alloc : memref<!tpu.dma_semaphore, #tpu.memory_space<semaphore_mem>>
        %dma_start3A_279 = arith.constant 0 : i32
        %dma_start3A_280 = tpu.memref_slice %arg7[%run_scoped3A_168, %dma_start3A_279] : memref<16x128xi32, #tpu.memory_space<vmem>> -> memref<1x128xi32, #tpu.memory_space<vmem>>
        %dma_start3A_281 = tpu.memref_squeeze %dma_start3A_280 : memref<1x128xi32, #tpu.memory_space<vmem>> -> memref<128xi32, #tpu.memory_space<vmem>>
        %dma_start3A_282 = arith.constant 0 : i32
        %dma_start3A_283 = arith.constant 0 : i32
        %dma_start3A_284 = tpu.memref_slice %arg10[%dma_start3A_282, %dma_start3A_283] : memref<10240x128xf32, #tpu.memory_space<vmem_shared>> -> memref<10240x128xf32, #tpu.memory_space<vmem_shared>>
        tpu.enqueue_indirect_dma source(%arg8 : memref<128x128xf32, #tpu.memory_space<vmem>>) target(%dma_start3A_284 : memref<10240x128xf32, #tpu.memory_space<vmem_shared>>) offsets(%dma_start3A_281 : memref<128xi32, #tpu.memory_space<vmem>>) semaphore(%run_scoped3A_278 : memref<!tpu.dma_semaphore, #tpu.memory_space<semaphore_mem>>) {add = true}
        %dma_wait3A_285 = arith.constant 0 : i32
        %dma_wait3A_286 = tpu.memref_slice %arg7[%run_scoped3A_168, %dma_wait3A_285] : memref<16x128xi32, #tpu.memory_space<vmem>> -> memref<1x128xi32, #tpu.memory_space<vmem>>
        %dma_wait3A_287 = tpu.memref_squeeze %dma_wait3A_286 : memref<1x128xi32, #tpu.memory_space<vmem>> -> memref<128xi32, #tpu.memory_space<vmem>>
        %dma_wait3A_288 = arith.constant 0 : i32
        %dma_wait3A_289 = arith.constant 0 : i32
        %dma_wait3A_290 = tpu.memref_slice %arg10[%dma_wait3A_288, %dma_wait3A_289] : memref<10240x128xf32, #tpu.memory_space<vmem_shared>> -> memref<10240x128xf32, #tpu.memory_space<vmem_shared>>
        tpu.wait_indirect_dma semaphore(%run_scoped3A_278 : memref<!tpu.dma_semaphore, #tpu.memory_space<semaphore_mem>>) src(%arg8 : memref<128x128xf32, #tpu.memory_space<vmem>>) dst(%dma_wait3A_290 : memref<10240x128xf32, #tpu.memory_space<vmem_shared>>)
        tpu.yield
      }) : () -> ()
      %add3A_169 = arith.constant 8 : i32
      %add3A_170 = arith.addi %mul3A_14, %add3A_169 : i32
      %add3A_171 = arith.constant 2 : i32
      %add3A_172 = arith.addi %add3A_170, %add3A_171 : i32
      %dma_start3A_173 = arith.constant 0 : i32
      %dma_start3A_174 = tpu.memref_slice %arg6[%add3A_172, %dma_start3A_173] : memref<80x128xi32, #tpu.memory_space<vmem>> -> memref<1x128xi32, #tpu.memory_space<vmem>>
      %dma_start3A_175 = tpu.memref_squeeze %dma_start3A_174 : memref<1x128xi32, #tpu.memory_space<vmem>> -> memref<128xi32, #tpu.memory_space<vmem>>
      %dma_start3A_176 = arith.constant 0 : i32
      %dma_start3A_177 = arith.constant 0 : i32
      %dma_start3A_178 = tpu.memref_slice %arg2[%dma_start3A_176, %dma_start3A_177] : memref<20480x128xf32, #tpu.memory_space<hbm>> -> memref<20480x128xf32, #tpu.memory_space<hbm>>
      tpu.enqueue_indirect_dma source(%dma_start3A_178 : memref<20480x128xf32, #tpu.memory_space<hbm>>) target(%arg8 : memref<128x128xf32, #tpu.memory_space<vmem>>) offsets(%dma_start3A_175 : memref<128xi32, #tpu.memory_space<vmem>>) semaphore(%arg11 : memref<!tpu.dma_semaphore, #tpu.memory_space<semaphore_mem>>)
      %dma_wait3A_179 = arith.constant 0 : i32
      %dma_wait3A_180 = tpu.memref_slice %arg6[%add3A_155, %dma_wait3A_179] : memref<80x128xi32, #tpu.memory_space<vmem>> -> memref<1x128xi32, #tpu.memory_space<vmem>>
      %dma_wait3A_181 = tpu.memref_squeeze %dma_wait3A_180 : memref<1x128xi32, #tpu.memory_space<vmem>> -> memref<128xi32, #tpu.memory_space<vmem>>
      %dma_wait3A_182 = arith.constant 0 : i32
      %dma_wait3A_183 = arith.constant 0 : i32
      %dma_wait3A_184 = tpu.memref_slice %arg2[%dma_wait3A_182, %dma_wait3A_183] : memref<20480x128xf32, #tpu.memory_space<hbm>> -> memref<20480x128xf32, #tpu.memory_space<hbm>>
      tpu.wait_indirect_dma semaphore(%arg12 : memref<!tpu.dma_semaphore, #tpu.memory_space<semaphore_mem>>) src(%dma_wait3A_184 : memref<20480x128xf32, #tpu.memory_space<hbm>>) dst(%arg9 : memref<128x128xf32, #tpu.memory_space<vmem>>)
      %run_scoped3A_185 = arith.constant 9 : i32
      "tpu.region"() ({
        %run_scoped3A_278 = tpu.sem_alloc : memref<!tpu.dma_semaphore, #tpu.memory_space<semaphore_mem>>
        %dma_start3A_279 = arith.constant 0 : i32
        %dma_start3A_280 = tpu.memref_slice %arg7[%run_scoped3A_185, %dma_start3A_279] : memref<16x128xi32, #tpu.memory_space<vmem>> -> memref<1x128xi32, #tpu.memory_space<vmem>>
        %dma_start3A_281 = tpu.memref_squeeze %dma_start3A_280 : memref<1x128xi32, #tpu.memory_space<vmem>> -> memref<128xi32, #tpu.memory_space<vmem>>
        %dma_start3A_282 = arith.constant 0 : i32
        %dma_start3A_283 = arith.constant 0 : i32
        %dma_start3A_284 = tpu.memref_slice %arg10[%dma_start3A_282, %dma_start3A_283] : memref<10240x128xf32, #tpu.memory_space<vmem_shared>> -> memref<10240x128xf32, #tpu.memory_space<vmem_shared>>
        tpu.enqueue_indirect_dma source(%arg9 : memref<128x128xf32, #tpu.memory_space<vmem>>) target(%dma_start3A_284 : memref<10240x128xf32, #tpu.memory_space<vmem_shared>>) offsets(%dma_start3A_281 : memref<128xi32, #tpu.memory_space<vmem>>) semaphore(%run_scoped3A_278 : memref<!tpu.dma_semaphore, #tpu.memory_space<semaphore_mem>>) {add = true}
        %dma_wait3A_285 = arith.constant 0 : i32
        %dma_wait3A_286 = tpu.memref_slice %arg7[%run_scoped3A_185, %dma_wait3A_285] : memref<16x128xi32, #tpu.memory_space<vmem>> -> memref<1x128xi32, #tpu.memory_space<vmem>>
        %dma_wait3A_287 = tpu.memref_squeeze %dma_wait3A_286 : memref<1x128xi32, #tpu.memory_space<vmem>> -> memref<128xi32, #tpu.memory_space<vmem>>
        %dma_wait3A_288 = arith.constant 0 : i32
        %dma_wait3A_289 = arith.constant 0 : i32
        %dma_wait3A_290 = tpu.memref_slice %arg10[%dma_wait3A_288, %dma_wait3A_289] : memref<10240x128xf32, #tpu.memory_space<vmem_shared>> -> memref<10240x128xf32, #tpu.memory_space<vmem_shared>>
        tpu.wait_indirect_dma semaphore(%run_scoped3A_278 : memref<!tpu.dma_semaphore, #tpu.memory_space<semaphore_mem>>) src(%arg9 : memref<128x128xf32, #tpu.memory_space<vmem>>) dst(%dma_wait3A_290 : memref<10240x128xf32, #tpu.memory_space<vmem_shared>>)
        tpu.yield
      }) : () -> ()
      %add3A_186 = arith.constant 9 : i32
      %add3A_187 = arith.addi %mul3A_14, %add3A_186 : i32
      %add3A_188 = arith.constant 2 : i32
      %add3A_189 = arith.addi %add3A_187, %add3A_188 : i32
      %dma_start3A_190 = arith.constant 0 : i32
      %dma_start3A_191 = tpu.memref_slice %arg6[%add3A_189, %dma_start3A_190] : memref<80x128xi32, #tpu.memory_space<vmem>> -> memref<1x128xi32, #tpu.memory_space<vmem>>
      %dma_start3A_192 = tpu.memref_squeeze %dma_start3A_191 : memref<1x128xi32, #tpu.memory_space<vmem>> -> memref<128xi32, #tpu.memory_space<vmem>>
      %dma_start3A_193 = arith.constant 0 : i32
      %dma_start3A_194 = arith.constant 0 : i32
      %dma_start3A_195 = tpu.memref_slice %arg2[%dma_start3A_193, %dma_start3A_194] : memref<20480x128xf32, #tpu.memory_space<hbm>> -> memref<20480x128xf32, #tpu.memory_space<hbm>>
      tpu.enqueue_indirect_dma source(%dma_start3A_195 : memref<20480x128xf32, #tpu.memory_space<hbm>>) target(%arg9 : memref<128x128xf32, #tpu.memory_space<vmem>>) offsets(%dma_start3A_192 : memref<128xi32, #tpu.memory_space<vmem>>) semaphore(%arg12 : memref<!tpu.dma_semaphore, #tpu.memory_space<semaphore_mem>>)
      %dma_wait3A_196 = arith.constant 0 : i32
      %dma_wait3A_197 = tpu.memref_slice %arg6[%add3A_172, %dma_wait3A_196] : memref<80x128xi32, #tpu.memory_space<vmem>> -> memref<1x128xi32, #tpu.memory_space<vmem>>
      %dma_wait3A_198 = tpu.memref_squeeze %dma_wait3A_197 : memref<1x128xi32, #tpu.memory_space<vmem>> -> memref<128xi32, #tpu.memory_space<vmem>>
      %dma_wait3A_199 = arith.constant 0 : i32
      %dma_wait3A_200 = arith.constant 0 : i32
      %dma_wait3A_201 = tpu.memref_slice %arg2[%dma_wait3A_199, %dma_wait3A_200] : memref<20480x128xf32, #tpu.memory_space<hbm>> -> memref<20480x128xf32, #tpu.memory_space<hbm>>
      tpu.wait_indirect_dma semaphore(%arg11 : memref<!tpu.dma_semaphore, #tpu.memory_space<semaphore_mem>>) src(%dma_wait3A_201 : memref<20480x128xf32, #tpu.memory_space<hbm>>) dst(%arg8 : memref<128x128xf32, #tpu.memory_space<vmem>>)
      %run_scoped3A_202 = arith.constant 10 : i32
      "tpu.region"() ({
        %run_scoped3A_278 = tpu.sem_alloc : memref<!tpu.dma_semaphore, #tpu.memory_space<semaphore_mem>>
        %dma_start3A_279 = arith.constant 0 : i32
        %dma_start3A_280 = tpu.memref_slice %arg7[%run_scoped3A_202, %dma_start3A_279] : memref<16x128xi32, #tpu.memory_space<vmem>> -> memref<1x128xi32, #tpu.memory_space<vmem>>
        %dma_start3A_281 = tpu.memref_squeeze %dma_start3A_280 : memref<1x128xi32, #tpu.memory_space<vmem>> -> memref<128xi32, #tpu.memory_space<vmem>>
        %dma_start3A_282 = arith.constant 0 : i32
        %dma_start3A_283 = arith.constant 0 : i32
        %dma_start3A_284 = tpu.memref_slice %arg10[%dma_start3A_282, %dma_start3A_283] : memref<10240x128xf32, #tpu.memory_space<vmem_shared>> -> memref<10240x128xf32, #tpu.memory_space<vmem_shared>>
        tpu.enqueue_indirect_dma source(%arg8 : memref<128x128xf32, #tpu.memory_space<vmem>>) target(%dma_start3A_284 : memref<10240x128xf32, #tpu.memory_space<vmem_shared>>) offsets(%dma_start3A_281 : memref<128xi32, #tpu.memory_space<vmem>>) semaphore(%run_scoped3A_278 : memref<!tpu.dma_semaphore, #tpu.memory_space<semaphore_mem>>) {add = true}
        %dma_wait3A_285 = arith.constant 0 : i32
        %dma_wait3A_286 = tpu.memref_slice %arg7[%run_scoped3A_202, %dma_wait3A_285] : memref<16x128xi32, #tpu.memory_space<vmem>> -> memref<1x128xi32, #tpu.memory_space<vmem>>
        %dma_wait3A_287 = tpu.memref_squeeze %dma_wait3A_286 : memref<1x128xi32, #tpu.memory_space<vmem>> -> memref<128xi32, #tpu.memory_space<vmem>>
        %dma_wait3A_288 = arith.constant 0 : i32
        %dma_wait3A_289 = arith.constant 0 : i32
        %dma_wait3A_290 = tpu.memref_slice %arg10[%dma_wait3A_288, %dma_wait3A_289] : memref<10240x128xf32, #tpu.memory_space<vmem_shared>> -> memref<10240x128xf32, #tpu.memory_space<vmem_shared>>
        tpu.wait_indirect_dma semaphore(%run_scoped3A_278 : memref<!tpu.dma_semaphore, #tpu.memory_space<semaphore_mem>>) src(%arg8 : memref<128x128xf32, #tpu.memory_space<vmem>>) dst(%dma_wait3A_290 : memref<10240x128xf32, #tpu.memory_space<vmem_shared>>)
        tpu.yield
      }) : () -> ()
      %add3A_203 = arith.constant 10 : i32
      %add3A_204 = arith.addi %mul3A_14, %add3A_203 : i32
      %add3A_205 = arith.constant 2 : i32
      %add3A_206 = arith.addi %add3A_204, %add3A_205 : i32
      %dma_start3A_207 = arith.constant 0 : i32
      %dma_start3A_208 = tpu.memref_slice %arg6[%add3A_206, %dma_start3A_207] : memref<80x128xi32, #tpu.memory_space<vmem>> -> memref<1x128xi32, #tpu.memory_space<vmem>>
      %dma_start3A_209 = tpu.memref_squeeze %dma_start3A_208 : memref<1x128xi32, #tpu.memory_space<vmem>> -> memref<128xi32, #tpu.memory_space<vmem>>
      %dma_start3A_210 = arith.constant 0 : i32
      %dma_start3A_211 = arith.constant 0 : i32
      %dma_start3A_212 = tpu.memref_slice %arg2[%dma_start3A_210, %dma_start3A_211] : memref<20480x128xf32, #tpu.memory_space<hbm>> -> memref<20480x128xf32, #tpu.memory_space<hbm>>
      tpu.enqueue_indirect_dma source(%dma_start3A_212 : memref<20480x128xf32, #tpu.memory_space<hbm>>) target(%arg8 : memref<128x128xf32, #tpu.memory_space<vmem>>) offsets(%dma_start3A_209 : memref<128xi32, #tpu.memory_space<vmem>>) semaphore(%arg11 : memref<!tpu.dma_semaphore, #tpu.memory_space<semaphore_mem>>)
      %dma_wait3A_213 = arith.constant 0 : i32
      %dma_wait3A_214 = tpu.memref_slice %arg6[%add3A_189, %dma_wait3A_213] : memref<80x128xi32, #tpu.memory_space<vmem>> -> memref<1x128xi32, #tpu.memory_space<vmem>>
      %dma_wait3A_215 = tpu.memref_squeeze %dma_wait3A_214 : memref<1x128xi32, #tpu.memory_space<vmem>> -> memref<128xi32, #tpu.memory_space<vmem>>
      %dma_wait3A_216 = arith.constant 0 : i32
      %dma_wait3A_217 = arith.constant 0 : i32
      %dma_wait3A_218 = tpu.memref_slice %arg2[%dma_wait3A_216, %dma_wait3A_217] : memref<20480x128xf32, #tpu.memory_space<hbm>> -> memref<20480x128xf32, #tpu.memory_space<hbm>>
      tpu.wait_indirect_dma semaphore(%arg12 : memref<!tpu.dma_semaphore, #tpu.memory_space<semaphore_mem>>) src(%dma_wait3A_218 : memref<20480x128xf32, #tpu.memory_space<hbm>>) dst(%arg9 : memref<128x128xf32, #tpu.memory_space<vmem>>)
      %run_scoped3A_219 = arith.constant 11 : i32
      "tpu.region"() ({
        %run_scoped3A_278 = tpu.sem_alloc : memref<!tpu.dma_semaphore, #tpu.memory_space<semaphore_mem>>
        %dma_start3A_279 = arith.constant 0 : i32
        %dma_start3A_280 = tpu.memref_slice %arg7[%run_scoped3A_219, %dma_start3A_279] : memref<16x128xi32, #tpu.memory_space<vmem>> -> memref<1x128xi32, #tpu.memory_space<vmem>>
        %dma_start3A_281 = tpu.memref_squeeze %dma_start3A_280 : memref<1x128xi32, #tpu.memory_space<vmem>> -> memref<128xi32, #tpu.memory_space<vmem>>
        %dma_start3A_282 = arith.constant 0 : i32
        %dma_start3A_283 = arith.constant 0 : i32
        %dma_start3A_284 = tpu.memref_slice %arg10[%dma_start3A_282, %dma_start3A_283] : memref<10240x128xf32, #tpu.memory_space<vmem_shared>> -> memref<10240x128xf32, #tpu.memory_space<vmem_shared>>
        tpu.enqueue_indirect_dma source(%arg9 : memref<128x128xf32, #tpu.memory_space<vmem>>) target(%dma_start3A_284 : memref<10240x128xf32, #tpu.memory_space<vmem_shared>>) offsets(%dma_start3A_281 : memref<128xi32, #tpu.memory_space<vmem>>) semaphore(%run_scoped3A_278 : memref<!tpu.dma_semaphore, #tpu.memory_space<semaphore_mem>>) {add = true}
        %dma_wait3A_285 = arith.constant 0 : i32
        %dma_wait3A_286 = tpu.memref_slice %arg7[%run_scoped3A_219, %dma_wait3A_285] : memref<16x128xi32, #tpu.memory_space<vmem>> -> memref<1x128xi32, #tpu.memory_space<vmem>>
        %dma_wait3A_287 = tpu.memref_squeeze %dma_wait3A_286 : memref<1x128xi32, #tpu.memory_space<vmem>> -> memref<128xi32, #tpu.memory_space<vmem>>
        %dma_wait3A_288 = arith.constant 0 : i32
        %dma_wait3A_289 = arith.constant 0 : i32
        %dma_wait3A_290 = tpu.memref_slice %arg10[%dma_wait3A_288, %dma_wait3A_289] : memref<10240x128xf32, #tpu.memory_space<vmem_shared>> -> memref<10240x128xf32, #tpu.memory_space<vmem_shared>>
        tpu.wait_indirect_dma semaphore(%run_scoped3A_278 : memref<!tpu.dma_semaphore, #tpu.memory_space<semaphore_mem>>) src(%arg9 : memref<128x128xf32, #tpu.memory_space<vmem>>) dst(%dma_wait3A_290 : memref<10240x128xf32, #tpu.memory_space<vmem_shared>>)
        tpu.yield
      }) : () -> ()
      %add3A_220 = arith.constant 11 : i32
      %add3A_221 = arith.addi %mul3A_14, %add3A_220 : i32
      %add3A_222 = arith.constant 2 : i32
      %add3A_223 = arith.addi %add3A_221, %add3A_222 : i32
      %dma_start3A_224 = arith.constant 0 : i32
      %dma_start3A_225 = tpu.memref_slice %arg6[%add3A_223, %dma_start3A_224] : memref<80x128xi32, #tpu.memory_space<vmem>> -> memref<1x128xi32, #tpu.memory_space<vmem>>
      %dma_start3A_226 = tpu.memref_squeeze %dma_start3A_225 : memref<1x128xi32, #tpu.memory_space<vmem>> -> memref<128xi32, #tpu.memory_space<vmem>>
      %dma_start3A_227 = arith.constant 0 : i32
      %dma_start3A_228 = arith.constant 0 : i32
      %dma_start3A_229 = tpu.memref_slice %arg2[%dma_start3A_227, %dma_start3A_228] : memref<20480x128xf32, #tpu.memory_space<hbm>> -> memref<20480x128xf32, #tpu.memory_space<hbm>>
      tpu.enqueue_indirect_dma source(%dma_start3A_229 : memref<20480x128xf32, #tpu.memory_space<hbm>>) target(%arg9 : memref<128x128xf32, #tpu.memory_space<vmem>>) offsets(%dma_start3A_226 : memref<128xi32, #tpu.memory_space<vmem>>) semaphore(%arg12 : memref<!tpu.dma_semaphore, #tpu.memory_space<semaphore_mem>>)
      %dma_wait3A_230 = arith.constant 0 : i32
      %dma_wait3A_231 = tpu.memref_slice %arg6[%add3A_206, %dma_wait3A_230] : memref<80x128xi32, #tpu.memory_space<vmem>> -> memref<1x128xi32, #tpu.memory_space<vmem>>
      %dma_wait3A_232 = tpu.memref_squeeze %dma_wait3A_231 : memref<1x128xi32, #tpu.memory_space<vmem>> -> memref<128xi32, #tpu.memory_space<vmem>>
      %dma_wait3A_233 = arith.constant 0 : i32
      %dma_wait3A_234 = arith.constant 0 : i32
      %dma_wait3A_235 = tpu.memref_slice %arg2[%dma_wait3A_233, %dma_wait3A_234] : memref<20480x128xf32, #tpu.memory_space<hbm>> -> memref<20480x128xf32, #tpu.memory_space<hbm>>
      tpu.wait_indirect_dma semaphore(%arg11 : memref<!tpu.dma_semaphore, #tpu.memory_space<semaphore_mem>>) src(%dma_wait3A_235 : memref<20480x128xf32, #tpu.memory_space<hbm>>) dst(%arg8 : memref<128x128xf32, #tpu.memory_space<vmem>>)
      %run_scoped3A_236 = arith.constant 12 : i32
      "tpu.region"() ({
        %run_scoped3A_278 = tpu.sem_alloc : memref<!tpu.dma_semaphore, #tpu.memory_space<semaphore_mem>>
        %dma_start3A_279 = arith.constant 0 : i32
        %dma_start3A_280 = tpu.memref_slice %arg7[%run_scoped3A_236, %dma_start3A_279] : memref<16x128xi32, #tpu.memory_space<vmem>> -> memref<1x128xi32, #tpu.memory_space<vmem>>
        %dma_start3A_281 = tpu.memref_squeeze %dma_start3A_280 : memref<1x128xi32, #tpu.memory_space<vmem>> -> memref<128xi32, #tpu.memory_space<vmem>>
        %dma_start3A_282 = arith.constant 0 : i32
        %dma_start3A_283 = arith.constant 0 : i32
        %dma_start3A_284 = tpu.memref_slice %arg10[%dma_start3A_282, %dma_start3A_283] : memref<10240x128xf32, #tpu.memory_space<vmem_shared>> -> memref<10240x128xf32, #tpu.memory_space<vmem_shared>>
        tpu.enqueue_indirect_dma source(%arg8 : memref<128x128xf32, #tpu.memory_space<vmem>>) target(%dma_start3A_284 : memref<10240x128xf32, #tpu.memory_space<vmem_shared>>) offsets(%dma_start3A_281 : memref<128xi32, #tpu.memory_space<vmem>>) semaphore(%run_scoped3A_278 : memref<!tpu.dma_semaphore, #tpu.memory_space<semaphore_mem>>) {add = true}
        %dma_wait3A_285 = arith.constant 0 : i32
        %dma_wait3A_286 = tpu.memref_slice %arg7[%run_scoped3A_236, %dma_wait3A_285] : memref<16x128xi32, #tpu.memory_space<vmem>> -> memref<1x128xi32, #tpu.memory_space<vmem>>
        %dma_wait3A_287 = tpu.memref_squeeze %dma_wait3A_286 : memref<1x128xi32, #tpu.memory_space<vmem>> -> memref<128xi32, #tpu.memory_space<vmem>>
        %dma_wait3A_288 = arith.constant 0 : i32
        %dma_wait3A_289 = arith.constant 0 : i32
        %dma_wait3A_290 = tpu.memref_slice %arg10[%dma_wait3A_288, %dma_wait3A_289] : memref<10240x128xf32, #tpu.memory_space<vmem_shared>> -> memref<10240x128xf32, #tpu.memory_space<vmem_shared>>
        tpu.wait_indirect_dma semaphore(%run_scoped3A_278 : memref<!tpu.dma_semaphore, #tpu.memory_space<semaphore_mem>>) src(%arg8 : memref<128x128xf32, #tpu.memory_space<vmem>>) dst(%dma_wait3A_290 : memref<10240x128xf32, #tpu.memory_space<vmem_shared>>)
        tpu.yield
      }) : () -> ()
      %add3A_237 = arith.constant 12 : i32
      %add3A_238 = arith.addi %mul3A_14, %add3A_237 : i32
      %add3A_239 = arith.constant 2 : i32
      %add3A_240 = arith.addi %add3A_238, %add3A_239 : i32
      %dma_start3A_241 = arith.constant 0 : i32
      %dma_start3A_242 = tpu.memref_slice %arg6[%add3A_240, %dma_start3A_241] : memref<80x128xi32, #tpu.memory_space<vmem>> -> memref<1x128xi32, #tpu.memory_space<vmem>>
      %dma_start3A_243 = tpu.memref_squeeze %dma_start3A_242 : memref<1x128xi32, #tpu.memory_space<vmem>> -> memref<128xi32, #tpu.memory_space<vmem>>
      %dma_start3A_244 = arith.constant 0 : i32
      %dma_start3A_245 = arith.constant 0 : i32
      %dma_start3A_246 = tpu.memref_slice %arg2[%dma_start3A_244, %dma_start3A_245] : memref<20480x128xf32, #tpu.memory_space<hbm>> -> memref<20480x128xf32, #tpu.memory_space<hbm>>
      tpu.enqueue_indirect_dma source(%dma_start3A_246 : memref<20480x128xf32, #tpu.memory_space<hbm>>) target(%arg8 : memref<128x128xf32, #tpu.memory_space<vmem>>) offsets(%dma_start3A_243 : memref<128xi32, #tpu.memory_space<vmem>>) semaphore(%arg11 : memref<!tpu.dma_semaphore, #tpu.memory_space<semaphore_mem>>)
      %dma_wait3A_247 = arith.constant 0 : i32
      %dma_wait3A_248 = tpu.memref_slice %arg6[%add3A_223, %dma_wait3A_247] : memref<80x128xi32, #tpu.memory_space<vmem>> -> memref<1x128xi32, #tpu.memory_space<vmem>>
      %dma_wait3A_249 = tpu.memref_squeeze %dma_wait3A_248 : memref<1x128xi32, #tpu.memory_space<vmem>> -> memref<128xi32, #tpu.memory_space<vmem>>
      %dma_wait3A_250 = arith.constant 0 : i32
      %dma_wait3A_251 = arith.constant 0 : i32
      %dma_wait3A_252 = tpu.memref_slice %arg2[%dma_wait3A_250, %dma_wait3A_251] : memref<20480x128xf32, #tpu.memory_space<hbm>> -> memref<20480x128xf32, #tpu.memory_space<hbm>>
      tpu.wait_indirect_dma semaphore(%arg12 : memref<!tpu.dma_semaphore, #tpu.memory_space<semaphore_mem>>) src(%dma_wait3A_252 : memref<20480x128xf32, #tpu.memory_space<hbm>>) dst(%arg9 : memref<128x128xf32, #tpu.memory_space<vmem>>)
      %run_scoped3A_253 = arith.constant 13 : i32
      "tpu.region"() ({
        %run_scoped3A_278 = tpu.sem_alloc : memref<!tpu.dma_semaphore, #tpu.memory_space<semaphore_mem>>
        %dma_start3A_279 = arith.constant 0 : i32
        %dma_start3A_280 = tpu.memref_slice %arg7[%run_scoped3A_253, %dma_start3A_279] : memref<16x128xi32, #tpu.memory_space<vmem>> -> memref<1x128xi32, #tpu.memory_space<vmem>>
        %dma_start3A_281 = tpu.memref_squeeze %dma_start3A_280 : memref<1x128xi32, #tpu.memory_space<vmem>> -> memref<128xi32, #tpu.memory_space<vmem>>
        %dma_start3A_282 = arith.constant 0 : i32
        %dma_start3A_283 = arith.constant 0 : i32
        %dma_start3A_284 = tpu.memref_slice %arg10[%dma_start3A_282, %dma_start3A_283] : memref<10240x128xf32, #tpu.memory_space<vmem_shared>> -> memref<10240x128xf32, #tpu.memory_space<vmem_shared>>
        tpu.enqueue_indirect_dma source(%arg9 : memref<128x128xf32, #tpu.memory_space<vmem>>) target(%dma_start3A_284 : memref<10240x128xf32, #tpu.memory_space<vmem_shared>>) offsets(%dma_start3A_281 : memref<128xi32, #tpu.memory_space<vmem>>) semaphore(%run_scoped3A_278 : memref<!tpu.dma_semaphore, #tpu.memory_space<semaphore_mem>>) {add = true}
        %dma_wait3A_285 = arith.constant 0 : i32
        %dma_wait3A_286 = tpu.memref_slice %arg7[%run_scoped3A_253, %dma_wait3A_285] : memref<16x128xi32, #tpu.memory_space<vmem>> -> memref<1x128xi32, #tpu.memory_space<vmem>>
        %dma_wait3A_287 = tpu.memref_squeeze %dma_wait3A_286 : memref<1x128xi32, #tpu.memory_space<vmem>> -> memref<128xi32, #tpu.memory_space<vmem>>
        %dma_wait3A_288 = arith.constant 0 : i32
        %dma_wait3A_289 = arith.constant 0 : i32
        %dma_wait3A_290 = tpu.memref_slice %arg10[%dma_wait3A_288, %dma_wait3A_289] : memref<10240x128xf32, #tpu.memory_space<vmem_shared>> -> memref<10240x128xf32, #tpu.memory_space<vmem_shared>>
        tpu.wait_indirect_dma semaphore(%run_scoped3A_278 : memref<!tpu.dma_semaphore, #tpu.memory_space<semaphore_mem>>) src(%arg9 : memref<128x128xf32, #tpu.memory_space<vmem>>) dst(%dma_wait3A_290 : memref<10240x128xf32, #tpu.memory_space<vmem_shared>>)
        tpu.yield
      }) : () -> ()
      %add3A_254 = arith.constant 13 : i32
      %add3A_255 = arith.addi %mul3A_14, %add3A_254 : i32
      %add3A_256 = arith.constant 2 : i32
      %add3A_257 = arith.addi %add3A_255, %add3A_256 : i32
      %dma_start3A_258 = arith.constant 0 : i32
      %dma_start3A_259 = tpu.memref_slice %arg6[%add3A_257, %dma_start3A_258] : memref<80x128xi32, #tpu.memory_space<vmem>> -> memref<1x128xi32, #tpu.memory_space<vmem>>
      %dma_start3A_260 = tpu.memref_squeeze %dma_start3A_259 : memref<1x128xi32, #tpu.memory_space<vmem>> -> memref<128xi32, #tpu.memory_space<vmem>>
      %dma_start3A_261 = arith.constant 0 : i32
      %dma_start3A_262 = arith.constant 0 : i32
      %dma_start3A_263 = tpu.memref_slice %arg2[%dma_start3A_261, %dma_start3A_262] : memref<20480x128xf32, #tpu.memory_space<hbm>> -> memref<20480x128xf32, #tpu.memory_space<hbm>>
      tpu.enqueue_indirect_dma source(%dma_start3A_263 : memref<20480x128xf32, #tpu.memory_space<hbm>>) target(%arg9 : memref<128x128xf32, #tpu.memory_space<vmem>>) offsets(%dma_start3A_260 : memref<128xi32, #tpu.memory_space<vmem>>) semaphore(%arg12 : memref<!tpu.dma_semaphore, #tpu.memory_space<semaphore_mem>>)
      %dma_wait3A_264 = arith.constant 0 : i32
      %dma_wait3A_265 = tpu.memref_slice %arg6[%add3A_240, %dma_wait3A_264] : memref<80x128xi32, #tpu.memory_space<vmem>> -> memref<1x128xi32, #tpu.memory_space<vmem>>
      %dma_wait3A_266 = tpu.memref_squeeze %dma_wait3A_265 : memref<1x128xi32, #tpu.memory_space<vmem>> -> memref<128xi32, #tpu.memory_space<vmem>>
      %dma_wait3A_267 = arith.constant 0 : i32
      %dma_wait3A_268 = arith.constant 0 : i32
      %dma_wait3A_269 = tpu.memref_slice %arg2[%dma_wait3A_267, %dma_wait3A_268] : memref<20480x128xf32, #tpu.memory_space<hbm>> -> memref<20480x128xf32, #tpu.memory_space<hbm>>
      tpu.wait_indirect_dma semaphore(%arg11 : memref<!tpu.dma_semaphore, #tpu.memory_space<semaphore_mem>>) src(%dma_wait3A_269 : memref<20480x128xf32, #tpu.memory_space<hbm>>) dst(%arg8 : memref<128x128xf32, #tpu.memory_space<vmem>>)
      %run_scoped3A_270 = arith.constant 14 : i32
      "tpu.region"() ({
        %run_scoped3A_278 = tpu.sem_alloc : memref<!tpu.dma_semaphore, #tpu.memory_space<semaphore_mem>>
        %dma_start3A_279 = arith.constant 0 : i32
        %dma_start3A_280 = tpu.memref_slice %arg7[%run_scoped3A_270, %dma_start3A_279] : memref<16x128xi32, #tpu.memory_space<vmem>> -> memref<1x128xi32, #tpu.memory_space<vmem>>
        %dma_start3A_281 = tpu.memref_squeeze %dma_start3A_280 : memref<1x128xi32, #tpu.memory_space<vmem>> -> memref<128xi32, #tpu.memory_space<vmem>>
        %dma_start3A_282 = arith.constant 0 : i32
        %dma_start3A_283 = arith.constant 0 : i32
        %dma_start3A_284 = tpu.memref_slice %arg10[%dma_start3A_282, %dma_start3A_283] : memref<10240x128xf32, #tpu.memory_space<vmem_shared>> -> memref<10240x128xf32, #tpu.memory_space<vmem_shared>>
        tpu.enqueue_indirect_dma source(%arg8 : memref<128x128xf32, #tpu.memory_space<vmem>>) target(%dma_start3A_284 : memref<10240x128xf32, #tpu.memory_space<vmem_shared>>) offsets(%dma_start3A_281 : memref<128xi32, #tpu.memory_space<vmem>>) semaphore(%run_scoped3A_278 : memref<!tpu.dma_semaphore, #tpu.memory_space<semaphore_mem>>) {add = true}
        %dma_wait3A_285 = arith.constant 0 : i32
        %dma_wait3A_286 = tpu.memref_slice %arg7[%run_scoped3A_270, %dma_wait3A_285] : memref<16x128xi32, #tpu.memory_space<vmem>> -> memref<1x128xi32, #tpu.memory_space<vmem>>
        %dma_wait3A_287 = tpu.memref_squeeze %dma_wait3A_286 : memref<1x128xi32, #tpu.memory_space<vmem>> -> memref<128xi32, #tpu.memory_space<vmem>>
        %dma_wait3A_288 = arith.constant 0 : i32
        %dma_wait3A_289 = arith.constant 0 : i32
        %dma_wait3A_290 = tpu.memref_slice %arg10[%dma_wait3A_288, %dma_wait3A_289] : memref<10240x128xf32, #tpu.memory_space<vmem_shared>> -> memref<10240x128xf32, #tpu.memory_space<vmem_shared>>
        tpu.wait_indirect_dma semaphore(%run_scoped3A_278 : memref<!tpu.dma_semaphore, #tpu.memory_space<semaphore_mem>>) src(%arg8 : memref<128x128xf32, #tpu.memory_space<vmem>>) dst(%dma_wait3A_290 : memref<10240x128xf32, #tpu.memory_space<vmem_shared>>)
        tpu.yield
      }) : () -> ()
      %dma_wait3A_271 = arith.constant 0 : i32
      %dma_wait3A_272 = tpu.memref_slice %arg6[%add3A_257, %dma_wait3A_271] : memref<80x128xi32, #tpu.memory_space<vmem>> -> memref<1x128xi32, #tpu.memory_space<vmem>>
      %dma_wait3A_273 = tpu.memref_squeeze %dma_wait3A_272 : memref<1x128xi32, #tpu.memory_space<vmem>> -> memref<128xi32, #tpu.memory_space<vmem>>
      %dma_wait3A_274 = arith.constant 0 : i32
      %dma_wait3A_275 = arith.constant 0 : i32
      %dma_wait3A_276 = tpu.memref_slice %arg2[%dma_wait3A_274, %dma_wait3A_275] : memref<20480x128xf32, #tpu.memory_space<hbm>> -> memref<20480x128xf32, #tpu.memory_space<hbm>>
      tpu.wait_indirect_dma semaphore(%arg12 : memref<!tpu.dma_semaphore, #tpu.memory_space<semaphore_mem>>) src(%dma_wait3A_276 : memref<20480x128xf32, #tpu.memory_space<hbm>>) dst(%arg9 : memref<128x128xf32, #tpu.memory_space<vmem>>)
      %run_scoped3A_277 = arith.constant 15 : i32
      "tpu.region"() ({
        %run_scoped3A_278 = tpu.sem_alloc : memref<!tpu.dma_semaphore, #tpu.memory_space<semaphore_mem>>
        %dma_start3A_279 = arith.constant 0 : i32
        %dma_start3A_280 = tpu.memref_slice %arg7[%run_scoped3A_277, %dma_start3A_279] : memref<16x128xi32, #tpu.memory_space<vmem>> -> memref<1x128xi32, #tpu.memory_space<vmem>>
        %dma_start3A_281 = tpu.memref_squeeze %dma_start3A_280 : memref<1x128xi32, #tpu.memory_space<vmem>> -> memref<128xi32, #tpu.memory_space<vmem>>
        %dma_start3A_282 = arith.constant 0 : i32
        %dma_start3A_283 = arith.constant 0 : i32
        %dma_start3A_284 = tpu.memref_slice %arg10[%dma_start3A_282, %dma_start3A_283] : memref<10240x128xf32, #tpu.memory_space<vmem_shared>> -> memref<10240x128xf32, #tpu.memory_space<vmem_shared>>
        tpu.enqueue_indirect_dma source(%arg9 : memref<128x128xf32, #tpu.memory_space<vmem>>) target(%dma_start3A_284 : memref<10240x128xf32, #tpu.memory_space<vmem_shared>>) offsets(%dma_start3A_281 : memref<128xi32, #tpu.memory_space<vmem>>) semaphore(%run_scoped3A_278 : memref<!tpu.dma_semaphore, #tpu.memory_space<semaphore_mem>>) {add = true}
        %dma_wait3A_285 = arith.constant 0 : i32
        %dma_wait3A_286 = tpu.memref_slice %arg7[%run_scoped3A_277, %dma_wait3A_285] : memref<16x128xi32, #tpu.memory_space<vmem>> -> memref<1x128xi32, #tpu.memory_space<vmem>>
        %dma_wait3A_287 = tpu.memref_squeeze %dma_wait3A_286 : memref<1x128xi32, #tpu.memory_space<vmem>> -> memref<128xi32, #tpu.memory_space<vmem>>
        %dma_wait3A_288 = arith.constant 0 : i32
        %dma_wait3A_289 = arith.constant 0 : i32
        %dma_wait3A_290 = tpu.memref_slice %arg10[%dma_wait3A_288, %dma_wait3A_289] : memref<10240x128xf32, #tpu.memory_space<vmem_shared>> -> memref<10240x128xf32, #tpu.memory_space<vmem_shared>>
        tpu.wait_indirect_dma semaphore(%run_scoped3A_278 : memref<!tpu.dma_semaphore, #tpu.memory_space<semaphore_mem>>) src(%arg9 : memref<128x128xf32, #tpu.memory_space<vmem>>) dst(%dma_wait3A_290 : memref<10240x128xf32, #tpu.memory_space<vmem_shared>>)
        tpu.yield
      }) : () -> ()
    }
    %scan3A_7 = arith.constant 5 : i32
    %barrier3A_8 = arith.constant 0 : index
    tpu.barrier barrier_id(%barrier3A_8)
    %mul3A_9 = arith.constant 10240 : i32
    %mul3A_10 = arith.muli %arg0, %mul3A_9 : i32
    %add3A_11 = arith.addi %mul3A_10, %mul3A_0 : i32
    "tpu.region"() ({
      %run_scoped3A = tpu.sem_alloc : memref<!tpu.dma_semaphore, #tpu.memory_space<semaphore_mem>>
      %dma_start3A = arith.constant 0 : i32
      %dma_start3A_12 = tpu.memref_slice %arg5[%add3A_11, %dma_start3A] : memref<20480x128xf32, #tpu.memory_space<hbm>> -> memref<640x128xf32, #tpu.memory_space<hbm>>
      %dma_start3A_13 = arith.constant 0 : i32
      %dma_start3A_14 = tpu.memref_slice %arg10[%mul3A_0, %dma_start3A_13] : memref<10240x128xf32, #tpu.memory_space<vmem_shared>> -> memref<640x128xf32, #tpu.memory_space<vmem_shared>>
      tpu.enqueue_dma source(%dma_start3A_14 : memref<640x128xf32, #tpu.memory_space<vmem_shared>>) target(%dma_start3A_12 : memref<640x128xf32, #tpu.memory_space<hbm>>) target_semaphore(%run_scoped3A : memref<!tpu.dma_semaphore, #tpu.memory_space<semaphore_mem>>)
      %dma_wait3A = arith.constant 0 : i32
      %dma_wait3A_15 = tpu.memref_slice %arg5[%add3A_11, %dma_wait3A] : memref<20480x128xf32, #tpu.memory_space<hbm>> -> memref<640x128xf32, #tpu.memory_space<hbm>>
      %dma_wait3A_16 = arith.constant 0 : i32
      %dma_wait3A_17 = tpu.memref_slice %arg10[%mul3A_0, %dma_wait3A_16] : memref<10240x128xf32, #tpu.memory_space<vmem_shared>> -> memref<640x128xf32, #tpu.memory_space<vmem_shared>>
      tpu.wait_dma2 semaphore(%run_scoped3A : memref<!tpu.dma_semaphore, #tpu.memory_space<semaphore_mem>>) src(%dma_wait3A_17 : memref<640x128xf32, #tpu.memory_space<vmem_shared>>) dst(%dma_wait3A_15 : memref<640x128xf32, #tpu.memory_space<hbm>>)
      tpu.yield
    }) : () -> ()
    return
  }
}

#map = affine_map<(d0, d1) -> (0, 0)>
#map1 = affine_map<(d0, d1) -> (0, 0, 0, 0)>
module attributes {stable_mosaic.version = 14 : i64} {
  func.func @body(%arg0: i32, %arg1: i32, %arg2: memref<20480x128xf32, #tpu.memory_space<hbm>>, %arg3: memref<2x16x80x128xi32, #tpu.memory_space<hbm>>, %arg4: memref<16x5x16x128xi32, #tpu.memory_space<hbm>>, %arg5: memref<20480x128xf32, #tpu.memory_space<hbm>>, %arg6: memref<80x128xi32, #tpu.memory_space<vmem>>, %arg7: memref<16x128xi32, #tpu.memory_space<vmem>>, %arg8: memref<128x128xf32, #tpu.memory_space<vmem>>, %arg9: memref<128x128xf32, #tpu.memory_space<vmem>>, %arg10: memref<10240x128xf32, #tpu.memory_space<vmem_shared>>, %arg11: memref<!tpu.dma_semaphore, #tpu.memory_space<semaphore_mem>>, %arg12: memref<!tpu.dma_semaphore, #tpu.memory_space<semaphore_mem>>) attributes {dimension_semantics = [#tpu.dimension_semantics<core_parallel>, #tpu.dimension_semantics<subcore_parallel>], iteration_bounds = array<i64: 2, 16>, scalar_prefetch = 0 : i64, scratch_operands = 7 : i64, tpu.core_type = #tpu.core_type<sc_vector_subcore>, window_params = [{transform_indices = #map}, {transform_indices = #map1}, {transform_indices = #map1}, {transform_indices = #map}]} {
    "tpu.region"() ({
      %run_scoped3A = tpu.sem_alloc : memref<!tpu.dma_semaphore, #tpu.memory_space<semaphore_mem>>
      %dma_start3A = arith.constant 0 : i32
      %dma_start3A_12 = arith.constant 0 : i32
      %dma_start3A_13 = tpu.memref_slice %arg3[%arg0, %arg1, %dma_start3A, %dma_start3A_12] : memref<2x16x80x128xi32, #tpu.memory_space<hbm>> -> memref<1x1x80x128xi32, #tpu.memory_space<hbm>>
      %dma_start3A_14 = tpu.memref_squeeze %dma_start3A_13 : memref<1x1x80x128xi32, #tpu.memory_space<hbm>> -> memref<80x128xi32, #tpu.memory_space<hbm>>
      %dma_start3A_15 = arith.constant 0 : i32
      %dma_start3A_16 = arith.constant 0 : i32
      %dma_start3A_17 = tpu.memref_slice %arg3[%arg0, %arg1, %dma_start3A_15, %dma_start3A_16] : memref<2x16x80x128xi32, #tpu.memory_space<hbm>> -> memref<1x1x80x128xi32, #tpu.memory_space<hbm>>
      %dma_start3A_18 = tpu.memref_squeeze %dma_start3A_17 : memref<1x1x80x128xi32, #tpu.memory_space<hbm>> -> memref<80x128xi32, #tpu.memory_space<hbm>>
      tpu.enqueue_dma source(%dma_start3A_18 : memref<80x128xi32, #tpu.memory_space<hbm>>) target(%arg6 : memref<80x128xi32, #tpu.memory_space<vmem>>) target_semaphore(%run_scoped3A : memref<!tpu.dma_semaphore, #tpu.memory_space<semaphore_mem>>)
      %dma_wait3A = arith.constant 0 : i32
      %dma_wait3A_19 = arith.constant 0 : i32
      %dma_wait3A_20 = tpu.memref_slice %arg3[%arg0, %arg1, %dma_wait3A, %dma_wait3A_19] : memref<2x16x80x128xi32, #tpu.memory_space<hbm>> -> memref<1x1x80x128xi32, #tpu.memory_space<hbm>>
      %dma_wait3A_21 = tpu.memref_squeeze %dma_wait3A_20 : memref<1x1x80x128xi32, #tpu.memory_space<hbm>> -> memref<80x128xi32, #tpu.memory_space<hbm>>
      %dma_wait3A_22 = arith.constant 0 : i32
      %dma_wait3A_23 = arith.constant 0 : i32
      %dma_wait3A_24 = tpu.memref_slice %arg3[%arg0, %arg1, %dma_wait3A_22, %dma_wait3A_23] : memref<2x16x80x128xi32, #tpu.memory_space<hbm>> -> memref<1x1x80x128xi32, #tpu.memory_space<hbm>>
      %dma_wait3A_25 = tpu.memref_squeeze %dma_wait3A_24 : memref<1x1x80x128xi32, #tpu.memory_space<hbm>> -> memref<80x128xi32, #tpu.memory_space<hbm>>
      tpu.wait_dma2 semaphore(%run_scoped3A : memref<!tpu.dma_semaphore, #tpu.memory_space<semaphore_mem>>) src(%dma_wait3A_25 : memref<80x128xi32, #tpu.memory_space<hbm>>) dst(%arg6 : memref<80x128xi32, #tpu.memory_space<vmem>>)
      tpu.yield
    }) : () -> ()
    %mul3A = arith.constant 640 : i32
    %mul3A_0 = arith.muli %arg1, %mul3A : i32
    %mul3A_1 = arith.constant 10240 : i32
    %mul3A_2 = arith.muli %arg0, %mul3A_1 : i32
    %add3A = arith.addi %mul3A_2, %mul3A_0 : i32
    "tpu.region"() ({
      %run_scoped3A = tpu.sem_alloc : memref<!tpu.dma_semaphore, #tpu.memory_space<semaphore_mem>>
      %dma_start3A = arith.constant 0 : i32
      %dma_start3A_12 = tpu.memref_slice %arg10[%mul3A_0, %dma_start3A] : memref<10240x128xf32, #tpu.memory_space<vmem_shared>> -> memref<640x128xf32, #tpu.memory_space<vmem_shared>>
      %dma_start3A_13 = arith.constant 0 : i32
      %dma_start3A_14 = tpu.memref_slice %arg2[%add3A, %dma_start3A_13] : memref<20480x128xf32, #tpu.memory_space<hbm>> -> memref<640x128xf32, #tpu.memory_space<hbm>>
      tpu.enqueue_dma source(%dma_start3A_14 : memref<640x128xf32, #tpu.memory_space<hbm>>) target(%dma_start3A_12 : memref<640x128xf32, #tpu.memory_space<vmem_shared>>) target_semaphore(%run_scoped3A : memref<!tpu.dma_semaphore, #tpu.memory_space<semaphore_mem>>)
      %dma_wait3A = arith.constant 0 : i32
      %dma_wait3A_15 = tpu.memref_slice %arg10[%mul3A_0, %dma_wait3A] : memref<10240x128xf32, #tpu.memory_space<vmem_shared>> -> memref<640x128xf32, #tpu.memory_space<vmem_shared>>
      %dma_wait3A_16 = arith.constant 0 : i32
      %dma_wait3A_17 = tpu.memref_slice %arg2[%add3A, %dma_wait3A_16] : memref<20480x128xf32, #tpu.memory_space<hbm>> -> memref<640x128xf32, #tpu.memory_space<hbm>>
      tpu.wait_dma2 semaphore(%run_scoped3A : memref<!tpu.dma_semaphore, #tpu.memory_space<semaphore_mem>>) src(%dma_wait3A_17 : memref<640x128xf32, #tpu.memory_space<hbm>>) dst(%dma_wait3A_15 : memref<640x128xf32, #tpu.memory_space<vmem_shared>>)
      tpu.yield
    }) : () -> ()
    %barrier3A = arith.constant 0 : index
    tpu.barrier barrier_id(%barrier3A)
    %scan3A = arith.constant 0 : i32
    %scan3A_3 = arith.constant 0 : i32
    %scan3A_4 = arith.constant 5 : i32
    %scan3A_5 = arith.addi %scan3A_3, %scan3A_4 : i32
    %scan3A_6 = arith.constant 1 : i32
    scf.for %scan3A_12 = %scan3A_3 to %scan3A_5 step %scan3A_6  : i32 {
      %mul3A_13 = arith.constant 16 : i32
      %mul3A_14 = arith.muli %scan3A_12, %mul3A_13 : i32
      %dma_start3A = arith.constant 0 : i32
      %dma_start3A_15 = tpu.memref_slice %arg6[%mul3A_14, %dma_start3A] : memref<80x128xi32, #tpu.memory_space<vmem>> -> memref<1x128xi32, #tpu.memory_space<vmem>>
      %dma_start3A_16 = tpu.memref_squeeze %dma_start3A_15 : memref<1x128xi32, #tpu.memory_space<vmem>> -> memref<128xi32, #tpu.memory_space<vmem>>
      %dma_start3A_17 = arith.constant 0 : i32
      %dma_start3A_18 = arith.constant 0 : i32
      %dma_start3A_19 = tpu.memref_slice %arg2[%dma_start3A_17, %dma_start3A_18] : memref<20480x128xf32, #tpu.memory_space<hbm>> -> memref<20480x128xf32, #tpu.memory_space<hbm>>
      tpu.enqueue_indirect_dma source(%dma_start3A_19 : memref<20480x128xf32, #tpu.memory_space<hbm>>) target(%arg8 : memref<128x128xf32, #tpu.memory_space<vmem>>) offsets(%dma_start3A_16 : memref<128xi32, #tpu.memory_space<vmem>>) semaphore(%arg11 : memref<!tpu.dma_semaphore, #tpu.memory_space<semaphore_mem>>)
      %add3A_20 = arith.constant 1 : i32
      %add3A_21 = arith.addi %mul3A_14, %add3A_20 : i32
      %dma_start3A_22 = arith.constant 0 : i32
      %dma_start3A_23 = tpu.memref_slice %arg6[%add3A_21, %dma_start3A_22] : memref<80x128xi32, #tpu.memory_space<vmem>> -> memref<1x128xi32, #tpu.memory_space<vmem>>
      %dma_start3A_24 = tpu.memref_squeeze %dma_start3A_23 : memref<1x128xi32, #tpu.memory_space<vmem>> -> memref<128xi32, #tpu.memory_space<vmem>>
      %dma_start3A_25 = arith.constant 0 : i32
      %dma_start3A_26 = arith.constant 0 : i32
      %dma_start3A_27 = tpu.memref_slice %arg2[%dma_start3A_25, %dma_start3A_26] : memref<20480x128xf32, #tpu.memory_space<hbm>> -> memref<20480x128xf32, #tpu.memory_space<hbm>>
      tpu.enqueue_indirect_dma source(%dma_start3A_27 : memref<20480x128xf32, #tpu.memory_space<hbm>>) target(%arg9 : memref<128x128xf32, #tpu.memory_space<vmem>>) offsets(%dma_start3A_24 : memref<128xi32, #tpu.memory_space<vmem>>) semaphore(%arg12 : memref<!tpu.dma_semaphore, #tpu.memory_space<semaphore_mem>>)
      "tpu.region"() ({
        %run_scoped3A_278 = tpu.sem_alloc : memref<!tpu.dma_semaphore, #tpu.memory_space<semaphore_mem>>
        %dma_start3A_279 = arith.constant 0 : i32
        %dma_start3A_280 = arith.constant 0 : i32
        %dma_start3A_281 = tpu.memref_slice %arg4[%arg1, %scan3A_12, %dma_start3A_279, %dma_start3A_280] : memref<16x5x16x128xi32, #tpu.memory_space<hbm>> -> memref<1x1x16x128xi32, #tpu.memory_space<hbm>>
        %dma_start3A_282 = tpu.memref_squeeze %dma_start3A_281 : memref<1x1x16x128xi32, #tpu.memory_space<hbm>> -> memref<16x128xi32, #tpu.memory_space<hbm>>
        %dma_start3A_283 = arith.constant 0 : i32
        %dma_start3A_284 = arith.constant 0 : i32
        %dma_start3A_285 = tpu.memref_slice %arg4[%arg1, %scan3A_12, %dma_start3A_283, %dma_start3A_284] : memref<16x5x16x128xi32, #tpu.memory_space<hbm>> -> memref<1x1x16x128xi32, #tpu.memory_space<hbm>>
        %dma_start3A_286 = tpu.memref_squeeze %dma_start3A_285 : memref<1x1x16x128xi32, #tpu.memory_space<hbm>> -> memref<16x128xi32, #tpu.memory_space<hbm>>
        tpu.enqueue_dma source(%dma_start3A_286 : memref<16x128xi32, #tpu.memory_space<hbm>>) target(%arg7 : memref<16x128xi32, #tpu.memory_space<vmem>>) target_semaphore(%run_scoped3A_278 : memref<!tpu.dma_semaphore, #tpu.memory_space<semaphore_mem>>)
        %dma_wait3A_287 = arith.constant 0 : i32
        %dma_wait3A_288 = arith.constant 0 : i32
        %dma_wait3A_289 = tpu.memref_slice %arg4[%arg1, %scan3A_12, %dma_wait3A_287, %dma_wait3A_288] : memref<16x5x16x128xi32, #tpu.memory_space<hbm>> -> memref<1x1x16x128xi32, #tpu.memory_space<hbm>>
        %dma_wait3A_290 = tpu.memref_squeeze %dma_wait3A_289 : memref<1x1x16x128xi32, #tpu.memory_space<hbm>> -> memref<16x128xi32, #tpu.memory_space<hbm>>
        %dma_wait3A_291 = arith.constant 0 : i32
        %dma_wait3A_292 = arith.constant 0 : i32
        %dma_wait3A_293 = tpu.memref_slice %arg4[%arg1, %scan3A_12, %dma_wait3A_291, %dma_wait3A_292] : memref<16x5x16x128xi32, #tpu.memory_space<hbm>> -> memref<1x1x16x128xi32, #tpu.memory_space<hbm>>
        %dma_wait3A_294 = tpu.memref_squeeze %dma_wait3A_293 : memref<1x1x16x128xi32, #tpu.memory_space<hbm>> -> memref<16x128xi32, #tpu.memory_space<hbm>>
        tpu.wait_dma2 semaphore(%run_scoped3A_278 : memref<!tpu.dma_semaphore, #tpu.memory_space<semaphore_mem>>) src(%dma_wait3A_294 : memref<16x128xi32, #tpu.memory_space<hbm>>) dst(%arg7 : memref<16x128xi32, #tpu.memory_space<vmem>>)
        tpu.yield
      }) : () -> ()
      %dma_wait3A = arith.constant 0 : i32
      %dma_wait3A_28 = tpu.memref_slice %arg6[%mul3A_14, %dma_wait3A] : memref<80x128xi32, #tpu.memory_space<vmem>> -> memref<1x128xi32, #tpu.memory_space<vmem>>
      %dma_wait3A_29 = tpu.memref_squeeze %dma_wait3A_28 : memref<1x128xi32, #tpu.memory_space<vmem>> -> memref<128xi32, #tpu.memory_space<vmem>>
      %dma_wait3A_30 = arith.constant 0 : i32
      %dma_wait3A_31 = arith.constant 0 : i32
      %dma_wait3A_32 = tpu.memref_slice %arg2[%dma_wait3A_30, %dma_wait3A_31] : memref<20480x128xf32, #tpu.memory_space<hbm>> -> memref<20480x128xf32, #tpu.memory_space<hbm>>
      tpu.wait_indirect_dma semaphore(%arg11 : memref<!tpu.dma_semaphore, #tpu.memory_space<semaphore_mem>>) src(%dma_wait3A_32 : memref<20480x128xf32, #tpu.memory_space<hbm>>) dst(%arg8 : memref<128x128xf32, #tpu.memory_space<vmem>>)
      %run_scoped3A = arith.constant 0 : i32
      "tpu.region"() ({
        %run_scoped3A_278 = tpu.sem_alloc : memref<!tpu.dma_semaphore, #tpu.memory_space<semaphore_mem>>
        %dma_start3A_279 = arith.constant 0 : i32
        %dma_start3A_280 = tpu.memref_slice %arg7[%run_scoped3A, %dma_start3A_279] : memref<16x128xi32, #tpu.memory_space<vmem>> -> memref<1x128xi32, #tpu.memory_space<vmem>>
        %dma_start3A_281 = tpu.memref_squeeze %dma_start3A_280 : memref<1x128xi32, #tpu.memory_space<vmem>> -> memref<128xi32, #tpu.memory_space<vmem>>
        %dma_start3A_282 = arith.constant 0 : i32
        %dma_start3A_283 = arith.constant 0 : i32
        %dma_start3A_284 = tpu.memref_slice %arg10[%dma_start3A_282, %dma_start3A_283] : memref<10240x128xf32, #tpu.memory_space<vmem_shared>> -> memref<10240x128xf32, #tpu.memory_space<vmem_shared>>
        tpu.enqueue_indirect_dma source(%arg8 : memref<128x128xf32, #tpu.memory_space<vmem>>) target(%dma_start3A_284 : memref<10240x128xf32, #tpu.memory_space<vmem_shared>>) offsets(%dma_start3A_281 : memref<128xi32, #tpu.memory_space<vmem>>) semaphore(%run_scoped3A_278 : memref<!tpu.dma_semaphore, #tpu.memory_space<semaphore_mem>>) {add = true}
        %dma_wait3A_285 = arith.constant 0 : i32
        %dma_wait3A_286 = tpu.memref_slice %arg7[%run_scoped3A, %dma_wait3A_285] : memref<16x128xi32, #tpu.memory_space<vmem>> -> memref<1x128xi32, #tpu.memory_space<vmem>>
        %dma_wait3A_287 = tpu.memref_squeeze %dma_wait3A_286 : memref<1x128xi32, #tpu.memory_space<vmem>> -> memref<128xi32, #tpu.memory_space<vmem>>
        %dma_wait3A_288 = arith.constant 0 : i32
        %dma_wait3A_289 = arith.constant 0 : i32
        %dma_wait3A_290 = tpu.memref_slice %arg10[%dma_wait3A_288, %dma_wait3A_289] : memref<10240x128xf32, #tpu.memory_space<vmem_shared>> -> memref<10240x128xf32, #tpu.memory_space<vmem_shared>>
        tpu.wait_indirect_dma semaphore(%run_scoped3A_278 : memref<!tpu.dma_semaphore, #tpu.memory_space<semaphore_mem>>) src(%arg8 : memref<128x128xf32, #tpu.memory_space<vmem>>) dst(%dma_wait3A_290 : memref<10240x128xf32, #tpu.memory_space<vmem_shared>>)
        tpu.yield
      }) : () -> ()
      %add3A_33 = arith.constant 0 : i32
      %add3A_34 = arith.addi %mul3A_14, %add3A_33 : i32
      %add3A_35 = arith.constant 2 : i32
      %add3A_36 = arith.addi %add3A_34, %add3A_35 : i32
      %dma_start3A_37 = arith.constant 0 : i32
      %dma_start3A_38 = tpu.memref_slice %arg6[%add3A_36, %dma_start3A_37] : memref<80x128xi32, #tpu.memory_space<vmem>> -> memref<1x128xi32, #tpu.memory_space<vmem>>
      %dma_start3A_39 = tpu.memref_squeeze %dma_start3A_38 : memref<1x128xi32, #tpu.memory_space<vmem>> -> memref<128xi32, #tpu.memory_space<vmem>>
      %dma_start3A_40 = arith.constant 0 : i32
      %dma_start3A_41 = arith.constant 0 : i32
      %dma_start3A_42 = tpu.memref_slice %arg2[%dma_start3A_40, %dma_start3A_41] : memref<20480x128xf32, #tpu.memory_space<hbm>> -> memref<20480x128xf32, #tpu.memory_space<hbm>>
      tpu.enqueue_indirect_dma source(%dma_start3A_42 : memref<20480x128xf32, #tpu.memory_space<hbm>>) target(%arg8 : memref<128x128xf32, #tpu.memory_space<vmem>>) offsets(%dma_start3A_39 : memref<128xi32, #tpu.memory_space<vmem>>) semaphore(%arg11 : memref<!tpu.dma_semaphore, #tpu.memory_space<semaphore_mem>>)
      %dma_wait3A_43 = arith.constant 0 : i32
      %dma_wait3A_44 = tpu.memref_slice %arg6[%add3A_21, %dma_wait3A_43] : memref<80x128xi32, #tpu.memory_space<vmem>> -> memref<1x128xi32, #tpu.memory_space<vmem>>
      %dma_wait3A_45 = tpu.memref_squeeze %dma_wait3A_44 : memref<1x128xi32, #tpu.memory_space<vmem>> -> memref<128xi32, #tpu.memory_space<vmem>>
      %dma_wait3A_46 = arith.constant 0 : i32
      %dma_wait3A_47 = arith.constant 0 : i32
      %dma_wait3A_48 = tpu.memref_slice %arg2[%dma_wait3A_46, %dma_wait3A_47] : memref<20480x128xf32, #tpu.memory_space<hbm>> -> memref<20480x128xf32, #tpu.memory_space<hbm>>
      tpu.wait_indirect_dma semaphore(%arg12 : memref<!tpu.dma_semaphore, #tpu.memory_space<semaphore_mem>>) src(%dma_wait3A_48 : memref<20480x128xf32, #tpu.memory_space<hbm>>) dst(%arg9 : memref<128x128xf32, #tpu.memory_space<vmem>>)
      %run_scoped3A_49 = arith.constant 1 : i32
      "tpu.region"() ({
        %run_scoped3A_278 = tpu.sem_alloc : memref<!tpu.dma_semaphore, #tpu.memory_space<semaphore_mem>>
        %dma_start3A_279 = arith.constant 0 : i32
        %dma_start3A_280 = tpu.memref_slice %arg7[%run_scoped3A_49, %dma_start3A_279] : memref<16x128xi32, #tpu.memory_space<vmem>> -> memref<1x128xi32, #tpu.memory_space<vmem>>
        %dma_start3A_281 = tpu.memref_squeeze %dma_start3A_280 : memref<1x128xi32, #tpu.memory_space<vmem>> -> memref<128xi32, #tpu.memory_space<vmem>>
        %dma_start3A_282 = arith.constant 0 : i32
        %dma_start3A_283 = arith.constant 0 : i32
        %dma_start3A_284 = tpu.memref_slice %arg10[%dma_start3A_282, %dma_start3A_283] : memref<10240x128xf32, #tpu.memory_space<vmem_shared>> -> memref<10240x128xf32, #tpu.memory_space<vmem_shared>>
        tpu.enqueue_indirect_dma source(%arg9 : memref<128x128xf32, #tpu.memory_space<vmem>>) target(%dma_start3A_284 : memref<10240x128xf32, #tpu.memory_space<vmem_shared>>) offsets(%dma_start3A_281 : memref<128xi32, #tpu.memory_space<vmem>>) semaphore(%run_scoped3A_278 : memref<!tpu.dma_semaphore, #tpu.memory_space<semaphore_mem>>) {add = true}
        %dma_wait3A_285 = arith.constant 0 : i32
        %dma_wait3A_286 = tpu.memref_slice %arg7[%run_scoped3A_49, %dma_wait3A_285] : memref<16x128xi32, #tpu.memory_space<vmem>> -> memref<1x128xi32, #tpu.memory_space<vmem>>
        %dma_wait3A_287 = tpu.memref_squeeze %dma_wait3A_286 : memref<1x128xi32, #tpu.memory_space<vmem>> -> memref<128xi32, #tpu.memory_space<vmem>>
        %dma_wait3A_288 = arith.constant 0 : i32
        %dma_wait3A_289 = arith.constant 0 : i32
        %dma_wait3A_290 = tpu.memref_slice %arg10[%dma_wait3A_288, %dma_wait3A_289] : memref<10240x128xf32, #tpu.memory_space<vmem_shared>> -> memref<10240x128xf32, #tpu.memory_space<vmem_shared>>
        tpu.wait_indirect_dma semaphore(%run_scoped3A_278 : memref<!tpu.dma_semaphore, #tpu.memory_space<semaphore_mem>>) src(%arg9 : memref<128x128xf32, #tpu.memory_space<vmem>>) dst(%dma_wait3A_290 : memref<10240x128xf32, #tpu.memory_space<vmem_shared>>)
        tpu.yield
      }) : () -> ()
      %add3A_50 = arith.constant 1 : i32
      %add3A_51 = arith.addi %mul3A_14, %add3A_50 : i32
      %add3A_52 = arith.constant 2 : i32
      %add3A_53 = arith.addi %add3A_51, %add3A_52 : i32
      %dma_start3A_54 = arith.constant 0 : i32
      %dma_start3A_55 = tpu.memref_slice %arg6[%add3A_53, %dma_start3A_54] : memref<80x128xi32, #tpu.memory_space<vmem>> -> memref<1x128xi32, #tpu.memory_space<vmem>>
      %dma_start3A_56 = tpu.memref_squeeze %dma_start3A_55 : memref<1x128xi32, #tpu.memory_space<vmem>> -> memref<128xi32, #tpu.memory_space<vmem>>
      %dma_start3A_57 = arith.constant 0 : i32
      %dma_start3A_58 = arith.constant 0 : i32
      %dma_start3A_59 = tpu.memref_slice %arg2[%dma_start3A_57, %dma_start3A_58] : memref<20480x128xf32, #tpu.memory_space<hbm>> -> memref<20480x128xf32, #tpu.memory_space<hbm>>
      tpu.enqueue_indirect_dma source(%dma_start3A_59 : memref<20480x128xf32, #tpu.memory_space<hbm>>) target(%arg9 : memref<128x128xf32, #tpu.memory_space<vmem>>) offsets(%dma_start3A_56 : memref<128xi32, #tpu.memory_space<vmem>>) semaphore(%arg12 : memref<!tpu.dma_semaphore, #tpu.memory_space<semaphore_mem>>)
      %dma_wait3A_60 = arith.constant 0 : i32
      %dma_wait3A_61 = tpu.memref_slice %arg6[%add3A_36, %dma_wait3A_60] : memref<80x128xi32, #tpu.memory_space<vmem>> -> memref<1x128xi32, #tpu.memory_space<vmem>>
      %dma_wait3A_62 = tpu.memref_squeeze %dma_wait3A_61 : memref<1x128xi32, #tpu.memory_space<vmem>> -> memref<128xi32, #tpu.memory_space<vmem>>
      %dma_wait3A_63 = arith.constant 0 : i32
      %dma_wait3A_64 = arith.constant 0 : i32
      %dma_wait3A_65 = tpu.memref_slice %arg2[%dma_wait3A_63, %dma_wait3A_64] : memref<20480x128xf32, #tpu.memory_space<hbm>> -> memref<20480x128xf32, #tpu.memory_space<hbm>>
      tpu.wait_indirect_dma semaphore(%arg11 : memref<!tpu.dma_semaphore, #tpu.memory_space<semaphore_mem>>) src(%dma_wait3A_65 : memref<20480x128xf32, #tpu.memory_space<hbm>>) dst(%arg8 : memref<128x128xf32, #tpu.memory_space<vmem>>)
      %run_scoped3A_66 = arith.constant 2 : i32
      "tpu.region"() ({
        %run_scoped3A_278 = tpu.sem_alloc : memref<!tpu.dma_semaphore, #tpu.memory_space<semaphore_mem>>
        %dma_start3A_279 = arith.constant 0 : i32
        %dma_start3A_280 = tpu.memref_slice %arg7[%run_scoped3A_66, %dma_start3A_279] : memref<16x128xi32, #tpu.memory_space<vmem>> -> memref<1x128xi32, #tpu.memory_space<vmem>>
        %dma_start3A_281 = tpu.memref_squeeze %dma_start3A_280 : memref<1x128xi32, #tpu.memory_space<vmem>> -> memref<128xi32, #tpu.memory_space<vmem>>
        %dma_start3A_282 = arith.constant 0 : i32
        %dma_start3A_283 = arith.constant 0 : i32
        %dma_start3A_284 = tpu.memref_slice %arg10[%dma_start3A_282, %dma_start3A_283] : memref<10240x128xf32, #tpu.memory_space<vmem_shared>> -> memref<10240x128xf32, #tpu.memory_space<vmem_shared>>
        tpu.enqueue_indirect_dma source(%arg8 : memref<128x128xf32, #tpu.memory_space<vmem>>) target(%dma_start3A_284 : memref<10240x128xf32, #tpu.memory_space<vmem_shared>>) offsets(%dma_start3A_281 : memref<128xi32, #tpu.memory_space<vmem>>) semaphore(%run_scoped3A_278 : memref<!tpu.dma_semaphore, #tpu.memory_space<semaphore_mem>>) {add = true}
        %dma_wait3A_285 = arith.constant 0 : i32
        %dma_wait3A_286 = tpu.memref_slice %arg7[%run_scoped3A_66, %dma_wait3A_285] : memref<16x128xi32, #tpu.memory_space<vmem>> -> memref<1x128xi32, #tpu.memory_space<vmem>>
        %dma_wait3A_287 = tpu.memref_squeeze %dma_wait3A_286 : memref<1x128xi32, #tpu.memory_space<vmem>> -> memref<128xi32, #tpu.memory_space<vmem>>
        %dma_wait3A_288 = arith.constant 0 : i32
        %dma_wait3A_289 = arith.constant 0 : i32
        %dma_wait3A_290 = tpu.memref_slice %arg10[%dma_wait3A_288, %dma_wait3A_289] : memref<10240x128xf32, #tpu.memory_space<vmem_shared>> -> memref<10240x128xf32, #tpu.memory_space<vmem_shared>>
        tpu.wait_indirect_dma semaphore(%run_scoped3A_278 : memref<!tpu.dma_semaphore, #tpu.memory_space<semaphore_mem>>) src(%arg8 : memref<128x128xf32, #tpu.memory_space<vmem>>) dst(%dma_wait3A_290 : memref<10240x128xf32, #tpu.memory_space<vmem_shared>>)
        tpu.yield
      }) : () -> ()
      %add3A_67 = arith.constant 2 : i32
      %add3A_68 = arith.addi %mul3A_14, %add3A_67 : i32
      %add3A_69 = arith.constant 2 : i32
      %add3A_70 = arith.addi %add3A_68, %add3A_69 : i32
      %dma_start3A_71 = arith.constant 0 : i32
      %dma_start3A_72 = tpu.memref_slice %arg6[%add3A_70, %dma_start3A_71] : memref<80x128xi32, #tpu.memory_space<vmem>> -> memref<1x128xi32, #tpu.memory_space<vmem>>
      %dma_start3A_73 = tpu.memref_squeeze %dma_start3A_72 : memref<1x128xi32, #tpu.memory_space<vmem>> -> memref<128xi32, #tpu.memory_space<vmem>>
      %dma_start3A_74 = arith.constant 0 : i32
      %dma_start3A_75 = arith.constant 0 : i32
      %dma_start3A_76 = tpu.memref_slice %arg2[%dma_start3A_74, %dma_start3A_75] : memref<20480x128xf32, #tpu.memory_space<hbm>> -> memref<20480x128xf32, #tpu.memory_space<hbm>>
      tpu.enqueue_indirect_dma source(%dma_start3A_76 : memref<20480x128xf32, #tpu.memory_space<hbm>>) target(%arg8 : memref<128x128xf32, #tpu.memory_space<vmem>>) offsets(%dma_start3A_73 : memref<128xi32, #tpu.memory_space<vmem>>) semaphore(%arg11 : memref<!tpu.dma_semaphore, #tpu.memory_space<semaphore_mem>>)
      %dma_wait3A_77 = arith.constant 0 : i32
      %dma_wait3A_78 = tpu.memref_slice %arg6[%add3A_53, %dma_wait3A_77] : memref<80x128xi32, #tpu.memory_space<vmem>> -> memref<1x128xi32, #tpu.memory_space<vmem>>
      %dma_wait3A_79 = tpu.memref_squeeze %dma_wait3A_78 : memref<1x128xi32, #tpu.memory_space<vmem>> -> memref<128xi32, #tpu.memory_space<vmem>>
      %dma_wait3A_80 = arith.constant 0 : i32
      %dma_wait3A_81 = arith.constant 0 : i32
      %dma_wait3A_82 = tpu.memref_slice %arg2[%dma_wait3A_80, %dma_wait3A_81] : memref<20480x128xf32, #tpu.memory_space<hbm>> -> memref<20480x128xf32, #tpu.memory_space<hbm>>
      tpu.wait_indirect_dma semaphore(%arg12 : memref<!tpu.dma_semaphore, #tpu.memory_space<semaphore_mem>>) src(%dma_wait3A_82 : memref<20480x128xf32, #tpu.memory_space<hbm>>) dst(%arg9 : memref<128x128xf32, #tpu.memory_space<vmem>>)
      %run_scoped3A_83 = arith.constant 3 : i32
      "tpu.region"() ({
        %run_scoped3A_278 = tpu.sem_alloc : memref<!tpu.dma_semaphore, #tpu.memory_space<semaphore_mem>>
        %dma_start3A_279 = arith.constant 0 : i32
        %dma_start3A_280 = tpu.memref_slice %arg7[%run_scoped3A_83, %dma_start3A_279] : memref<16x128xi32, #tpu.memory_space<vmem>> -> memref<1x128xi32, #tpu.memory_space<vmem>>
        %dma_start3A_281 = tpu.memref_squeeze %dma_start3A_280 : memref<1x128xi32, #tpu.memory_space<vmem>> -> memref<128xi32, #tpu.memory_space<vmem>>
        %dma_start3A_282 = arith.constant 0 : i32
        %dma_start3A_283 = arith.constant 0 : i32
        %dma_start3A_284 = tpu.memref_slice %arg10[%dma_start3A_282, %dma_start3A_283] : memref<10240x128xf32, #tpu.memory_space<vmem_shared>> -> memref<10240x128xf32, #tpu.memory_space<vmem_shared>>
        tpu.enqueue_indirect_dma source(%arg9 : memref<128x128xf32, #tpu.memory_space<vmem>>) target(%dma_start3A_284 : memref<10240x128xf32, #tpu.memory_space<vmem_shared>>) offsets(%dma_start3A_281 : memref<128xi32, #tpu.memory_space<vmem>>) semaphore(%run_scoped3A_278 : memref<!tpu.dma_semaphore, #tpu.memory_space<semaphore_mem>>) {add = true}
        %dma_wait3A_285 = arith.constant 0 : i32
        %dma_wait3A_286 = tpu.memref_slice %arg7[%run_scoped3A_83, %dma_wait3A_285] : memref<16x128xi32, #tpu.memory_space<vmem>> -> memref<1x128xi32, #tpu.memory_space<vmem>>
        %dma_wait3A_287 = tpu.memref_squeeze %dma_wait3A_286 : memref<1x128xi32, #tpu.memory_space<vmem>> -> memref<128xi32, #tpu.memory_space<vmem>>
        %dma_wait3A_288 = arith.constant 0 : i32
        %dma_wait3A_289 = arith.constant 0 : i32
        %dma_wait3A_290 = tpu.memref_slice %arg10[%dma_wait3A_288, %dma_wait3A_289] : memref<10240x128xf32, #tpu.memory_space<vmem_shared>> -> memref<10240x128xf32, #tpu.memory_space<vmem_shared>>
        tpu.wait_indirect_dma semaphore(%run_scoped3A_278 : memref<!tpu.dma_semaphore, #tpu.memory_space<semaphore_mem>>) src(%arg9 : memref<128x128xf32, #tpu.memory_space<vmem>>) dst(%dma_wait3A_290 : memref<10240x128xf32, #tpu.memory_space<vmem_shared>>)
        tpu.yield
      }) : () -> ()
      %add3A_84 = arith.constant 3 : i32
      %add3A_85 = arith.addi %mul3A_14, %add3A_84 : i32
      %add3A_86 = arith.constant 2 : i32
      %add3A_87 = arith.addi %add3A_85, %add3A_86 : i32
      %dma_start3A_88 = arith.constant 0 : i32
      %dma_start3A_89 = tpu.memref_slice %arg6[%add3A_87, %dma_start3A_88] : memref<80x128xi32, #tpu.memory_space<vmem>> -> memref<1x128xi32, #tpu.memory_space<vmem>>
      %dma_start3A_90 = tpu.memref_squeeze %dma_start3A_89 : memref<1x128xi32, #tpu.memory_space<vmem>> -> memref<128xi32, #tpu.memory_space<vmem>>
      %dma_start3A_91 = arith.constant 0 : i32
      %dma_start3A_92 = arith.constant 0 : i32
      %dma_start3A_93 = tpu.memref_slice %arg2[%dma_start3A_91, %dma_start3A_92] : memref<20480x128xf32, #tpu.memory_space<hbm>> -> memref<20480x128xf32, #tpu.memory_space<hbm>>
      tpu.enqueue_indirect_dma source(%dma_start3A_93 : memref<20480x128xf32, #tpu.memory_space<hbm>>) target(%arg9 : memref<128x128xf32, #tpu.memory_space<vmem>>) offsets(%dma_start3A_90 : memref<128xi32, #tpu.memory_space<vmem>>) semaphore(%arg12 : memref<!tpu.dma_semaphore, #tpu.memory_space<semaphore_mem>>)
      %dma_wait3A_94 = arith.constant 0 : i32
      %dma_wait3A_95 = tpu.memref_slice %arg6[%add3A_70, %dma_wait3A_94] : memref<80x128xi32, #tpu.memory_space<vmem>> -> memref<1x128xi32, #tpu.memory_space<vmem>>
      %dma_wait3A_96 = tpu.memref_squeeze %dma_wait3A_95 : memref<1x128xi32, #tpu.memory_space<vmem>> -> memref<128xi32, #tpu.memory_space<vmem>>
      %dma_wait3A_97 = arith.constant 0 : i32
      %dma_wait3A_98 = arith.constant 0 : i32
      %dma_wait3A_99 = tpu.memref_slice %arg2[%dma_wait3A_97, %dma_wait3A_98] : memref<20480x128xf32, #tpu.memory_space<hbm>> -> memref<20480x128xf32, #tpu.memory_space<hbm>>
      tpu.wait_indirect_dma semaphore(%arg11 : memref<!tpu.dma_semaphore, #tpu.memory_space<semaphore_mem>>) src(%dma_wait3A_99 : memref<20480x128xf32, #tpu.memory_space<hbm>>) dst(%arg8 : memref<128x128xf32, #tpu.memory_space<vmem>>)
      %run_scoped3A_100 = arith.constant 4 : i32
      "tpu.region"() ({
        %run_scoped3A_278 = tpu.sem_alloc : memref<!tpu.dma_semaphore, #tpu.memory_space<semaphore_mem>>
        %dma_start3A_279 = arith.constant 0 : i32
        %dma_start3A_280 = tpu.memref_slice %arg7[%run_scoped3A_100, %dma_start3A_279] : memref<16x128xi32, #tpu.memory_space<vmem>> -> memref<1x128xi32, #tpu.memory_space<vmem>>
        %dma_start3A_281 = tpu.memref_squeeze %dma_start3A_280 : memref<1x128xi32, #tpu.memory_space<vmem>> -> memref<128xi32, #tpu.memory_space<vmem>>
        %dma_start3A_282 = arith.constant 0 : i32
        %dma_start3A_283 = arith.constant 0 : i32
        %dma_start3A_284 = tpu.memref_slice %arg10[%dma_start3A_282, %dma_start3A_283] : memref<10240x128xf32, #tpu.memory_space<vmem_shared>> -> memref<10240x128xf32, #tpu.memory_space<vmem_shared>>
        tpu.enqueue_indirect_dma source(%arg8 : memref<128x128xf32, #tpu.memory_space<vmem>>) target(%dma_start3A_284 : memref<10240x128xf32, #tpu.memory_space<vmem_shared>>) offsets(%dma_start3A_281 : memref<128xi32, #tpu.memory_space<vmem>>) semaphore(%run_scoped3A_278 : memref<!tpu.dma_semaphore, #tpu.memory_space<semaphore_mem>>) {add = true}
        %dma_wait3A_285 = arith.constant 0 : i32
        %dma_wait3A_286 = tpu.memref_slice %arg7[%run_scoped3A_100, %dma_wait3A_285] : memref<16x128xi32, #tpu.memory_space<vmem>> -> memref<1x128xi32, #tpu.memory_space<vmem>>
        %dma_wait3A_287 = tpu.memref_squeeze %dma_wait3A_286 : memref<1x128xi32, #tpu.memory_space<vmem>> -> memref<128xi32, #tpu.memory_space<vmem>>
        %dma_wait3A_288 = arith.constant 0 : i32
        %dma_wait3A_289 = arith.constant 0 : i32
        %dma_wait3A_290 = tpu.memref_slice %arg10[%dma_wait3A_288, %dma_wait3A_289] : memref<10240x128xf32, #tpu.memory_space<vmem_shared>> -> memref<10240x128xf32, #tpu.memory_space<vmem_shared>>
        tpu.wait_indirect_dma semaphore(%run_scoped3A_278 : memref<!tpu.dma_semaphore, #tpu.memory_space<semaphore_mem>>) src(%arg8 : memref<128x128xf32, #tpu.memory_space<vmem>>) dst(%dma_wait3A_290 : memref<10240x128xf32, #tpu.memory_space<vmem_shared>>)
        tpu.yield
      }) : () -> ()
      %add3A_101 = arith.constant 4 : i32
      %add3A_102 = arith.addi %mul3A_14, %add3A_101 : i32
      %add3A_103 = arith.constant 2 : i32
      %add3A_104 = arith.addi %add3A_102, %add3A_103 : i32
      %dma_start3A_105 = arith.constant 0 : i32
      %dma_start3A_106 = tpu.memref_slice %arg6[%add3A_104, %dma_start3A_105] : memref<80x128xi32, #tpu.memory_space<vmem>> -> memref<1x128xi32, #tpu.memory_space<vmem>>
      %dma_start3A_107 = tpu.memref_squeeze %dma_start3A_106 : memref<1x128xi32, #tpu.memory_space<vmem>> -> memref<128xi32, #tpu.memory_space<vmem>>
      %dma_start3A_108 = arith.constant 0 : i32
      %dma_start3A_109 = arith.constant 0 : i32
      %dma_start3A_110 = tpu.memref_slice %arg2[%dma_start3A_108, %dma_start3A_109] : memref<20480x128xf32, #tpu.memory_space<hbm>> -> memref<20480x128xf32, #tpu.memory_space<hbm>>
      tpu.enqueue_indirect_dma source(%dma_start3A_110 : memref<20480x128xf32, #tpu.memory_space<hbm>>) target(%arg8 : memref<128x128xf32, #tpu.memory_space<vmem>>) offsets(%dma_start3A_107 : memref<128xi32, #tpu.memory_space<vmem>>) semaphore(%arg11 : memref<!tpu.dma_semaphore, #tpu.memory_space<semaphore_mem>>)
      %dma_wait3A_111 = arith.constant 0 : i32
      %dma_wait3A_112 = tpu.memref_slice %arg6[%add3A_87, %dma_wait3A_111] : memref<80x128xi32, #tpu.memory_space<vmem>> -> memref<1x128xi32, #tpu.memory_space<vmem>>
      %dma_wait3A_113 = tpu.memref_squeeze %dma_wait3A_112 : memref<1x128xi32, #tpu.memory_space<vmem>> -> memref<128xi32, #tpu.memory_space<vmem>>
      %dma_wait3A_114 = arith.constant 0 : i32
      %dma_wait3A_115 = arith.constant 0 : i32
      %dma_wait3A_116 = tpu.memref_slice %arg2[%dma_wait3A_114, %dma_wait3A_115] : memref<20480x128xf32, #tpu.memory_space<hbm>> -> memref<20480x128xf32, #tpu.memory_space<hbm>>
      tpu.wait_indirect_dma semaphore(%arg12 : memref<!tpu.dma_semaphore, #tpu.memory_space<semaphore_mem>>) src(%dma_wait3A_116 : memref<20480x128xf32, #tpu.memory_space<hbm>>) dst(%arg9 : memref<128x128xf32, #tpu.memory_space<vmem>>)
      %run_scoped3A_117 = arith.constant 5 : i32
      "tpu.region"() ({
        %run_scoped3A_278 = tpu.sem_alloc : memref<!tpu.dma_semaphore, #tpu.memory_space<semaphore_mem>>
        %dma_start3A_279 = arith.constant 0 : i32
        %dma_start3A_280 = tpu.memref_slice %arg7[%run_scoped3A_117, %dma_start3A_279] : memref<16x128xi32, #tpu.memory_space<vmem>> -> memref<1x128xi32, #tpu.memory_space<vmem>>
        %dma_start3A_281 = tpu.memref_squeeze %dma_start3A_280 : memref<1x128xi32, #tpu.memory_space<vmem>> -> memref<128xi32, #tpu.memory_space<vmem>>
        %dma_start3A_282 = arith.constant 0 : i32
        %dma_start3A_283 = arith.constant 0 : i32
        %dma_start3A_284 = tpu.memref_slice %arg10[%dma_start3A_282, %dma_start3A_283] : memref<10240x128xf32, #tpu.memory_space<vmem_shared>> -> memref<10240x128xf32, #tpu.memory_space<vmem_shared>>
        tpu.enqueue_indirect_dma source(%arg9 : memref<128x128xf32, #tpu.memory_space<vmem>>) target(%dma_start3A_284 : memref<10240x128xf32, #tpu.memory_space<vmem_shared>>) offsets(%dma_start3A_281 : memref<128xi32, #tpu.memory_space<vmem>>) semaphore(%run_scoped3A_278 : memref<!tpu.dma_semaphore, #tpu.memory_space<semaphore_mem>>) {add = true}
        %dma_wait3A_285 = arith.constant 0 : i32
        %dma_wait3A_286 = tpu.memref_slice %arg7[%run_scoped3A_117, %dma_wait3A_285] : memref<16x128xi32, #tpu.memory_space<vmem>> -> memref<1x128xi32, #tpu.memory_space<vmem>>
        %dma_wait3A_287 = tpu.memref_squeeze %dma_wait3A_286 : memref<1x128xi32, #tpu.memory_space<vmem>> -> memref<128xi32, #tpu.memory_space<vmem>>
        %dma_wait3A_288 = arith.constant 0 : i32
        %dma_wait3A_289 = arith.constant 0 : i32
        %dma_wait3A_290 = tpu.memref_slice %arg10[%dma_wait3A_288, %dma_wait3A_289] : memref<10240x128xf32, #tpu.memory_space<vmem_shared>> -> memref<10240x128xf32, #tpu.memory_space<vmem_shared>>
        tpu.wait_indirect_dma semaphore(%run_scoped3A_278 : memref<!tpu.dma_semaphore, #tpu.memory_space<semaphore_mem>>) src(%arg9 : memref<128x128xf32, #tpu.memory_space<vmem>>) dst(%dma_wait3A_290 : memref<10240x128xf32, #tpu.memory_space<vmem_shared>>)
        tpu.yield
      }) : () -> ()
      %add3A_118 = arith.constant 5 : i32
      %add3A_119 = arith.addi %mul3A_14, %add3A_118 : i32
      %add3A_120 = arith.constant 2 : i32
      %add3A_121 = arith.addi %add3A_119, %add3A_120 : i32
      %dma_start3A_122 = arith.constant 0 : i32
      %dma_start3A_123 = tpu.memref_slice %arg6[%add3A_121, %dma_start3A_122] : memref<80x128xi32, #tpu.memory_space<vmem>> -> memref<1x128xi32, #tpu.memory_space<vmem>>
      %dma_start3A_124 = tpu.memref_squeeze %dma_start3A_123 : memref<1x128xi32, #tpu.memory_space<vmem>> -> memref<128xi32, #tpu.memory_space<vmem>>
      %dma_start3A_125 = arith.constant 0 : i32
      %dma_start3A_126 = arith.constant 0 : i32
      %dma_start3A_127 = tpu.memref_slice %arg2[%dma_start3A_125, %dma_start3A_126] : memref<20480x128xf32, #tpu.memory_space<hbm>> -> memref<20480x128xf32, #tpu.memory_space<hbm>>
      tpu.enqueue_indirect_dma source(%dma_start3A_127 : memref<20480x128xf32, #tpu.memory_space<hbm>>) target(%arg9 : memref<128x128xf32, #tpu.memory_space<vmem>>) offsets(%dma_start3A_124 : memref<128xi32, #tpu.memory_space<vmem>>) semaphore(%arg12 : memref<!tpu.dma_semaphore, #tpu.memory_space<semaphore_mem>>)
      %dma_wait3A_128 = arith.constant 0 : i32
      %dma_wait3A_129 = tpu.memref_slice %arg6[%add3A_104, %dma_wait3A_128] : memref<80x128xi32, #tpu.memory_space<vmem>> -> memref<1x128xi32, #tpu.memory_space<vmem>>
      %dma_wait3A_130 = tpu.memref_squeeze %dma_wait3A_129 : memref<1x128xi32, #tpu.memory_space<vmem>> -> memref<128xi32, #tpu.memory_space<vmem>>
      %dma_wait3A_131 = arith.constant 0 : i32
      %dma_wait3A_132 = arith.constant 0 : i32
      %dma_wait3A_133 = tpu.memref_slice %arg2[%dma_wait3A_131, %dma_wait3A_132] : memref<20480x128xf32, #tpu.memory_space<hbm>> -> memref<20480x128xf32, #tpu.memory_space<hbm>>
      tpu.wait_indirect_dma semaphore(%arg11 : memref<!tpu.dma_semaphore, #tpu.memory_space<semaphore_mem>>) src(%dma_wait3A_133 : memref<20480x128xf32, #tpu.memory_space<hbm>>) dst(%arg8 : memref<128x128xf32, #tpu.memory_space<vmem>>)
      %run_scoped3A_134 = arith.constant 6 : i32
      "tpu.region"() ({
        %run_scoped3A_278 = tpu.sem_alloc : memref<!tpu.dma_semaphore, #tpu.memory_space<semaphore_mem>>
        %dma_start3A_279 = arith.constant 0 : i32
        %dma_start3A_280 = tpu.memref_slice %arg7[%run_scoped3A_134, %dma_start3A_279] : memref<16x128xi32, #tpu.memory_space<vmem>> -> memref<1x128xi32, #tpu.memory_space<vmem>>
        %dma_start3A_281 = tpu.memref_squeeze %dma_start3A_280 : memref<1x128xi32, #tpu.memory_space<vmem>> -> memref<128xi32, #tpu.memory_space<vmem>>
        %dma_start3A_282 = arith.constant 0 : i32
        %dma_start3A_283 = arith.constant 0 : i32
        %dma_start3A_284 = tpu.memref_slice %arg10[%dma_start3A_282, %dma_start3A_283] : memref<10240x128xf32, #tpu.memory_space<vmem_shared>> -> memref<10240x128xf32, #tpu.memory_space<vmem_shared>>
        tpu.enqueue_indirect_dma source(%arg8 : memref<128x128xf32, #tpu.memory_space<vmem>>) target(%dma_start3A_284 : memref<10240x128xf32, #tpu.memory_space<vmem_shared>>) offsets(%dma_start3A_281 : memref<128xi32, #tpu.memory_space<vmem>>) semaphore(%run_scoped3A_278 : memref<!tpu.dma_semaphore, #tpu.memory_space<semaphore_mem>>) {add = true}
        %dma_wait3A_285 = arith.constant 0 : i32
        %dma_wait3A_286 = tpu.memref_slice %arg7[%run_scoped3A_134, %dma_wait3A_285] : memref<16x128xi32, #tpu.memory_space<vmem>> -> memref<1x128xi32, #tpu.memory_space<vmem>>
        %dma_wait3A_287 = tpu.memref_squeeze %dma_wait3A_286 : memref<1x128xi32, #tpu.memory_space<vmem>> -> memref<128xi32, #tpu.memory_space<vmem>>
        %dma_wait3A_288 = arith.constant 0 : i32
        %dma_wait3A_289 = arith.constant 0 : i32
        %dma_wait3A_290 = tpu.memref_slice %arg10[%dma_wait3A_288, %dma_wait3A_289] : memref<10240x128xf32, #tpu.memory_space<vmem_shared>> -> memref<10240x128xf32, #tpu.memory_space<vmem_shared>>
        tpu.wait_indirect_dma semaphore(%run_scoped3A_278 : memref<!tpu.dma_semaphore, #tpu.memory_space<semaphore_mem>>) src(%arg8 : memref<128x128xf32, #tpu.memory_space<vmem>>) dst(%dma_wait3A_290 : memref<10240x128xf32, #tpu.memory_space<vmem_shared>>)
        tpu.yield
      }) : () -> ()
      %add3A_135 = arith.constant 6 : i32
      %add3A_136 = arith.addi %mul3A_14, %add3A_135 : i32
      %add3A_137 = arith.constant 2 : i32
      %add3A_138 = arith.addi %add3A_136, %add3A_137 : i32
      %dma_start3A_139 = arith.constant 0 : i32
      %dma_start3A_140 = tpu.memref_slice %arg6[%add3A_138, %dma_start3A_139] : memref<80x128xi32, #tpu.memory_space<vmem>> -> memref<1x128xi32, #tpu.memory_space<vmem>>
      %dma_start3A_141 = tpu.memref_squeeze %dma_start3A_140 : memref<1x128xi32, #tpu.memory_space<vmem>> -> memref<128xi32, #tpu.memory_space<vmem>>
      %dma_start3A_142 = arith.constant 0 : i32
      %dma_start3A_143 = arith.constant 0 : i32
      %dma_start3A_144 = tpu.memref_slice %arg2[%dma_start3A_142, %dma_start3A_143] : memref<20480x128xf32, #tpu.memory_space<hbm>> -> memref<20480x128xf32, #tpu.memory_space<hbm>>
      tpu.enqueue_indirect_dma source(%dma_start3A_144 : memref<20480x128xf32, #tpu.memory_space<hbm>>) target(%arg8 : memref<128x128xf32, #tpu.memory_space<vmem>>) offsets(%dma_start3A_141 : memref<128xi32, #tpu.memory_space<vmem>>) semaphore(%arg11 : memref<!tpu.dma_semaphore, #tpu.memory_space<semaphore_mem>>)
      %dma_wait3A_145 = arith.constant 0 : i32
      %dma_wait3A_146 = tpu.memref_slice %arg6[%add3A_121, %dma_wait3A_145] : memref<80x128xi32, #tpu.memory_space<vmem>> -> memref<1x128xi32, #tpu.memory_space<vmem>>
      %dma_wait3A_147 = tpu.memref_squeeze %dma_wait3A_146 : memref<1x128xi32, #tpu.memory_space<vmem>> -> memref<128xi32, #tpu.memory_space<vmem>>
      %dma_wait3A_148 = arith.constant 0 : i32
      %dma_wait3A_149 = arith.constant 0 : i32
      %dma_wait3A_150 = tpu.memref_slice %arg2[%dma_wait3A_148, %dma_wait3A_149] : memref<20480x128xf32, #tpu.memory_space<hbm>> -> memref<20480x128xf32, #tpu.memory_space<hbm>>
      tpu.wait_indirect_dma semaphore(%arg12 : memref<!tpu.dma_semaphore, #tpu.memory_space<semaphore_mem>>) src(%dma_wait3A_150 : memref<20480x128xf32, #tpu.memory_space<hbm>>) dst(%arg9 : memref<128x128xf32, #tpu.memory_space<vmem>>)
      %run_scoped3A_151 = arith.constant 7 : i32
      "tpu.region"() ({
        %run_scoped3A_278 = tpu.sem_alloc : memref<!tpu.dma_semaphore, #tpu.memory_space<semaphore_mem>>
        %dma_start3A_279 = arith.constant 0 : i32
        %dma_start3A_280 = tpu.memref_slice %arg7[%run_scoped3A_151, %dma_start3A_279] : memref<16x128xi32, #tpu.memory_space<vmem>> -> memref<1x128xi32, #tpu.memory_space<vmem>>
        %dma_start3A_281 = tpu.memref_squeeze %dma_start3A_280 : memref<1x128xi32, #tpu.memory_space<vmem>> -> memref<128xi32, #tpu.memory_space<vmem>>
        %dma_start3A_282 = arith.constant 0 : i32
        %dma_start3A_283 = arith.constant 0 : i32
        %dma_start3A_284 = tpu.memref_slice %arg10[%dma_start3A_282, %dma_start3A_283] : memref<10240x128xf32, #tpu.memory_space<vmem_shared>> -> memref<10240x128xf32, #tpu.memory_space<vmem_shared>>
        tpu.enqueue_indirect_dma source(%arg9 : memref<128x128xf32, #tpu.memory_space<vmem>>) target(%dma_start3A_284 : memref<10240x128xf32, #tpu.memory_space<vmem_shared>>) offsets(%dma_start3A_281 : memref<128xi32, #tpu.memory_space<vmem>>) semaphore(%run_scoped3A_278 : memref<!tpu.dma_semaphore, #tpu.memory_space<semaphore_mem>>) {add = true}
        %dma_wait3A_285 = arith.constant 0 : i32
        %dma_wait3A_286 = tpu.memref_slice %arg7[%run_scoped3A_151, %dma_wait3A_285] : memref<16x128xi32, #tpu.memory_space<vmem>> -> memref<1x128xi32, #tpu.memory_space<vmem>>
        %dma_wait3A_287 = tpu.memref_squeeze %dma_wait3A_286 : memref<1x128xi32, #tpu.memory_space<vmem>> -> memref<128xi32, #tpu.memory_space<vmem>>
        %dma_wait3A_288 = arith.constant 0 : i32
        %dma_wait3A_289 = arith.constant 0 : i32
        %dma_wait3A_290 = tpu.memref_slice %arg10[%dma_wait3A_288, %dma_wait3A_289] : memref<10240x128xf32, #tpu.memory_space<vmem_shared>> -> memref<10240x128xf32, #tpu.memory_space<vmem_shared>>
        tpu.wait_indirect_dma semaphore(%run_scoped3A_278 : memref<!tpu.dma_semaphore, #tpu.memory_space<semaphore_mem>>) src(%arg9 : memref<128x128xf32, #tpu.memory_space<vmem>>) dst(%dma_wait3A_290 : memref<10240x128xf32, #tpu.memory_space<vmem_shared>>)
        tpu.yield
      }) : () -> ()
      %add3A_152 = arith.constant 7 : i32
      %add3A_153 = arith.addi %mul3A_14, %add3A_152 : i32
      %add3A_154 = arith.constant 2 : i32
      %add3A_155 = arith.addi %add3A_153, %add3A_154 : i32
      %dma_start3A_156 = arith.constant 0 : i32
      %dma_start3A_157 = tpu.memref_slice %arg6[%add3A_155, %dma_start3A_156] : memref<80x128xi32, #tpu.memory_space<vmem>> -> memref<1x128xi32, #tpu.memory_space<vmem>>
      %dma_start3A_158 = tpu.memref_squeeze %dma_start3A_157 : memref<1x128xi32, #tpu.memory_space<vmem>> -> memref<128xi32, #tpu.memory_space<vmem>>
      %dma_start3A_159 = arith.constant 0 : i32
      %dma_start3A_160 = arith.constant 0 : i32
      %dma_start3A_161 = tpu.memref_slice %arg2[%dma_start3A_159, %dma_start3A_160] : memref<20480x128xf32, #tpu.memory_space<hbm>> -> memref<20480x128xf32, #tpu.memory_space<hbm>>
      tpu.enqueue_indirect_dma source(%dma_start3A_161 : memref<20480x128xf32, #tpu.memory_space<hbm>>) target(%arg9 : memref<128x128xf32, #tpu.memory_space<vmem>>) offsets(%dma_start3A_158 : memref<128xi32, #tpu.memory_space<vmem>>) semaphore(%arg12 : memref<!tpu.dma_semaphore, #tpu.memory_space<semaphore_mem>>)
      %dma_wait3A_162 = arith.constant 0 : i32
      %dma_wait3A_163 = tpu.memref_slice %arg6[%add3A_138, %dma_wait3A_162] : memref<80x128xi32, #tpu.memory_space<vmem>> -> memref<1x128xi32, #tpu.memory_space<vmem>>
      %dma_wait3A_164 = tpu.memref_squeeze %dma_wait3A_163 : memref<1x128xi32, #tpu.memory_space<vmem>> -> memref<128xi32, #tpu.memory_space<vmem>>
      %dma_wait3A_165 = arith.constant 0 : i32
      %dma_wait3A_166 = arith.constant 0 : i32
      %dma_wait3A_167 = tpu.memref_slice %arg2[%dma_wait3A_165, %dma_wait3A_166] : memref<20480x128xf32, #tpu.memory_space<hbm>> -> memref<20480x128xf32, #tpu.memory_space<hbm>>
      tpu.wait_indirect_dma semaphore(%arg11 : memref<!tpu.dma_semaphore, #tpu.memory_space<semaphore_mem>>) src(%dma_wait3A_167 : memref<20480x128xf32, #tpu.memory_space<hbm>>) dst(%arg8 : memref<128x128xf32, #tpu.memory_space<vmem>>)
      %run_scoped3A_168 = arith.constant 8 : i32
      "tpu.region"() ({
        %run_scoped3A_278 = tpu.sem_alloc : memref<!tpu.dma_semaphore, #tpu.memory_space<semaphore_mem>>
        %dma_start3A_279 = arith.constant 0 : i32
        %dma_start3A_280 = tpu.memref_slice %arg7[%run_scoped3A_168, %dma_start3A_279] : memref<16x128xi32, #tpu.memory_space<vmem>> -> memref<1x128xi32, #tpu.memory_space<vmem>>
        %dma_start3A_281 = tpu.memref_squeeze %dma_start3A_280 : memref<1x128xi32, #tpu.memory_space<vmem>> -> memref<128xi32, #tpu.memory_space<vmem>>
        %dma_start3A_282 = arith.constant 0 : i32
        %dma_start3A_283 = arith.constant 0 : i32
        %dma_start3A_284 = tpu.memref_slice %arg10[%dma_start3A_282, %dma_start3A_283] : memref<10240x128xf32, #tpu.memory_space<vmem_shared>> -> memref<10240x128xf32, #tpu.memory_space<vmem_shared>>
        tpu.enqueue_indirect_dma source(%arg8 : memref<128x128xf32, #tpu.memory_space<vmem>>) target(%dma_start3A_284 : memref<10240x128xf32, #tpu.memory_space<vmem_shared>>) offsets(%dma_start3A_281 : memref<128xi32, #tpu.memory_space<vmem>>) semaphore(%run_scoped3A_278 : memref<!tpu.dma_semaphore, #tpu.memory_space<semaphore_mem>>) {add = true}
        %dma_wait3A_285 = arith.constant 0 : i32
        %dma_wait3A_286 = tpu.memref_slice %arg7[%run_scoped3A_168, %dma_wait3A_285] : memref<16x128xi32, #tpu.memory_space<vmem>> -> memref<1x128xi32, #tpu.memory_space<vmem>>
        %dma_wait3A_287 = tpu.memref_squeeze %dma_wait3A_286 : memref<1x128xi32, #tpu.memory_space<vmem>> -> memref<128xi32, #tpu.memory_space<vmem>>
        %dma_wait3A_288 = arith.constant 0 : i32
        %dma_wait3A_289 = arith.constant 0 : i32
        %dma_wait3A_290 = tpu.memref_slice %arg10[%dma_wait3A_288, %dma_wait3A_289] : memref<10240x128xf32, #tpu.memory_space<vmem_shared>> -> memref<10240x128xf32, #tpu.memory_space<vmem_shared>>
        tpu.wait_indirect_dma semaphore(%run_scoped3A_278 : memref<!tpu.dma_semaphore, #tpu.memory_space<semaphore_mem>>) src(%arg8 : memref<128x128xf32, #tpu.memory_space<vmem>>) dst(%dma_wait3A_290 : memref<10240x128xf32, #tpu.memory_space<vmem_shared>>)
        tpu.yield
      }) : () -> ()
      %add3A_169 = arith.constant 8 : i32
      %add3A_170 = arith.addi %mul3A_14, %add3A_169 : i32
      %add3A_171 = arith.constant 2 : i32
      %add3A_172 = arith.addi %add3A_170, %add3A_171 : i32
      %dma_start3A_173 = arith.constant 0 : i32
      %dma_start3A_174 = tpu.memref_slice %arg6[%add3A_172, %dma_start3A_173] : memref<80x128xi32, #tpu.memory_space<vmem>> -> memref<1x128xi32, #tpu.memory_space<vmem>>
      %dma_start3A_175 = tpu.memref_squeeze %dma_start3A_174 : memref<1x128xi32, #tpu.memory_space<vmem>> -> memref<128xi32, #tpu.memory_space<vmem>>
      %dma_start3A_176 = arith.constant 0 : i32
      %dma_start3A_177 = arith.constant 0 : i32
      %dma_start3A_178 = tpu.memref_slice %arg2[%dma_start3A_176, %dma_start3A_177] : memref<20480x128xf32, #tpu.memory_space<hbm>> -> memref<20480x128xf32, #tpu.memory_space<hbm>>
      tpu.enqueue_indirect_dma source(%dma_start3A_178 : memref<20480x128xf32, #tpu.memory_space<hbm>>) target(%arg8 : memref<128x128xf32, #tpu.memory_space<vmem>>) offsets(%dma_start3A_175 : memref<128xi32, #tpu.memory_space<vmem>>) semaphore(%arg11 : memref<!tpu.dma_semaphore, #tpu.memory_space<semaphore_mem>>)
      %dma_wait3A_179 = arith.constant 0 : i32
      %dma_wait3A_180 = tpu.memref_slice %arg6[%add3A_155, %dma_wait3A_179] : memref<80x128xi32, #tpu.memory_space<vmem>> -> memref<1x128xi32, #tpu.memory_space<vmem>>
      %dma_wait3A_181 = tpu.memref_squeeze %dma_wait3A_180 : memref<1x128xi32, #tpu.memory_space<vmem>> -> memref<128xi32, #tpu.memory_space<vmem>>
      %dma_wait3A_182 = arith.constant 0 : i32
      %dma_wait3A_183 = arith.constant 0 : i32
      %dma_wait3A_184 = tpu.memref_slice %arg2[%dma_wait3A_182, %dma_wait3A_183] : memref<20480x128xf32, #tpu.memory_space<hbm>> -> memref<20480x128xf32, #tpu.memory_space<hbm>>
      tpu.wait_indirect_dma semaphore(%arg12 : memref<!tpu.dma_semaphore, #tpu.memory_space<semaphore_mem>>) src(%dma_wait3A_184 : memref<20480x128xf32, #tpu.memory_space<hbm>>) dst(%arg9 : memref<128x128xf32, #tpu.memory_space<vmem>>)
      %run_scoped3A_185 = arith.constant 9 : i32
      "tpu.region"() ({
        %run_scoped3A_278 = tpu.sem_alloc : memref<!tpu.dma_semaphore, #tpu.memory_space<semaphore_mem>>
        %dma_start3A_279 = arith.constant 0 : i32
        %dma_start3A_280 = tpu.memref_slice %arg7[%run_scoped3A_185, %dma_start3A_279] : memref<16x128xi32, #tpu.memory_space<vmem>> -> memref<1x128xi32, #tpu.memory_space<vmem>>
        %dma_start3A_281 = tpu.memref_squeeze %dma_start3A_280 : memref<1x128xi32, #tpu.memory_space<vmem>> -> memref<128xi32, #tpu.memory_space<vmem>>
        %dma_start3A_282 = arith.constant 0 : i32
        %dma_start3A_283 = arith.constant 0 : i32
        %dma_start3A_284 = tpu.memref_slice %arg10[%dma_start3A_282, %dma_start3A_283] : memref<10240x128xf32, #tpu.memory_space<vmem_shared>> -> memref<10240x128xf32, #tpu.memory_space<vmem_shared>>
        tpu.enqueue_indirect_dma source(%arg9 : memref<128x128xf32, #tpu.memory_space<vmem>>) target(%dma_start3A_284 : memref<10240x128xf32, #tpu.memory_space<vmem_shared>>) offsets(%dma_start3A_281 : memref<128xi32, #tpu.memory_space<vmem>>) semaphore(%run_scoped3A_278 : memref<!tpu.dma_semaphore, #tpu.memory_space<semaphore_mem>>) {add = true}
        %dma_wait3A_285 = arith.constant 0 : i32
        %dma_wait3A_286 = tpu.memref_slice %arg7[%run_scoped3A_185, %dma_wait3A_285] : memref<16x128xi32, #tpu.memory_space<vmem>> -> memref<1x128xi32, #tpu.memory_space<vmem>>
        %dma_wait3A_287 = tpu.memref_squeeze %dma_wait3A_286 : memref<1x128xi32, #tpu.memory_space<vmem>> -> memref<128xi32, #tpu.memory_space<vmem>>
        %dma_wait3A_288 = arith.constant 0 : i32
        %dma_wait3A_289 = arith.constant 0 : i32
        %dma_wait3A_290 = tpu.memref_slice %arg10[%dma_wait3A_288, %dma_wait3A_289] : memref<10240x128xf32, #tpu.memory_space<vmem_shared>> -> memref<10240x128xf32, #tpu.memory_space<vmem_shared>>
        tpu.wait_indirect_dma semaphore(%run_scoped3A_278 : memref<!tpu.dma_semaphore, #tpu.memory_space<semaphore_mem>>) src(%arg9 : memref<128x128xf32, #tpu.memory_space<vmem>>) dst(%dma_wait3A_290 : memref<10240x128xf32, #tpu.memory_space<vmem_shared>>)
        tpu.yield
      }) : () -> ()
      %add3A_186 = arith.constant 9 : i32
      %add3A_187 = arith.addi %mul3A_14, %add3A_186 : i32
      %add3A_188 = arith.constant 2 : i32
      %add3A_189 = arith.addi %add3A_187, %add3A_188 : i32
      %dma_start3A_190 = arith.constant 0 : i32
      %dma_start3A_191 = tpu.memref_slice %arg6[%add3A_189, %dma_start3A_190] : memref<80x128xi32, #tpu.memory_space<vmem>> -> memref<1x128xi32, #tpu.memory_space<vmem>>
      %dma_start3A_192 = tpu.memref_squeeze %dma_start3A_191 : memref<1x128xi32, #tpu.memory_space<vmem>> -> memref<128xi32, #tpu.memory_space<vmem>>
      %dma_start3A_193 = arith.constant 0 : i32
      %dma_start3A_194 = arith.constant 0 : i32
      %dma_start3A_195 = tpu.memref_slice %arg2[%dma_start3A_193, %dma_start3A_194] : memref<20480x128xf32, #tpu.memory_space<hbm>> -> memref<20480x128xf32, #tpu.memory_space<hbm>>
      tpu.enqueue_indirect_dma source(%dma_start3A_195 : memref<20480x128xf32, #tpu.memory_space<hbm>>) target(%arg9 : memref<128x128xf32, #tpu.memory_space<vmem>>) offsets(%dma_start3A_192 : memref<128xi32, #tpu.memory_space<vmem>>) semaphore(%arg12 : memref<!tpu.dma_semaphore, #tpu.memory_space<semaphore_mem>>)
      %dma_wait3A_196 = arith.constant 0 : i32
      %dma_wait3A_197 = tpu.memref_slice %arg6[%add3A_172, %dma_wait3A_196] : memref<80x128xi32, #tpu.memory_space<vmem>> -> memref<1x128xi32, #tpu.memory_space<vmem>>
      %dma_wait3A_198 = tpu.memref_squeeze %dma_wait3A_197 : memref<1x128xi32, #tpu.memory_space<vmem>> -> memref<128xi32, #tpu.memory_space<vmem>>
      %dma_wait3A_199 = arith.constant 0 : i32
      %dma_wait3A_200 = arith.constant 0 : i32
      %dma_wait3A_201 = tpu.memref_slice %arg2[%dma_wait3A_199, %dma_wait3A_200] : memref<20480x128xf32, #tpu.memory_space<hbm>> -> memref<20480x128xf32, #tpu.memory_space<hbm>>
      tpu.wait_indirect_dma semaphore(%arg11 : memref<!tpu.dma_semaphore, #tpu.memory_space<semaphore_mem>>) src(%dma_wait3A_201 : memref<20480x128xf32, #tpu.memory_space<hbm>>) dst(%arg8 : memref<128x128xf32, #tpu.memory_space<vmem>>)
      %run_scoped3A_202 = arith.constant 10 : i32
      "tpu.region"() ({
        %run_scoped3A_278 = tpu.sem_alloc : memref<!tpu.dma_semaphore, #tpu.memory_space<semaphore_mem>>
        %dma_start3A_279 = arith.constant 0 : i32
        %dma_start3A_280 = tpu.memref_slice %arg7[%run_scoped3A_202, %dma_start3A_279] : memref<16x128xi32, #tpu.memory_space<vmem>> -> memref<1x128xi32, #tpu.memory_space<vmem>>
        %dma_start3A_281 = tpu.memref_squeeze %dma_start3A_280 : memref<1x128xi32, #tpu.memory_space<vmem>> -> memref<128xi32, #tpu.memory_space<vmem>>
        %dma_start3A_282 = arith.constant 0 : i32
        %dma_start3A_283 = arith.constant 0 : i32
        %dma_start3A_284 = tpu.memref_slice %arg10[%dma_start3A_282, %dma_start3A_283] : memref<10240x128xf32, #tpu.memory_space<vmem_shared>> -> memref<10240x128xf32, #tpu.memory_space<vmem_shared>>
        tpu.enqueue_indirect_dma source(%arg8 : memref<128x128xf32, #tpu.memory_space<vmem>>) target(%dma_start3A_284 : memref<10240x128xf32, #tpu.memory_space<vmem_shared>>) offsets(%dma_start3A_281 : memref<128xi32, #tpu.memory_space<vmem>>) semaphore(%run_scoped3A_278 : memref<!tpu.dma_semaphore, #tpu.memory_space<semaphore_mem>>) {add = true}
        %dma_wait3A_285 = arith.constant 0 : i32
        %dma_wait3A_286 = tpu.memref_slice %arg7[%run_scoped3A_202, %dma_wait3A_285] : memref<16x128xi32, #tpu.memory_space<vmem>> -> memref<1x128xi32, #tpu.memory_space<vmem>>
        %dma_wait3A_287 = tpu.memref_squeeze %dma_wait3A_286 : memref<1x128xi32, #tpu.memory_space<vmem>> -> memref<128xi32, #tpu.memory_space<vmem>>
        %dma_wait3A_288 = arith.constant 0 : i32
        %dma_wait3A_289 = arith.constant 0 : i32
        %dma_wait3A_290 = tpu.memref_slice %arg10[%dma_wait3A_288, %dma_wait3A_289] : memref<10240x128xf32, #tpu.memory_space<vmem_shared>> -> memref<10240x128xf32, #tpu.memory_space<vmem_shared>>
        tpu.wait_indirect_dma semaphore(%run_scoped3A_278 : memref<!tpu.dma_semaphore, #tpu.memory_space<semaphore_mem>>) src(%arg8 : memref<128x128xf32, #tpu.memory_space<vmem>>) dst(%dma_wait3A_290 : memref<10240x128xf32, #tpu.memory_space<vmem_shared>>)
        tpu.yield
      }) : () -> ()
      %add3A_203 = arith.constant 10 : i32
      %add3A_204 = arith.addi %mul3A_14, %add3A_203 : i32
      %add3A_205 = arith.constant 2 : i32
      %add3A_206 = arith.addi %add3A_204, %add3A_205 : i32
      %dma_start3A_207 = arith.constant 0 : i32
      %dma_start3A_208 = tpu.memref_slice %arg6[%add3A_206, %dma_start3A_207] : memref<80x128xi32, #tpu.memory_space<vmem>> -> memref<1x128xi32, #tpu.memory_space<vmem>>
      %dma_start3A_209 = tpu.memref_squeeze %dma_start3A_208 : memref<1x128xi32, #tpu.memory_space<vmem>> -> memref<128xi32, #tpu.memory_space<vmem>>
      %dma_start3A_210 = arith.constant 0 : i32
      %dma_start3A_211 = arith.constant 0 : i32
      %dma_start3A_212 = tpu.memref_slice %arg2[%dma_start3A_210, %dma_start3A_211] : memref<20480x128xf32, #tpu.memory_space<hbm>> -> memref<20480x128xf32, #tpu.memory_space<hbm>>
      tpu.enqueue_indirect_dma source(%dma_start3A_212 : memref<20480x128xf32, #tpu.memory_space<hbm>>) target(%arg8 : memref<128x128xf32, #tpu.memory_space<vmem>>) offsets(%dma_start3A_209 : memref<128xi32, #tpu.memory_space<vmem>>) semaphore(%arg11 : memref<!tpu.dma_semaphore, #tpu.memory_space<semaphore_mem>>)
      %dma_wait3A_213 = arith.constant 0 : i32
      %dma_wait3A_214 = tpu.memref_slice %arg6[%add3A_189, %dma_wait3A_213] : memref<80x128xi32, #tpu.memory_space<vmem>> -> memref<1x128xi32, #tpu.memory_space<vmem>>
      %dma_wait3A_215 = tpu.memref_squeeze %dma_wait3A_214 : memref<1x128xi32, #tpu.memory_space<vmem>> -> memref<128xi32, #tpu.memory_space<vmem>>
      %dma_wait3A_216 = arith.constant 0 : i32
      %dma_wait3A_217 = arith.constant 0 : i32
      %dma_wait3A_218 = tpu.memref_slice %arg2[%dma_wait3A_216, %dma_wait3A_217] : memref<20480x128xf32, #tpu.memory_space<hbm>> -> memref<20480x128xf32, #tpu.memory_space<hbm>>
      tpu.wait_indirect_dma semaphore(%arg12 : memref<!tpu.dma_semaphore, #tpu.memory_space<semaphore_mem>>) src(%dma_wait3A_218 : memref<20480x128xf32, #tpu.memory_space<hbm>>) dst(%arg9 : memref<128x128xf32, #tpu.memory_space<vmem>>)
      %run_scoped3A_219 = arith.constant 11 : i32
      "tpu.region"() ({
        %run_scoped3A_278 = tpu.sem_alloc : memref<!tpu.dma_semaphore, #tpu.memory_space<semaphore_mem>>
        %dma_start3A_279 = arith.constant 0 : i32
        %dma_start3A_280 = tpu.memref_slice %arg7[%run_scoped3A_219, %dma_start3A_279] : memref<16x128xi32, #tpu.memory_space<vmem>> -> memref<1x128xi32, #tpu.memory_space<vmem>>
        %dma_start3A_281 = tpu.memref_squeeze %dma_start3A_280 : memref<1x128xi32, #tpu.memory_space<vmem>> -> memref<128xi32, #tpu.memory_space<vmem>>
        %dma_start3A_282 = arith.constant 0 : i32
        %dma_start3A_283 = arith.constant 0 : i32
        %dma_start3A_284 = tpu.memref_slice %arg10[%dma_start3A_282, %dma_start3A_283] : memref<10240x128xf32, #tpu.memory_space<vmem_shared>> -> memref<10240x128xf32, #tpu.memory_space<vmem_shared>>
        tpu.enqueue_indirect_dma source(%arg9 : memref<128x128xf32, #tpu.memory_space<vmem>>) target(%dma_start3A_284 : memref<10240x128xf32, #tpu.memory_space<vmem_shared>>) offsets(%dma_start3A_281 : memref<128xi32, #tpu.memory_space<vmem>>) semaphore(%run_scoped3A_278 : memref<!tpu.dma_semaphore, #tpu.memory_space<semaphore_mem>>) {add = true}
        %dma_wait3A_285 = arith.constant 0 : i32
        %dma_wait3A_286 = tpu.memref_slice %arg7[%run_scoped3A_219, %dma_wait3A_285] : memref<16x128xi32, #tpu.memory_space<vmem>> -> memref<1x128xi32, #tpu.memory_space<vmem>>
        %dma_wait3A_287 = tpu.memref_squeeze %dma_wait3A_286 : memref<1x128xi32, #tpu.memory_space<vmem>> -> memref<128xi32, #tpu.memory_space<vmem>>
        %dma_wait3A_288 = arith.constant 0 : i32
        %dma_wait3A_289 = arith.constant 0 : i32
        %dma_wait3A_290 = tpu.memref_slice %arg10[%dma_wait3A_288, %dma_wait3A_289] : memref<10240x128xf32, #tpu.memory_space<vmem_shared>> -> memref<10240x128xf32, #tpu.memory_space<vmem_shared>>
        tpu.wait_indirect_dma semaphore(%run_scoped3A_278 : memref<!tpu.dma_semaphore, #tpu.memory_space<semaphore_mem>>) src(%arg9 : memref<128x128xf32, #tpu.memory_space<vmem>>) dst(%dma_wait3A_290 : memref<10240x128xf32, #tpu.memory_space<vmem_shared>>)
        tpu.yield
      }) : () -> ()
      %add3A_220 = arith.constant 11 : i32
      %add3A_221 = arith.addi %mul3A_14, %add3A_220 : i32
      %add3A_222 = arith.constant 2 : i32
      %add3A_223 = arith.addi %add3A_221, %add3A_222 : i32
      %dma_start3A_224 = arith.constant 0 : i32
      %dma_start3A_225 = tpu.memref_slice %arg6[%add3A_223, %dma_start3A_224] : memref<80x128xi32, #tpu.memory_space<vmem>> -> memref<1x128xi32, #tpu.memory_space<vmem>>
      %dma_start3A_226 = tpu.memref_squeeze %dma_start3A_225 : memref<1x128xi32, #tpu.memory_space<vmem>> -> memref<128xi32, #tpu.memory_space<vmem>>
      %dma_start3A_227 = arith.constant 0 : i32
      %dma_start3A_228 = arith.constant 0 : i32
      %dma_start3A_229 = tpu.memref_slice %arg2[%dma_start3A_227, %dma_start3A_228] : memref<20480x128xf32, #tpu.memory_space<hbm>> -> memref<20480x128xf32, #tpu.memory_space<hbm>>
      tpu.enqueue_indirect_dma source(%dma_start3A_229 : memref<20480x128xf32, #tpu.memory_space<hbm>>) target(%arg9 : memref<128x128xf32, #tpu.memory_space<vmem>>) offsets(%dma_start3A_226 : memref<128xi32, #tpu.memory_space<vmem>>) semaphore(%arg12 : memref<!tpu.dma_semaphore, #tpu.memory_space<semaphore_mem>>)
      %dma_wait3A_230 = arith.constant 0 : i32
      %dma_wait3A_231 = tpu.memref_slice %arg6[%add3A_206, %dma_wait3A_230] : memref<80x128xi32, #tpu.memory_space<vmem>> -> memref<1x128xi32, #tpu.memory_space<vmem>>
      %dma_wait3A_232 = tpu.memref_squeeze %dma_wait3A_231 : memref<1x128xi32, #tpu.memory_space<vmem>> -> memref<128xi32, #tpu.memory_space<vmem>>
      %dma_wait3A_233 = arith.constant 0 : i32
      %dma_wait3A_234 = arith.constant 0 : i32
      %dma_wait3A_235 = tpu.memref_slice %arg2[%dma_wait3A_233, %dma_wait3A_234] : memref<20480x128xf32, #tpu.memory_space<hbm>> -> memref<20480x128xf32, #tpu.memory_space<hbm>>
      tpu.wait_indirect_dma semaphore(%arg11 : memref<!tpu.dma_semaphore, #tpu.memory_space<semaphore_mem>>) src(%dma_wait3A_235 : memref<20480x128xf32, #tpu.memory_space<hbm>>) dst(%arg8 : memref<128x128xf32, #tpu.memory_space<vmem>>)
      %run_scoped3A_236 = arith.constant 12 : i32
      "tpu.region"() ({
        %run_scoped3A_278 = tpu.sem_alloc : memref<!tpu.dma_semaphore, #tpu.memory_space<semaphore_mem>>
        %dma_start3A_279 = arith.constant 0 : i32
        %dma_start3A_280 = tpu.memref_slice %arg7[%run_scoped3A_236, %dma_start3A_279] : memref<16x128xi32, #tpu.memory_space<vmem>> -> memref<1x128xi32, #tpu.memory_space<vmem>>
        %dma_start3A_281 = tpu.memref_squeeze %dma_start3A_280 : memref<1x128xi32, #tpu.memory_space<vmem>> -> memref<128xi32, #tpu.memory_space<vmem>>
        %dma_start3A_282 = arith.constant 0 : i32
        %dma_start3A_283 = arith.constant 0 : i32
        %dma_start3A_284 = tpu.memref_slice %arg10[%dma_start3A_282, %dma_start3A_283] : memref<10240x128xf32, #tpu.memory_space<vmem_shared>> -> memref<10240x128xf32, #tpu.memory_space<vmem_shared>>
        tpu.enqueue_indirect_dma source(%arg8 : memref<128x128xf32, #tpu.memory_space<vmem>>) target(%dma_start3A_284 : memref<10240x128xf32, #tpu.memory_space<vmem_shared>>) offsets(%dma_start3A_281 : memref<128xi32, #tpu.memory_space<vmem>>) semaphore(%run_scoped3A_278 : memref<!tpu.dma_semaphore, #tpu.memory_space<semaphore_mem>>) {add = true}
        %dma_wait3A_285 = arith.constant 0 : i32
        %dma_wait3A_286 = tpu.memref_slice %arg7[%run_scoped3A_236, %dma_wait3A_285] : memref<16x128xi32, #tpu.memory_space<vmem>> -> memref<1x128xi32, #tpu.memory_space<vmem>>
        %dma_wait3A_287 = tpu.memref_squeeze %dma_wait3A_286 : memref<1x128xi32, #tpu.memory_space<vmem>> -> memref<128xi32, #tpu.memory_space<vmem>>
        %dma_wait3A_288 = arith.constant 0 : i32
        %dma_wait3A_289 = arith.constant 0 : i32
        %dma_wait3A_290 = tpu.memref_slice %arg10[%dma_wait3A_288, %dma_wait3A_289] : memref<10240x128xf32, #tpu.memory_space<vmem_shared>> -> memref<10240x128xf32, #tpu.memory_space<vmem_shared>>
        tpu.wait_indirect_dma semaphore(%run_scoped3A_278 : memref<!tpu.dma_semaphore, #tpu.memory_space<semaphore_mem>>) src(%arg8 : memref<128x128xf32, #tpu.memory_space<vmem>>) dst(%dma_wait3A_290 : memref<10240x128xf32, #tpu.memory_space<vmem_shared>>)
        tpu.yield
      }) : () -> ()
      %add3A_237 = arith.constant 12 : i32
      %add3A_238 = arith.addi %mul3A_14, %add3A_237 : i32
      %add3A_239 = arith.constant 2 : i32
      %add3A_240 = arith.addi %add3A_238, %add3A_239 : i32
      %dma_start3A_241 = arith.constant 0 : i32
      %dma_start3A_242 = tpu.memref_slice %arg6[%add3A_240, %dma_start3A_241] : memref<80x128xi32, #tpu.memory_space<vmem>> -> memref<1x128xi32, #tpu.memory_space<vmem>>
      %dma_start3A_243 = tpu.memref_squeeze %dma_start3A_242 : memref<1x128xi32, #tpu.memory_space<vmem>> -> memref<128xi32, #tpu.memory_space<vmem>>
      %dma_start3A_244 = arith.constant 0 : i32
      %dma_start3A_245 = arith.constant 0 : i32
      %dma_start3A_246 = tpu.memref_slice %arg2[%dma_start3A_244, %dma_start3A_245] : memref<20480x128xf32, #tpu.memory_space<hbm>> -> memref<20480x128xf32, #tpu.memory_space<hbm>>
      tpu.enqueue_indirect_dma source(%dma_start3A_246 : memref<20480x128xf32, #tpu.memory_space<hbm>>) target(%arg8 : memref<128x128xf32, #tpu.memory_space<vmem>>) offsets(%dma_start3A_243 : memref<128xi32, #tpu.memory_space<vmem>>) semaphore(%arg11 : memref<!tpu.dma_semaphore, #tpu.memory_space<semaphore_mem>>)
      %dma_wait3A_247 = arith.constant 0 : i32
      %dma_wait3A_248 = tpu.memref_slice %arg6[%add3A_223, %dma_wait3A_247] : memref<80x128xi32, #tpu.memory_space<vmem>> -> memref<1x128xi32, #tpu.memory_space<vmem>>
      %dma_wait3A_249 = tpu.memref_squeeze %dma_wait3A_248 : memref<1x128xi32, #tpu.memory_space<vmem>> -> memref<128xi32, #tpu.memory_space<vmem>>
      %dma_wait3A_250 = arith.constant 0 : i32
      %dma_wait3A_251 = arith.constant 0 : i32
      %dma_wait3A_252 = tpu.memref_slice %arg2[%dma_wait3A_250, %dma_wait3A_251] : memref<20480x128xf32, #tpu.memory_space<hbm>> -> memref<20480x128xf32, #tpu.memory_space<hbm>>
      tpu.wait_indirect_dma semaphore(%arg12 : memref<!tpu.dma_semaphore, #tpu.memory_space<semaphore_mem>>) src(%dma_wait3A_252 : memref<20480x128xf32, #tpu.memory_space<hbm>>) dst(%arg9 : memref<128x128xf32, #tpu.memory_space<vmem>>)
      %run_scoped3A_253 = arith.constant 13 : i32
      "tpu.region"() ({
        %run_scoped3A_278 = tpu.sem_alloc : memref<!tpu.dma_semaphore, #tpu.memory_space<semaphore_mem>>
        %dma_start3A_279 = arith.constant 0 : i32
        %dma_start3A_280 = tpu.memref_slice %arg7[%run_scoped3A_253, %dma_start3A_279] : memref<16x128xi32, #tpu.memory_space<vmem>> -> memref<1x128xi32, #tpu.memory_space<vmem>>
        %dma_start3A_281 = tpu.memref_squeeze %dma_start3A_280 : memref<1x128xi32, #tpu.memory_space<vmem>> -> memref<128xi32, #tpu.memory_space<vmem>>
        %dma_start3A_282 = arith.constant 0 : i32
        %dma_start3A_283 = arith.constant 0 : i32
        %dma_start3A_284 = tpu.memref_slice %arg10[%dma_start3A_282, %dma_start3A_283] : memref<10240x128xf32, #tpu.memory_space<vmem_shared>> -> memref<10240x128xf32, #tpu.memory_space<vmem_shared>>
        tpu.enqueue_indirect_dma source(%arg9 : memref<128x128xf32, #tpu.memory_space<vmem>>) target(%dma_start3A_284 : memref<10240x128xf32, #tpu.memory_space<vmem_shared>>) offsets(%dma_start3A_281 : memref<128xi32, #tpu.memory_space<vmem>>) semaphore(%run_scoped3A_278 : memref<!tpu.dma_semaphore, #tpu.memory_space<semaphore_mem>>) {add = true}
        %dma_wait3A_285 = arith.constant 0 : i32
        %dma_wait3A_286 = tpu.memref_slice %arg7[%run_scoped3A_253, %dma_wait3A_285] : memref<16x128xi32, #tpu.memory_space<vmem>> -> memref<1x128xi32, #tpu.memory_space<vmem>>
        %dma_wait3A_287 = tpu.memref_squeeze %dma_wait3A_286 : memref<1x128xi32, #tpu.memory_space<vmem>> -> memref<128xi32, #tpu.memory_space<vmem>>
        %dma_wait3A_288 = arith.constant 0 : i32
        %dma_wait3A_289 = arith.constant 0 : i32
        %dma_wait3A_290 = tpu.memref_slice %arg10[%dma_wait3A_288, %dma_wait3A_289] : memref<10240x128xf32, #tpu.memory_space<vmem_shared>> -> memref<10240x128xf32, #tpu.memory_space<vmem_shared>>
        tpu.wait_indirect_dma semaphore(%run_scoped3A_278 : memref<!tpu.dma_semaphore, #tpu.memory_space<semaphore_mem>>) src(%arg9 : memref<128x128xf32, #tpu.memory_space<vmem>>) dst(%dma_wait3A_290 : memref<10240x128xf32, #tpu.memory_space<vmem_shared>>)
        tpu.yield
      }) : () -> ()
      %add3A_254 = arith.constant 13 : i32
      %add3A_255 = arith.addi %mul3A_14, %add3A_254 : i32
      %add3A_256 = arith.constant 2 : i32
      %add3A_257 = arith.addi %add3A_255, %add3A_256 : i32
      %dma_start3A_258 = arith.constant 0 : i32
      %dma_start3A_259 = tpu.memref_slice %arg6[%add3A_257, %dma_start3A_258] : memref<80x128xi32, #tpu.memory_space<vmem>> -> memref<1x128xi32, #tpu.memory_space<vmem>>
      %dma_start3A_260 = tpu.memref_squeeze %dma_start3A_259 : memref<1x128xi32, #tpu.memory_space<vmem>> -> memref<128xi32, #tpu.memory_space<vmem>>
      %dma_start3A_261 = arith.constant 0 : i32
      %dma_start3A_262 = arith.constant 0 : i32
      %dma_start3A_263 = tpu.memref_slice %arg2[%dma_start3A_261, %dma_start3A_262] : memref<20480x128xf32, #tpu.memory_space<hbm>> -> memref<20480x128xf32, #tpu.memory_space<hbm>>
      tpu.enqueue_indirect_dma source(%dma_start3A_263 : memref<20480x128xf32, #tpu.memory_space<hbm>>) target(%arg9 : memref<128x128xf32, #tpu.memory_space<vmem>>) offsets(%dma_start3A_260 : memref<128xi32, #tpu.memory_space<vmem>>) semaphore(%arg12 : memref<!tpu.dma_semaphore, #tpu.memory_space<semaphore_mem>>)
      %dma_wait3A_264 = arith.constant 0 : i32
      %dma_wait3A_265 = tpu.memref_slice %arg6[%add3A_240, %dma_wait3A_264] : memref<80x128xi32, #tpu.memory_space<vmem>> -> memref<1x128xi32, #tpu.memory_space<vmem>>
      %dma_wait3A_266 = tpu.memref_squeeze %dma_wait3A_265 : memref<1x128xi32, #tpu.memory_space<vmem>> -> memref<128xi32, #tpu.memory_space<vmem>>
      %dma_wait3A_267 = arith.constant 0 : i32
      %dma_wait3A_268 = arith.constant 0 : i32
      %dma_wait3A_269 = tpu.memref_slice %arg2[%dma_wait3A_267, %dma_wait3A_268] : memref<20480x128xf32, #tpu.memory_space<hbm>> -> memref<20480x128xf32, #tpu.memory_space<hbm>>
      tpu.wait_indirect_dma semaphore(%arg11 : memref<!tpu.dma_semaphore, #tpu.memory_space<semaphore_mem>>) src(%dma_wait3A_269 : memref<20480x128xf32, #tpu.memory_space<hbm>>) dst(%arg8 : memref<128x128xf32, #tpu.memory_space<vmem>>)
      %run_scoped3A_270 = arith.constant 14 : i32
      "tpu.region"() ({
        %run_scoped3A_278 = tpu.sem_alloc : memref<!tpu.dma_semaphore, #tpu.memory_space<semaphore_mem>>
        %dma_start3A_279 = arith.constant 0 : i32
        %dma_start3A_280 = tpu.memref_slice %arg7[%run_scoped3A_270, %dma_start3A_279] : memref<16x128xi32, #tpu.memory_space<vmem>> -> memref<1x128xi32, #tpu.memory_space<vmem>>
        %dma_start3A_281 = tpu.memref_squeeze %dma_start3A_280 : memref<1x128xi32, #tpu.memory_space<vmem>> -> memref<128xi32, #tpu.memory_space<vmem>>
        %dma_start3A_282 = arith.constant 0 : i32
        %dma_start3A_283 = arith.constant 0 : i32
        %dma_start3A_284 = tpu.memref_slice %arg10[%dma_start3A_282, %dma_start3A_283] : memref<10240x128xf32, #tpu.memory_space<vmem_shared>> -> memref<10240x128xf32, #tpu.memory_space<vmem_shared>>
        tpu.enqueue_indirect_dma source(%arg8 : memref<128x128xf32, #tpu.memory_space<vmem>>) target(%dma_start3A_284 : memref<10240x128xf32, #tpu.memory_space<vmem_shared>>) offsets(%dma_start3A_281 : memref<128xi32, #tpu.memory_space<vmem>>) semaphore(%run_scoped3A_278 : memref<!tpu.dma_semaphore, #tpu.memory_space<semaphore_mem>>) {add = true}
        %dma_wait3A_285 = arith.constant 0 : i32
        %dma_wait3A_286 = tpu.memref_slice %arg7[%run_scoped3A_270, %dma_wait3A_285] : memref<16x128xi32, #tpu.memory_space<vmem>> -> memref<1x128xi32, #tpu.memory_space<vmem>>
        %dma_wait3A_287 = tpu.memref_squeeze %dma_wait3A_286 : memref<1x128xi32, #tpu.memory_space<vmem>> -> memref<128xi32, #tpu.memory_space<vmem>>
        %dma_wait3A_288 = arith.constant 0 : i32
        %dma_wait3A_289 = arith.constant 0 : i32
        %dma_wait3A_290 = tpu.memref_slice %arg10[%dma_wait3A_288, %dma_wait3A_289] : memref<10240x128xf32, #tpu.memory_space<vmem_shared>> -> memref<10240x128xf32, #tpu.memory_space<vmem_shared>>
        tpu.wait_indirect_dma semaphore(%run_scoped3A_278 : memref<!tpu.dma_semaphore, #tpu.memory_space<semaphore_mem>>) src(%arg8 : memref<128x128xf32, #tpu.memory_space<vmem>>) dst(%dma_wait3A_290 : memref<10240x128xf32, #tpu.memory_space<vmem_shared>>)
        tpu.yield
      }) : () -> ()
      %dma_wait3A_271 = arith.constant 0 : i32
      %dma_wait3A_272 = tpu.memref_slice %arg6[%add3A_257, %dma_wait3A_271] : memref<80x128xi32, #tpu.memory_space<vmem>> -> memref<1x128xi32, #tpu.memory_space<vmem>>
      %dma_wait3A_273 = tpu.memref_squeeze %dma_wait3A_272 : memref<1x128xi32, #tpu.memory_space<vmem>> -> memref<128xi32, #tpu.memory_space<vmem>>
      %dma_wait3A_274 = arith.constant 0 : i32
      %dma_wait3A_275 = arith.constant 0 : i32
      %dma_wait3A_276 = tpu.memref_slice %arg2[%dma_wait3A_274, %dma_wait3A_275] : memref<20480x128xf32, #tpu.memory_space<hbm>> -> memref<20480x128xf32, #tpu.memory_space<hbm>>
      tpu.wait_indirect_dma semaphore(%arg12 : memref<!tpu.dma_semaphore, #tpu.memory_space<semaphore_mem>>) src(%dma_wait3A_276 : memref<20480x128xf32, #tpu.memory_space<hbm>>) dst(%arg9 : memref<128x128xf32, #tpu.memory_space<vmem>>)
      %run_scoped3A_277 = arith.constant 15 : i32
      "tpu.region"() ({
        %run_scoped3A_278 = tpu.sem_alloc : memref<!tpu.dma_semaphore, #tpu.memory_space<semaphore_mem>>
        %dma_start3A_279 = arith.constant 0 : i32
        %dma_start3A_280 = tpu.memref_slice %arg7[%run_scoped3A_277, %dma_start3A_279] : memref<16x128xi32, #tpu.memory_space<vmem>> -> memref<1x128xi32, #tpu.memory_space<vmem>>
        %dma_start3A_281 = tpu.memref_squeeze %dma_start3A_280 : memref<1x128xi32, #tpu.memory_space<vmem>> -> memref<128xi32, #tpu.memory_space<vmem>>
        %dma_start3A_282 = arith.constant 0 : i32
        %dma_start3A_283 = arith.constant 0 : i32
        %dma_start3A_284 = tpu.memref_slice %arg10[%dma_start3A_282, %dma_start3A_283] : memref<10240x128xf32, #tpu.memory_space<vmem_shared>> -> memref<10240x128xf32, #tpu.memory_space<vmem_shared>>
        tpu.enqueue_indirect_dma source(%arg9 : memref<128x128xf32, #tpu.memory_space<vmem>>) target(%dma_start3A_284 : memref<10240x128xf32, #tpu.memory_space<vmem_shared>>) offsets(%dma_start3A_281 : memref<128xi32, #tpu.memory_space<vmem>>) semaphore(%run_scoped3A_278 : memref<!tpu.dma_semaphore, #tpu.memory_space<semaphore_mem>>) {add = true}
        %dma_wait3A_285 = arith.constant 0 : i32
        %dma_wait3A_286 = tpu.memref_slice %arg7[%run_scoped3A_277, %dma_wait3A_285] : memref<16x128xi32, #tpu.memory_space<vmem>> -> memref<1x128xi32, #tpu.memory_space<vmem>>
        %dma_wait3A_287 = tpu.memref_squeeze %dma_wait3A_286 : memref<1x128xi32, #tpu.memory_space<vmem>> -> memref<128xi32, #tpu.memory_space<vmem>>
        %dma_wait3A_288 = arith.constant 0 : i32
        %dma_wait3A_289 = arith.constant 0 : i32
        %dma_wait3A_290 = tpu.memref_slice %arg10[%dma_wait3A_288, %dma_wait3A_289] : memref<10240x128xf32, #tpu.memory_space<vmem_shared>> -> memref<10240x128xf32, #tpu.memory_space<vmem_shared>>
        tpu.wait_indirect_dma semaphore(%run_scoped3A_278 : memref<!tpu.dma_semaphore, #tpu.memory_space<semaphore_mem>>) src(%arg9 : memref<128x128xf32, #tpu.memory_space<vmem>>) dst(%dma_wait3A_290 : memref<10240x128xf32, #tpu.memory_space<vmem_shared>>)
        tpu.yield
      }) : () -> ()
    }
    %scan3A_7 = arith.constant 5 : i32
    %barrier3A_8 = arith.constant 0 : index
    tpu.barrier barrier_id(%barrier3A_8)
    %mul3A_9 = arith.constant 10240 : i32
    %mul3A_10 = arith.muli %arg0, %mul3A_9 : i32
    %add3A_11 = arith.addi %mul3A_10, %mul3A_0 : i32
    "tpu.region"() ({
      %run_scoped3A = tpu.sem_alloc : memref<!tpu.dma_semaphore, #tpu.memory_space<semaphore_mem>>
      %dma_start3A = arith.constant 0 : i32
      %dma_start3A_12 = tpu.memref_slice %arg5[%add3A_11, %dma_start3A] : memref<20480x128xf32, #tpu.memory_space<hbm>> -> memref<640x128xf32, #tpu.memory_space<hbm>>
      %dma_start3A_13 = arith.constant 0 : i32
      %dma_start3A_14 = tpu.memref_slice %arg10[%mul3A_0, %dma_start3A_13] : memref<10240x128xf32, #tpu.memory_space<vmem_shared>> -> memref<640x128xf32, #tpu.memory_space<vmem_shared>>
      tpu.enqueue_dma source(%dma_start3A_14 : memref<640x128xf32, #tpu.memory_space<vmem_shared>>) target(%dma_start3A_12 : memref<640x128xf32, #tpu.memory_space<hbm>>) target_semaphore(%run_scoped3A : memref<!tpu.dma_semaphore, #tpu.memory_space<semaphore_mem>>)
      %dma_wait3A = arith.constant 0 : i32
      %dma_wait3A_15 = tpu.memref_slice %arg5[%add3A_11, %dma_wait3A] : memref<20480x128xf32, #tpu.memory_space<hbm>> -> memref<640x128xf32, #tpu.memory_space<hbm>>
      %dma_wait3A_16 = arith.constant 0 : i32
      %dma_wait3A_17 = tpu.memref_slice %arg10[%mul3A_0, %dma_wait3A_16] : memref<10240x128xf32, #tpu.memory_space<vmem_shared>> -> memref<640x128xf32, #tpu.memory_space<vmem_shared>>
      tpu.wait_dma2 semaphore(%run_scoped3A : memref<!tpu.dma_semaphore, #tpu.memory_space<semaphore_mem>>) src(%dma_wait3A_17 : memref<640x128xf32, #tpu.memory_space<vmem_shared>>) dst(%dma_wait3A_15 : memref<640x128xf32, #tpu.memory_space<hbm>>)
      tpu.yield
    }) : () -> ()
    return
  }
}

module attributes {stable_mosaic.version = 14 : i64} {
  func.func @_scale_body(%arg0: i32, %arg1: i32, %arg2: memref<640x128xf32, #tpu.memory_space<vmem>>, %arg3: memref<640x128xf32, #tpu.memory_space<vmem>>, %arg4: memref<640x128xf32, #tpu.memory_space<vmem>>, %arg5: memref<640x1xf32, #tpu.memory_space<vmem>>, %arg6: memref<640x128xf32, #tpu.memory_space<vmem>>) attributes {dimension_semantics = [#tpu.dimension_semantics<arbitrary>, #tpu.dimension_semantics<arbitrary>], iteration_bounds = array<i64: 16, 2>, scalar_prefetch = 0 : i64, scratch_operands = 0 : i64, tpu.core_type = #tpu.core_type<tc>, window_params = [{transform_indices = @transform_0, window_bounds = array<i64: 640, 128>}, {transform_indices = @transform_1, window_bounds = array<i64: 640, 128>}, {transform_indices = @transform_2, window_bounds = array<i64: 640, 128>}, {transform_indices = @transform_3, window_bounds = array<i64: 640, 1>}, {transform_indices = @transform_4, window_bounds = array<i64: 640, 128>}]} {
    %get3A = arith.constant 0 : index
    %get3A_0 = arith.constant 0 : index
    %get3A_1 = vector.load %arg2[%get3A, %get3A_0] : memref<640x128xf32, #tpu.memory_space<vmem>>, vector<640x1xf32>
    %get3A_2 = arith.constant 0 : index
    %get3A_3 = arith.constant 0 : index
    %get3A_4 = vector.load %arg3[%get3A_2, %get3A_3] : memref<640x128xf32, #tpu.memory_space<vmem>>, vector<640x1xf32>
    %add3A = arith.addf %get3A_1, %get3A_4 : vector<640x1xf32>
    %sub3A = arith.constant 1.000000e+00 : f32
    %sub3A_5 = vector.broadcast %sub3A : f32 to vector<640x1xf32>
    %sub3A_6 = arith.subf %add3A, %sub3A_5 : vector<640x1xf32>
    %rsqrt3A = math.rsqrt %sub3A_6 : vector<640x1xf32>
    %swap3A = arith.constant 0 : index
    %swap3A_7 = arith.constant 0 : index
    %swap3A_8 = vector.load %arg5[%swap3A, %swap3A_7] : memref<640x1xf32, #tpu.memory_space<vmem>>, vector<640x1xf32>
    tpu.vector_store %arg5[%swap3A, %swap3A_7], %rsqrt3A {strides = array<i32>} : memref<640x1xf32, #tpu.memory_space<vmem>>, vector<640x1xf32>,
    %get3A_9 = arith.constant 0 : index
    %get3A_10 = arith.constant 0 : index
    %get3A_11 = vector.load %arg4[%get3A_9, %get3A_10] : memref<640x128xf32, #tpu.memory_space<vmem>>, vector<640x128xf32>
    %mul3A = vector.broadcast %rsqrt3A : vector<640x1xf32> to vector<640x128xf32>
    %mul3A_12 = arith.mulf %get3A_11, %mul3A : vector<640x128xf32>
    %swap3A_13 = arith.constant 0 : index
    %swap3A_14 = arith.constant 0 : index
    %swap3A_15 = vector.load %arg6[%swap3A_13, %swap3A_14] : memref<640x128xf32, #tpu.memory_space<vmem>>, vector<640x128xf32>
    tpu.vector_store %arg6[%swap3A_13, %swap3A_14], %mul3A_12 {strides = array<i32>} : memref<640x128xf32, #tpu.memory_space<vmem>>, vector<640x128xf32>,
    return
  }
  func.func @transform_0(%arg0: i32, %arg1: i32) -> (i32, i32) {
    %c0_i32 = arith.constant 0 : i32
    %c0_i32_0 = arith.constant 0 : i32
    return %arg0, %c0_i32 : i32, i32
  }
  func.func @transform_1(%arg0: i32, %arg1: i32) -> (i32, i32) {
    %add3A = arith.constant 16 : i32
    %add3A_0 = arith.addi %add3A, %arg0 : i32
    %c0_i32 = arith.constant 0 : i32
    %c0_i32_1 = arith.constant 0 : i32
    return %add3A_0, %c0_i32 : i32, i32
  }
  func.func @transform_2(%arg0: i32, %arg1: i32) -> (i32, i32) {
    %c0_i32 = arith.constant 0 : i32
    return %arg0, %arg1 : i32, i32
  }
  func.func @transform_3(%arg0: i32, %arg1: i32) -> (i32, i32) {
    %c0_i32 = arith.constant 0 : i32
    %c0_i32_0 = arith.constant 0 : i32
    return %arg0, %c0_i32 : i32, i32
  }
  func.func @transform_4(%arg0: i32, %arg1: i32) -> (i32, i32) {
    %mul3A = arith.constant 16 : i32
    %mul3A_0 = arith.muli %arg1, %mul3A : i32
    %add3A = arith.addi %mul3A_0, %arg0 : i32
    %c0_i32 = arith.constant 0 : i32
    %c0_i32_1 = arith.constant 0 : i32
    return %add3A, %c0_i32 : i32, i32
  }
}

module attributes {stable_mosaic.version = 14 : i64} {
  func.func @_layer1_body(%arg0: i32, %arg1: i32, %arg2: memref<640x128xf32, #tpu.memory_space<vmem>>, %arg3: memref<640x128xf32, #tpu.memory_space<vmem>>, %arg4: memref<640x1xf32, #tpu.memory_space<vmem>>, %arg5: memref<256x128xf32, #tpu.memory_space<vmem>>, %arg6: memref<1x128xf32, #tpu.memory_space<vmem>>, %arg7: memref<640x128xf32, #tpu.memory_space<vmem>>) attributes {dimension_semantics = [#tpu.dimension_semantics<arbitrary>, #tpu.dimension_semantics<arbitrary>], iteration_bounds = array<i64: 16, 2>, scalar_prefetch = 0 : i64, scratch_operands = 0 : i64, tpu.core_type = #tpu.core_type<tc>, window_params = [{transform_indices = @transform_0, window_bounds = array<i64: 640, 128>}, {transform_indices = @transform_1, window_bounds = array<i64: 640, 128>}, {transform_indices = @transform_2, window_bounds = array<i64: 640, 1>}, {transform_indices = @transform_3, window_bounds = array<i64: 256, 128>}, {transform_indices = @transform_4, window_bounds = array<i64: 1, 128>}, {transform_indices = @transform_5, window_bounds = array<i64: 640, 128>}]} {
    %get3A = arith.constant 0 : index
    %get3A_0 = arith.constant 0 : index
    %get3A_1 = vector.load %arg4[%get3A, %get3A_0] : memref<640x1xf32, #tpu.memory_space<vmem>>, vector<640x1xf32>
    %get3A_2 = arith.constant 0 : index
    %get3A_3 = arith.constant 0 : index
    %get3A_4 = vector.load %arg2[%get3A_2, %get3A_3] : memref<640x128xf32, #tpu.memory_space<vmem>>, vector<640x128xf32>
    %mul3A = vector.broadcast %get3A_1 : vector<640x1xf32> to vector<640x128xf32>
    %mul3A_5 = arith.mulf %get3A_4, %mul3A : vector<640x128xf32>
    %get3A_6 = arith.constant 0 : index
    %get3A_7 = arith.constant 0 : index
    %get3A_8 = vector.load %arg3[%get3A_6, %get3A_7] : memref<640x128xf32, #tpu.memory_space<vmem>>, vector<640x128xf32>
    %mul3A_9 = vector.broadcast %get3A_1 : vector<640x1xf32> to vector<640x128xf32>
    %mul3A_10 = arith.mulf %get3A_8, %mul3A_9 : vector<640x128xf32>
    %get3A_11 = arith.constant 0 : index
    %get3A_12 = arith.constant 0 : index
    %get3A_13 = vector.load %arg5[%get3A_11, %get3A_12] : memref<256x128xf32, #tpu.memory_space<vmem>>, vector<128x128xf32>
    %dot_general3A = arith.constant dense<0.000000e+00> : vector<640x128xf32>
    %dot_general3A_14 = tpu.matmul %mul3A_5, %get3A_13, %dot_general3A {dimension_numbers = #tpu.dot_dimension_numbers<[1], [0], [0], [1], [0, 0, 1, 1], [], []>, transpose_lhs_hint = false} : vector<640x128xf32>, vector<128x128xf32>, vector<640x128xf32> -> vector<640x128xf32>
    %get3A_15 = arith.constant 128 : index
    %get3A_16 = arith.constant 0 : index
    %get3A_17 = vector.load %arg5[%get3A_15, %get3A_16] : memref<256x128xf32, #tpu.memory_space<vmem>>, vector<128x128xf32>
    %dot_general3A_18 = arith.constant dense<0.000000e+00> : vector<640x128xf32>
    %dot_general3A_19 = tpu.matmul %mul3A_10, %get3A_17, %dot_general3A_18 {dimension_numbers = #tpu.dot_dimension_numbers<[1], [0], [0], [1], [0, 0, 1, 1], [], []>, transpose_lhs_hint = false} : vector<640x128xf32>, vector<128x128xf32>, vector<640x128xf32> -> vector<640x128xf32>
    %add3A = arith.addf %dot_general3A_14, %dot_general3A_19 : vector<640x128xf32>
    %get3A_20 = arith.constant 0 : index
    %get3A_21 = arith.constant 0 : index
    %get3A_22 = vector.load %arg6[%get3A_20, %get3A_21] : memref<1x128xf32, #tpu.memory_space<vmem>>, vector<1x128xf32>
    %add3A_23 = vector.broadcast %get3A_22 : vector<1x128xf32> to vector<640x128xf32>
    %add3A_24 = arith.addf %add3A, %add3A_23 : vector<640x128xf32>
    %max3A = arith.constant 0.000000e+00 : f32
    %max3A_25 = vector.broadcast %max3A : f32 to vector<640x128xf32>
    %max3A_26 = arith.maximumf %add3A_24, %max3A_25 : vector<640x128xf32>
    %mul3A_27 = vector.broadcast %get3A_1 : vector<640x1xf32> to vector<640x128xf32>
    %mul3A_28 = arith.mulf %mul3A_27, %max3A_26 : vector<640x128xf32>
    %swap3A = arith.constant 0 : index
    %swap3A_29 = arith.constant 0 : index
    %swap3A_30 = vector.load %arg7[%swap3A, %swap3A_29] : memref<640x128xf32, #tpu.memory_space<vmem>>, vector<640x128xf32>
    tpu.vector_store %arg7[%swap3A, %swap3A_29], %mul3A_28 {strides = array<i32>} : memref<640x128xf32, #tpu.memory_space<vmem>>, vector<640x128xf32>,
    return
  }
  func.func @transform_0(%arg0: i32, %arg1: i32) -> (i32, i32) {
    %c0_i32 = arith.constant 0 : i32
    %c0_i32_0 = arith.constant 0 : i32
    return %arg0, %c0_i32 : i32, i32
  }
  func.func @transform_1(%arg0: i32, %arg1: i32) -> (i32, i32) {
    %add3A = arith.constant 16 : i32
    %add3A_0 = arith.addi %add3A, %arg0 : i32
    %c0_i32 = arith.constant 0 : i32
    %c0_i32_1 = arith.constant 0 : i32
    return %add3A_0, %c0_i32 : i32, i32
  }
  func.func @transform_2(%arg0: i32, %arg1: i32) -> (i32, i32) {
    %c0_i32 = arith.constant 0 : i32
    %c0_i32_0 = arith.constant 0 : i32
    return %arg0, %c0_i32 : i32, i32
  }
  func.func @transform_3(%arg0: i32, %arg1: i32) -> (i32, i32) {
    %c0_i32 = arith.constant 0 : i32
    %c0_i32_0 = arith.constant 0 : i32
    return %c0_i32, %arg1 : i32, i32
  }
  func.func @transform_4(%arg0: i32, %arg1: i32) -> (i32, i32) {
    %c0_i32 = arith.constant 0 : i32
    %c0_i32_0 = arith.constant 0 : i32
    return %c0_i32, %arg1 : i32, i32
  }
  func.func @transform_5(%arg0: i32, %arg1: i32) -> (i32, i32) {
    %mul3A = arith.constant 16 : i32
    %mul3A_0 = arith.muli %arg1, %mul3A : i32
    %add3A = arith.addi %mul3A_0, %arg0 : i32
    %c0_i32 = arith.constant 0 : i32
    %c0_i32_1 = arith.constant 0 : i32
    return %add3A, %c0_i32 : i32, i32
  }
}

module attributes {stable_mosaic.version = 14 : i64} {
  func.func @_heads_body(%arg0: i32, %arg1: i32, %arg2: memref<640x128xf32, #tpu.memory_space<vmem>>, %arg3: memref<640x128xf32, #tpu.memory_space<vmem>>, %arg4: memref<640x1xf32, #tpu.memory_space<vmem>>, %arg5: memref<256x128xf32, #tpu.memory_space<vmem>>, %arg6: memref<1x128xf32, #tpu.memory_space<vmem>>, %arg7: memref<256x128xf32, #tpu.memory_space<vmem>>, %arg8: memref<1x128xf32, #tpu.memory_space<vmem>>, %arg9: memref<640x128xf32, #tpu.memory_space<vmem>>, %arg10: memref<640x128xf32, #tpu.memory_space<vmem>>) attributes {dimension_semantics = [#tpu.dimension_semantics<arbitrary>, #tpu.dimension_semantics<arbitrary>], iteration_bounds = array<i64: 16, 2>, scalar_prefetch = 0 : i64, scratch_operands = 0 : i64, tpu.core_type = #tpu.core_type<tc>, window_params = [{transform_indices = @transform_0, window_bounds = array<i64: 640, 128>}, {transform_indices = @transform_1, window_bounds = array<i64: 640, 128>}, {transform_indices = @transform_2, window_bounds = array<i64: 640, 1>}, {transform_indices = @transform_3, window_bounds = array<i64: 256, 128>}, {transform_indices = @transform_4, window_bounds = array<i64: 1, 128>}, {transform_indices = @transform_5, window_bounds = array<i64: 256, 128>}, {transform_indices = @transform_6, window_bounds = array<i64: 1, 128>}, {transform_indices = @transform_7, window_bounds = array<i64: 640, 128>}, {transform_indices = @transform_8, window_bounds = array<i64: 640, 128>}]} {
    %get3A = arith.constant 0 : index
    %get3A_0 = arith.constant 0 : index
    %get3A_1 = vector.load %arg4[%get3A, %get3A_0] : memref<640x1xf32, #tpu.memory_space<vmem>>, vector<640x1xf32>
    %get3A_2 = arith.constant 0 : index
    %get3A_3 = arith.constant 0 : index
    %get3A_4 = vector.load %arg2[%get3A_2, %get3A_3] : memref<640x128xf32, #tpu.memory_space<vmem>>, vector<640x128xf32>
    %mul3A = vector.broadcast %get3A_1 : vector<640x1xf32> to vector<640x128xf32>
    %mul3A_5 = arith.mulf %get3A_4, %mul3A : vector<640x128xf32>
    %get3A_6 = arith.constant 0 : index
    %get3A_7 = arith.constant 0 : index
    %get3A_8 = vector.load %arg3[%get3A_6, %get3A_7] : memref<640x128xf32, #tpu.memory_space<vmem>>, vector<640x128xf32>
    %mul3A_9 = vector.broadcast %get3A_1 : vector<640x1xf32> to vector<640x128xf32>
    %mul3A_10 = arith.mulf %get3A_8, %mul3A_9 : vector<640x128xf32>
    %get3A_11 = arith.constant 0 : index
    %get3A_12 = arith.constant 0 : index
    %get3A_13 = vector.load %arg5[%get3A_11, %get3A_12] : memref<256x128xf32, #tpu.memory_space<vmem>>, vector<128x128xf32>
    %dot_general3A = arith.constant dense<0.000000e+00> : vector<640x128xf32>
    %dot_general3A_14 = tpu.matmul %mul3A_5, %get3A_13, %dot_general3A {dimension_numbers = #tpu.dot_dimension_numbers<[1], [0], [0], [1], [0, 0, 1, 1], [], []>, transpose_lhs_hint = false} : vector<640x128xf32>, vector<128x128xf32>, vector<640x128xf32> -> vector<640x128xf32>
    %get3A_15 = arith.constant 128 : index
    %get3A_16 = arith.constant 0 : index
    %get3A_17 = vector.load %arg5[%get3A_15, %get3A_16] : memref<256x128xf32, #tpu.memory_space<vmem>>, vector<128x128xf32>
    %dot_general3A_18 = arith.constant dense<0.000000e+00> : vector<640x128xf32>
    %dot_general3A_19 = tpu.matmul %mul3A_10, %get3A_17, %dot_general3A_18 {dimension_numbers = #tpu.dot_dimension_numbers<[1], [0], [0], [1], [0, 0, 1, 1], [], []>, transpose_lhs_hint = false} : vector<640x128xf32>, vector<128x128xf32>, vector<640x128xf32> -> vector<640x128xf32>
    %add3A = arith.addf %dot_general3A_14, %dot_general3A_19 : vector<640x128xf32>
    %get3A_20 = arith.constant 0 : index
    %get3A_21 = arith.constant 0 : index
    %get3A_22 = vector.load %arg6[%get3A_20, %get3A_21] : memref<1x128xf32, #tpu.memory_space<vmem>>, vector<1x128xf32>
    %add3A_23 = vector.broadcast %get3A_22 : vector<1x128xf32> to vector<640x128xf32>
    %add3A_24 = arith.addf %add3A, %add3A_23 : vector<640x128xf32>
    %swap3A = arith.constant 0 : index
    %swap3A_25 = arith.constant 0 : index
    %swap3A_26 = vector.load %arg9[%swap3A, %swap3A_25] : memref<640x128xf32, #tpu.memory_space<vmem>>, vector<640x128xf32>
    tpu.vector_store %arg9[%swap3A, %swap3A_25], %add3A_24 {strides = array<i32>} : memref<640x128xf32, #tpu.memory_space<vmem>>, vector<640x128xf32>,
    %get3A_27 = arith.constant 0 : index
    %get3A_28 = arith.constant 0 : index
    %get3A_29 = vector.load %arg7[%get3A_27, %get3A_28] : memref<256x128xf32, #tpu.memory_space<vmem>>, vector<128x128xf32>
    %dot_general3A_30 = arith.constant dense<0.000000e+00> : vector<640x128xf32>
    %dot_general3A_31 = tpu.matmul %mul3A_5, %get3A_29, %dot_general3A_30 {dimension_numbers = #tpu.dot_dimension_numbers<[1], [0], [0], [1], [0, 0, 1, 1], [], []>, transpose_lhs_hint = false} : vector<640x128xf32>, vector<128x128xf32>, vector<640x128xf32> -> vector<640x128xf32>
    %get3A_32 = arith.constant 128 : index
    %get3A_33 = arith.constant 0 : index
    %get3A_34 = vector.load %arg7[%get3A_32, %get3A_33] : memref<256x128xf32, #tpu.memory_space<vmem>>, vector<128x128xf32>
    %dot_general3A_35 = arith.constant dense<0.000000e+00> : vector<640x128xf32>
    %dot_general3A_36 = tpu.matmul %mul3A_10, %get3A_34, %dot_general3A_35 {dimension_numbers = #tpu.dot_dimension_numbers<[1], [0], [0], [1], [0, 0, 1, 1], [], []>, transpose_lhs_hint = false} : vector<640x128xf32>, vector<128x128xf32>, vector<640x128xf32> -> vector<640x128xf32>
    %add3A_37 = arith.addf %dot_general3A_31, %dot_general3A_36 : vector<640x128xf32>
    %get3A_38 = arith.constant 0 : index
    %get3A_39 = arith.constant 0 : index
    %get3A_40 = vector.load %arg8[%get3A_38, %get3A_39] : memref<1x128xf32, #tpu.memory_space<vmem>>, vector<1x128xf32>
    %add3A_41 = vector.broadcast %get3A_40 : vector<1x128xf32> to vector<640x128xf32>
    %add3A_42 = arith.addf %add3A_37, %add3A_41 : vector<640x128xf32>
    %swap3A_43 = arith.constant 0 : index
    %swap3A_44 = arith.constant 0 : index
    %swap3A_45 = vector.load %arg10[%swap3A_43, %swap3A_44] : memref<640x128xf32, #tpu.memory_space<vmem>>, vector<640x128xf32>
    tpu.vector_store %arg10[%swap3A_43, %swap3A_44], %add3A_42 {strides = array<i32>} : memref<640x128xf32, #tpu.memory_space<vmem>>, vector<640x128xf32>,
    return
  }
  func.func @transform_0(%arg0: i32, %arg1: i32) -> (i32, i32) {
    %c0_i32 = arith.constant 0 : i32
    %c0_i32_0 = arith.constant 0 : i32
    return %arg0, %c0_i32 : i32, i32
  }
  func.func @transform_1(%arg0: i32, %arg1: i32) -> (i32, i32) {
    %add3A = arith.constant 16 : i32
    %add3A_0 = arith.addi %add3A, %arg0 : i32
    %c0_i32 = arith.constant 0 : i32
    %c0_i32_1 = arith.constant 0 : i32
    return %add3A_0, %c0_i32 : i32, i32
  }
  func.func @transform_2(%arg0: i32, %arg1: i32) -> (i32, i32) {
    %c0_i32 = arith.constant 0 : i32
    %c0_i32_0 = arith.constant 0 : i32
    return %arg0, %c0_i32 : i32, i32
  }
  func.func @transform_3(%arg0: i32, %arg1: i32) -> (i32, i32) {
    %c0_i32 = arith.constant 0 : i32
    %c0_i32_0 = arith.constant 0 : i32
    return %c0_i32, %arg1 : i32, i32
  }
  func.func @transform_4(%arg0: i32, %arg1: i32) -> (i32, i32) {
    %c0_i32 = arith.constant 0 : i32
    %c0_i32_0 = arith.constant 0 : i32
    return %c0_i32, %arg1 : i32, i32
  }
  func.func @transform_5(%arg0: i32, %arg1: i32) -> (i32, i32) {
    %c0_i32 = arith.constant 0 : i32
    %c0_i32_0 = arith.constant 0 : i32
    return %c0_i32, %arg1 : i32, i32
  }
  func.func @transform_6(%arg0: i32, %arg1: i32) -> (i32, i32) {
    %c0_i32 = arith.constant 0 : i32
    %c0_i32_0 = arith.constant 0 : i32
    return %c0_i32, %arg1 : i32, i32
  }
  func.func @transform_7(%arg0: i32, %arg1: i32) -> (i32, i32) {
    %c0_i32 = arith.constant 0 : i32
    return %arg0, %arg1 : i32, i32
  }
  func.func @transform_8(%arg0: i32, %arg1: i32) -> (i32, i32) {
    %c0_i32 = arith.constant 0 : i32
    return %arg0, %arg1 : i32, i32
  }
}

</mosaic_0001>

<sc_bundles>
// kernel: kernel.11.cloned.1.call-start
scs
__scs_entry_jumppad:
0x0: {  	(pc) =	sbr.rel $0x88, $3  }
0x1: {  	(tag) =	ssettag $0x0;
	lr =	simm.s32 $0x1  }
0x2: {  	[smem:$0x3F99] =	sst lr;
	_ =	strace $0xD0000000  }
0x3: {  	_ = 	snop  }
0x4: {  	_ = 	snop  }
0x5: {  	_ = 	snop  }
0x6: {  	_ = 	snop  }
0x7: {  	_ = 	snop  }
__scs_overlays_trampoline_lowered:
0x8: {  	[smem:$0x3FA8] =	sst s0  }
0x9: {  	[smem:$0x3FA9] =	sst s1  }
0xa: {  	[smem:$0x3FAA] =	sst s2  }
0xb: {  	[smem:$0x3FAB] =	sst s3  }
0xc: {  	[smem:$0x3FAC] =	sst s4  }
0xd: {  	[smem:$0x3FAD] =	sst s5  }
0xe: {  	[smem:$0x3FAE] =	sst s6  }
0xf: {  	[smem:$0x3FAF] =	sst s7  }
0x10: {  	[smem:$0x3FB0] =	sst s8  }
0x11: {  	[smem:$0x3FB1] =	sst s9;
	s0 =	simm.s32 @!p0 $0x0  }
0x12: {  	s1 =	sld [smem:$0x3F97];
	s0 =	simm.s32 @p0 $0x1  }
0x13: {  	[smem:$0x3FB2] =	sst s0;
	s0 =	simm.s32 @!p1 $0x0  }
0x14: {  	s2 =	sld [smem:$0x3F96];
	s0 =	simm.s32 @p1 $0x1  }
0x15: {  	[smem:$0x3FB3] =	sst s0;
	s0 =	simm.s32 @!p2 $0x0  }
0x16: {  	s3 =	sld [smem:$0x3FDB];
	s0 =	simm.s32 @p2 $0x1  }
0x17: {  	s4 =	simm.s32 $0x1BF5;
	[smem:$0x3FB5] =	sst s0  }
0x18: {  	s0 =	sld [smem:$0x3F98];
	_ =	swait.ge [sflag:s4], $0x0  }
0x19: {  	s7 =	sld [smem:$0x3F99]  }
0x1a: {  	s8 =	sadd.s32 $0xFFFFE003, lr  }
0x1b: {  	s9 =	sadd.s32 $0xFFFFFEF7, lr;
	s5 =	simm.s32 $0xFFFFFFFF;
	p2 =	slt.u32 s8, $0xFFFFF086  }
0x1c: {  	p1 =	slt.u32 s9, $0xF7A;
	s5 =	simm.s32 @!p2 $0x0  }
0x1d: {  	s5 =	simm.s32 @p1 $0x1;
	p0 =	seq.s32 s7, s2  }
0x1e: {  	s7 =	smul.u32 @!p0 $0xF7A, s2;
	p2 =	seq.s32 @!p0 s5, $0x0  }
0x1f: {  	s9 =	smul.u32 $0xF7A, s1;
	s8 =	simm.s32 @!p0 $0x1BF5;
	p2 =	por !p2, p0  }
0x20: {  	[sflag:s8] =	ssyncset.s32 @!p0 $0xFFFFF086;
	s6 =	sadd.s32 @!p0 s3, s7;
	s7 =	simm.s32 @!p0 $0x108  }
0x21: {  	s3 =	sadd.s32 s3, s9;
	s6 =	sadd.s32 @!p0 $0x88, s6;
	s7 =	simm.s32 @p2 $0x1082  }
0x22: {  	[simem:s7], [sflag:s8] =	dma.local @!p0 [hbm:s6], $0xF7A  }
0x23: {  	s9 =	sor.u32 $0xD0000000, s2;
	s6 =	simm.s32 $0x108;
	_ =	swait.ge @!p0 [sflag:s8], $0x0  }
0x24: {  	s3 =	sadd.s32 $0x88, s3;
	s6 =	simm.s32 @!p1 $0x1082;
	[sflag:s4] =	ssyncset.s32 $0xFFFFF086  }
0x25: {  	[simem:s6], [sflag:s4] =	dma.local [hbm:s3], $0xF7A  }
0x26: {  	[smem:$0x3F99] =	sst s1;
	(tag) =	ssettag s2;
	_ =	strace s9  }
0x27: {  	s1 =	sld [smem:$0x3FA9]  }
0x28: {  	s2 =	sld [smem:$0x3FAA]  }
0x29: {  	s4 =	sld [smem:$0x3FAC]  }
0x2a: {  	p0 =	seq.s32 s5, $0x0;
	s5 =	sld [smem:$0x3FAD]  }
0x2b: {  	s6 =	sld [smem:$0x3FAE]  }
0x2c: {  	s7 =	sld [smem:$0x3FAF]  }
0x2d: {  	s3 =	simm.s32 $0x108;
	s8 =	sld [smem:$0x3FB0]  }
0x2e: {  	s3 =	simm.s32 @!p0 $0x1082;
	s9 =	sld [smem:$0x3FB1]  }
0x2f: {  	lr =	sadd.s32 s0, s3;
	s0 =	sld [smem:$0x3FA8]  }
0x30: {  	s3 =	sld [smem:$0x3FAB]  }
0x31: {  	[smem:$0x3FB4] =	sst s10  }
0x32: {  	s10 =	sld [smem:$0x3FB2];
	_ =	sdelay $0x3  }
0x33: {  	p0 =	seq.s32 s10, $0x1;
	s10 =	sld [smem:$0x3FB4];
	_ =	sdelay $0x3  }
0x34: {  	[smem:$0x3FB4] =	sst s10  }
0x35: {  	s10 =	sld [smem:$0x3FB3];
	_ =	sdelay $0x3  }
0x36: {  	p1 =	seq.s32 s10, $0x1;
	s10 =	sld [smem:$0x3FB4];
	_ =	sdelay $0x3  }
0x37: {  	[smem:$0x3FB4] =	sst s10  }
0x38: {  	s10 =	sld [smem:$0x3FB5]  }
0x39: {  	_ = 	snop;
	(pc) =	sbr.ind lr, $3  }
0x3a: {  	_ = 	snop  }
0x3b: {  	_ = 	snop  }
0x3c: {  	p2 =	seq.s32 s10, $0x1;
	s10 =	sld [smem:$0x3FB4]  }
0x3d: {  	_ =	shalt  }
0x3e: {  	_ =	shalt  }
0x3f: {  	_ =	shalt  }
0x40: {  	_ =	shalt  }
0x41: {  	_ =	shalt  }
0x42: {  	_ =	shalt  }
0x43: {  	_ =	shalt  }
0x44: {  	_ =	shalt  }
0x45: {  	_ =	shalt  }
0x46: {  	_ =	shalt  }
0x47: {  	_ =	shalt  }
0x48: {  	_ =	shalt  }
0x49: {  	_ =	shalt  }
0x4a: {  	_ =	shalt  }
0x4b: {  	_ =	shalt  }
0x4c: {  	_ =	shalt  }
0x4d: {  	_ =	shalt  }
0x4e: {  	_ =	shalt  }
0x4f: {  	_ =	shalt  }
0x50: {  	_ =	shalt  }
0x51: {  	_ =	shalt  }
0x52: {  	_ =	shalt  }
0x53: {  	_ =	shalt  }
0x54: {  	_ =	shalt  }
0x55: {  	_ =	shalt  }
0x56: {  	_ =	shalt  }
0x57: {  	_ =	shalt  }
0x58: {  	_ =	shalt  }
0x59: {  	_ =	shalt  }
0x5a: {  	_ =	shalt  }
0x5b: {  	_ =	shalt  }
0x5c: {  	_ =	shalt  }
0x5d: {  	_ =	shalt  }
0x5e: {  	_ =	shalt  }
0x5f: {  	_ =	shalt  }
0x60: {  	_ =	shalt  }
0x61: {  	_ =	shalt  }
0x62: {  	_ =	shalt  }
0x63: {  	_ =	shalt  }
0x64: {  	_ =	shalt  }
0x65: {  	_ =	shalt  }
0x66: {  	_ =	shalt  }
0x67: {  	_ =	shalt  }
0x68: {  	_ =	shalt  }
0x69: {  	_ =	shalt  }
0x6a: {  	_ =	shalt  }
0x6b: {  	_ =	shalt  }
0x6c: {  	_ =	shalt  }
0x6d: {  	_ =	shalt  }
0x6e: {  	_ =	shalt  }
0x6f: {  	_ =	shalt  }
0x70: {  	_ =	shalt  }
0x71: {  	_ =	shalt  }
0x72: {  	_ =	shalt  }
0x73: {  	_ =	shalt  }
0x74: {  	_ =	shalt  }
0x75: {  	_ =	shalt  }
0x76: {  	_ =	shalt  }
0x77: {  	_ =	shalt  }
0x78: {  	_ =	shalt  }
0x79: {  	_ =	shalt  }
0x7a: {  	_ =	shalt  }
0x7b: {  	_ =	shalt  }
0x7c: {  	_ =	shalt  }
0x7d: {  	_ =	shalt  }
0x7e: {  	_ =	shalt  }
0x7f: {  	_ =	shalt  }
0x80: {  	_ =	shalt  }
0x81: {  	_ =	shalt  }
0x82: {  	_ =	shalt  }
0x83: {  	_ =	shalt  }
0x84: {  	_ =	shalt  }
0x85: {  	_ =	shalt  }
0x86: {  	_ =	shalt  }
0x87: {  	_ =	shalt  }
.Lfunc_end0:
.L_simem_size_0:
called_computation.1_lowered:
.L_overlay_start_0:
0x88: {  	s2 =	sld [smem:$0x3FD9]  }
0x89: {  	s3 =	sld [smem:$0x3FFE];
	_ =	sdelay $0x1  }
0x8a: {  	s1 =	srdreg.scid  }
0x8b: {  	s0 =	sand.u32 $0x1, s1  }
0x8c: {  	s14 =	sshll.u32 s0, $0xA;
	s2 =	sadd.s32 s3, s2  }
0x8d: {  	s2 =	sadd.s32 s2, s14  }
0x8e: {  	[smem:$0x3FC0] =	sst s2  }
0x8f: {  	_ = 	snop  }
0x90: {  	s2 =	sld [smem:$0x3FD0];
	_ =	sdelay $0x2  }
0x91: {  	s15 =	simm.s32 $0xA;
	s4 =	simm.s32 $0x10  }
0x92: {  	[smem:s4], [sflag:s15] =	dma.local [hbm:s2], $0x1  }
0x93: {  	_ =	swait.eq [sflag:s15], $0x1  }
0x94: {  	[sflag:s15] =	ssyncset.done $0x0  }
0x95: {  	[sflag:s15] =	ssyncadd.s32 $0xFFFFFFFF  }
0x96: {  	s16 =	sld [smem:$0x10];
	(tm) =	ssettm $0x1  }
0x97: {  	s17 =	sld [smem:$0x3FFB];
	_ =	sdelay $0x3  }
0x98: {  	_ =	strace s17  }
0x99: {  	s3 =	sld [smem:$0x3FFC];
	_ =	sdelay $0x3  }
0x9a: {  	_ =	strace s3  }
0x9b: {  	s3 =	sld [smem:$0x3FFD];
	_ =	sdelay $0x3  }
0x9c: {  	_ =	strace s3  }
0x9d: {  	_ =	strace $0x8FFFFFFF  }
0x9e: {  	s18 =	sld [smem:$0x3FDB];
	_ =	sdelay $0x1  }
0x9f: {  	s19 =	simm.s32 $_scs_section_size  }
0xa0: {  	s5 =	simm.s32 $_size__tile_overlayer_lowered;
	s6 =	simm.s32 $_tile_overlayer_lowered  }
0xa1: {  	s22 =	simm.s32 $0x1BFF;
	s21 =	sshll.u32 s6, $0x1;
	s3 =	sadd.s32 s19, s18  }
0xa2: {  	s7 =	simm.s32 $0x0;
	s20 =	sshll.u32 s5, $0x1;
	s5 =	sadd.s32 s21, s3  }
0xa3: {  	[timem:s7], [sflag:s22] =	dma.local [hbm:s5], s20  }
0xa4: {  	_ =	swait.ge [sflag:s22], s20  }
0xa5: {  	s4 =	ssub.s32 $0x0, s20;
	[sflag:s22] =	ssyncset.done $0x0  }
0xa6: {  	[sflag:s22] =	ssyncadd.s32 s4;
	_ =	sdelay $0x1  }
0xa7: {  	s23 =	simm.s32 $0x1B8B  }
0xa8: {  	_ =	swait.ge [sflag:s23], $0x1  }
0xa9: {  	[sflag:s23] =	ssyncset.done $0x0  }
0xaa: {  	s25 =	simm.s32 $0x1B8E;
	s24 =	sld [smem:$0x3FFE];
	[sflag:s23] =	ssyncadd.s32 $0xFFFFFFFF  }
0xab: {  	s26 =	simm.s32 $execute0_lowered;
	[smem:$0x3FD2] =	sst s25  }
0xac: {  	s5 =	sshll.u32 s26, $0x1;
	_ =	strace $0x80000049;
	[dreg:$0x1] =	wrdreg $0xFFFFFFFF  }
0xad: {  	s28 =	simm.s32 $_size_execute0_lowered;
	s3 =	sadd.s32 s3, s5;
	[dreg:$0x0] =	wrdreg $0x0  }
0xae: {  	s5 =	sshll.u32 s28, $0x1;
	[dreg:$0x2] =	wrdreg s3  }
0xaf: {  	[dreg:$0x3] =	wrdreg s5  }
0xb0: {  	[dreg:$0x4] =	wrdreg $0xC0  }
0xb1: {  	_ =	task [dreg:s7], $0x5FFFF  }
0xb2: {  	[dreg:$0x1] =	wrdreg $0xFFFFFFFF  }
0xb3: {  	[dreg:$0x0] =	wrdreg $0x60  }
0xb4: {  	[dreg:$0x2] =	wrdreg s24  }
0xb5: {  	[dreg:$0x3] =	wrdreg s16  }
0xb6: {  	[dreg:$0x4] =	wrdreg $0xB0000  }
0xb7: {  	[dreg:$0x5] =	wrdreg $0x9  }
0xb8: {  	_ =	task.clear_ibuf [dreg:s7], $0x6FFFF;
	_ =	strace $0x90000049  }
0xb9: {  	s29 =	simm.s32 $0x9;
	_ =	strace $0x8000004B  }
0xba: {  	_ =	swait.ge [sflag:s29], $0x1  }
0xbb: {  	[sflag:s29] =	ssyncadd.s32 $0xFFFFFFFF  }
0xbc: {  	_ =	strace $0x9000004B  }
0xbd: {  	_ =	sfence  }
0xbe: {  	s30 =	sld [smem:$0x0];
	_ =	sdelay $0x2  }
0xbf: {  	s31 =	sshll.u32 s1, $0xD;
	s1 =	sshrl.u32 s1, $0x2  }
0xc0: {  	s3 =	sand.u32 $0x4000, s31;
	s1 =	sadd.s32 s1, s30  }
0xc1: {  	s0 =	sor.u32 s3, s0;
	s1 =	sshll.u32 s1, $0x11  }
0xc2: {  	s0 =	sor.u32 s1, s0  }
0xc3: {  	s0 =	sadd.s32 $0x8F2B, s0  }
0xc4: {  	[sflag:s0] =	ssyncadd.remote.s32 $0x1  }
0xc5: {  	_ =	sfence.sel $0xFFFF  }
0xc6: {  	[dreg:$0x0] =	wrdreg $0xFFFFFFFF;
	(pc) =	sbr.abs _section_cstart, $3  }
0xc7: {  	[dreg:$0x1] =	wrdreg $0xFFFFFFFF  }
0xc8: {  	_ =	task.clear_ibuf [dreg:s7], $0x2FFFF;
	_ =	strace $0x9FFFFFFF  }
0xc9: {  	(tm) =	ssettm $0x7FFFFFFF  }
tec
execute0_lowered:
.L_overlay_start_1:
0x0: {  	(tag) =	ssettag $0x1  }
0x1: {  	s5 =	rddreg [dreg:$0x0];
	s0 =	stileid.u32  }
0x2: {  	s1 =	srdreg.scid;
	s6 =	rddreg [dreg:$0x1]  }
0x3: {  	s2 =	rddreg [dreg:$0x2];
	s3 =	simm.s32 $0x0;
	s25 =	simm.s32 $0x2880  }
0x4: {  	s26 =	simm.s32 $0x2900;
	s8 =	sand.u32 $0x1, s1;
	s1 =	rddreg [dreg:$0x3]  }
0x5: {  	s14 =	simm.s32 $0x2980;
	s29 =	simm.s32 $0x2A00;
	[smem:$0x7FF] =	sst s3  }
0x6: {  	s30 =	simm.s32 $0x2A80;
	_ =	strace $0x8000004A;
	[dreg:$0x4] =	wrdreg s25  }
0x7: {  	s15 =	simm.s32 $0x2B00;
	s7 =	smul.u32 $0x500, s0;
	[dreg:$0x5] =	wrdreg s26  }
0x8: {  	s16 =	simm.s32 $0x2B80;
	s9 =	smul.u32 $0x280, s0;
	[dreg:$0x6] =	wrdreg s14  }
0x9: {  	s17 =	simm.s32 $0x2C00;
	s10 =	smul.u32 $0x2800, s0;
	[dreg:$0x7] =	wrdreg s29  }
0xa: {  	s18 =	simm.s32 $0x2C80;
	s21 =	smul.u32 $0x50000, s0;
	[dreg:$0x8] =	wrdreg s30  }
0xb: {  	s31 =	simm.s32 $0x2D80;
	s4 =	smul.u32 $0x2800, s8;
	[dreg:$0x9] =	wrdreg s15  }
0xc: {  	s28 =	sshll.u32 s0, $0x6;
	s11 =	smul.u32 $0x28000, s8;
	[dreg:$0xa] =	wrdreg s16  }
0xd: {  	s8 =	ssub.s32 $0x2, s8;
	s14 =	simm.s32 $0x3000;
	[dreg:$0xb] =	wrdreg s17  }
0xe: {  	s15 =	simm.s32 $0x7000;
	s16 =	simm.s32 $0x2800;
	[dreg:$0xc] =	wrdreg s18  }
0xf: {  	s17 =	simm.s32 $0x1;
	s18 =	simm.s32 $0x2;
	[dreg:$0xe] =	wrdreg s31  }
0x10: {  	s12 =	sadd.s32 s7, s5;
	s23 =	sshrl.u32 s8, $0x1;
	s24 =	sshrl.u32 s21, $0x2  }
0x11: {  	s21 =	simm.s32 $0x2F00;
	s9 =	sadd.s32 s9, s4;
	s4 =	sadd.s32 $0x57400, s5  }
0x12: {  	s20 =	sadd.s32 s10, s11;
	s8 =	ssub.s32 s8, s23;
	s13 =	sadd.s32 s24, s2  }
0x13: {  	s10 =	simm.s32 $0x3;
	s11 =	sor.u32 $0x1C03, s28;
	s23 =	simm.s32 $0x0  }
0x14: {  	s19 =	sshll.u32 s9, $0x4;
	s9 =	sshrl.u32 s20, $0x3;
	s8 =	smax.u32 s8, $0x1  }
0x15: {  	s20 =	simm.s32 $0x2E80;
	s22 =	sadd.s32 s19, s5;
	s5 =	sadd.s32 s6, s9  }
0x16: {  	s6 =	sadd.s32 s4, s19;
	s9 =	sadd.s32 $0x2400, s12;
	s12 =	sshrl.u32 s13, $0x3  }
0x17: {  	s13 =	simm.s32 $0x80;
	s19 =	simm.s32 $0x2D00;
	s7 =	sadd.s32 $0x7400, s22  }
0x18: {  	[dreg:$0xd] =	wrdreg s19;
	s19 =	simm.s32 $0x2E00;
	s22 =	simm.s32 $0x2F80  }
.LBB2_1:
0x19: {  	[tilespmem:s3], [sflag:$0x3] =	stream.linear.gather [hbm4b:s5+s3], $0x2800, $0x38;
	[tilespmem:$0x1F000] =	vst v63  }
0x1a: {  	_ =	swait.ge [sflag:s10], $0x2800  }
0x1b: {  	[sflag:s10] =	ssyncset.done $0x0  }
0x1c: {  	[sflag:s10] =	ssyncadd.s32 $0xFFFFD800  }
0x1d: {  	[spmem:s12], [sflag:s11] =	dma.local [hbm:s6], $0x2800  }
0x1e: {  	_ =	swait.ge [sflag:s10], $0x2800  }
0x1f: {  	[sflag:s10] =	ssyncset.done $0x0  }
0x20: {  	[sflag:s10] =	ssyncadd.s32 $0xFFFFD800  }
0x21: {  	s24 =	simm.s32 $0x0;
	[bflag:$0x0] =	sbarrier.arrive $0xFFFF  }
0x22: {  	[tilespmem:s14], [sflag:$0x1] =	stream.indirect.gather [hbm4b:s4+s13], $0x80, s24, s13, $0xb8;
	[tilespmem:$0x1F000] =	vst v63  }
0x23: {  	s31 =	simm.s32 $0x80  }
0x24: {  	[tilespmem:s15], [sflag:$0x2] =	stream.indirect.gather [hbm4b:s4+s13], $0x80, s31, s13, $0xb8;
	[tilespmem:$0x1F000] =	vst v63  }
0x25: {  	_ = 	snop  }
0x26: {  	[tilespmem:s16], [sflag:$0x3] =	stream.linear.gather [hbm4b:s9+s3], $0x800, $0x38;
	[tilespmem:$0x1F000] =	vst v63  }
0x27: {  	_ =	swait.ge [sflag:s10], $0x800  }
0x28: {  	[sflag:s10] =	ssyncset.done $0x0  }
0x29: {  	[sflag:s10] =	ssyncadd.s32 $0xFFFFF800  }
0x2a: {  	_ =	swait.ge [sflag:s17], $0x4000  }
0x2b: {  	[sflag:s17] =	ssyncset.done $0x0  }
0x2c: {  	[sflag:s17] =	ssyncadd.s32 $0xFFFFC000  }
0x2d: {  	[spmem:s2] =	stream.indirect.scatter.add.f32 [tilespmem:s14], [sflag:$0x3], $0x80, s16, s13, $0xb8;
	[tilespmem:$0x1F000] =	vst v63  }
0x2e: {  	_ =	swait.ge [sflag:s10], $0x4000  }
0x2f: {  	[sflag:s10] =	ssyncset.done $0x0  }
0x30: {  	s25 =	simm.s32 $0x100;
	[sflag:s10] =	ssyncadd.s32 $0xFFFFC000  }
0x31: {  	[tilespmem:s14], [sflag:$0x1] =	stream.indirect.gather [hbm4b:s4+s13], $0x80, s25, s13, $0xb8;
	[tilespmem:$0x1F000] =	vst v63  }
0x32: {  	_ =	swait.ge [sflag:s18], $0x4000  }
0x33: {  	[sflag:s18] =	ssyncset.done $0x0  }
0x34: {  	s26 =	rddreg [dreg:$0x4];
	[sflag:s18] =	ssyncadd.s32 $0xFFFFC000  }
0x35: {  	[spmem:s2] =	stream.indirect.scatter.add.f32 [tilespmem:s15], [sflag:$0x3], $0x80, s26, s13, $0xb8;
	[tilespmem:$0x1F000] =	vst v63  }
0x36: {  	_ =	swait.ge [sflag:s10], $0x4000  }
0x37: {  	[sflag:s10] =	ssyncset.done $0x0  }
0x38: {  	s28 =	simm.s32 $0x180;
	[sflag:s10] =	ssyncadd.s32 $0xFFFFC000  }
0x39: {  	[tilespmem:s15], [sflag:$0x2] =	stream.indirect.gather [hbm4b:s4+s13], $0x80, s28, s13, $0xb8;
	[tilespmem:$0x1F000] =	vst v63  }
0x3a: {  	_ =	swait.ge [sflag:s17], $0x4000  }
0x3b: {  	[sflag:s17] =	ssyncset.done $0x0  }
0x3c: {  	s30 =	rddreg [dreg:$0x5];
	[sflag:s17] =	ssyncadd.s32 $0xFFFFC000  }
0x3d: {  	[spmem:s2] =	stream.indirect.scatter.add.f32 [tilespmem:s14], [sflag:$0x3], $0x80, s30, s13, $0xb8;
	[tilespmem:$0x1F000] =	vst v63  }
0x3e: {  	_ =	swait.ge [sflag:s10], $0x4000  }
0x3f: {  	[sflag:s10] =	ssyncset.done $0x0  }
0x40: {  	s31 =	simm.s32 $0x200;
	[sflag:s10] =	ssyncadd.s32 $0xFFFFC000  }
0x41: {  	[tilespmem:s14], [sflag:$0x1] =	stream.indirect.gather [hbm4b:s4+s13], $0x80, s31, s13, $0xb8;
	[tilespmem:$0x1F000] =	vst v63  }
0x42: {  	_ =	swait.ge [sflag:s18], $0x4000  }
0x43: {  	[sflag:s18] =	ssyncset.done $0x0  }
0x44: {  	s25 =	rddreg [dreg:$0x6];
	[sflag:s18] =	ssyncadd.s32 $0xFFFFC000  }
0x45: {  	[spmem:s2] =	stream.indirect.scatter.add.f32 [tilespmem:s15], [sflag:$0x3], $0x80, s25, s13, $0xb8;
	[tilespmem:$0x1F000] =	vst v63  }
0x46: {  	_ =	swait.ge [sflag:s10], $0x4000  }
0x47: {  	[sflag:s10] =	ssyncset.done $0x0  }
0x48: {  	s26 =	simm.s32 $0x280;
	[sflag:s10] =	ssyncadd.s32 $0xFFFFC000  }
0x49: {  	[tilespmem:s15], [sflag:$0x2] =	stream.indirect.gather [hbm4b:s4+s13], $0x80, s26, s13, $0xb8;
	[tilespmem:$0x1F000] =	vst v63  }
0x4a: {  	_ =	swait.ge [sflag:s17], $0x4000  }
0x4b: {  	[sflag:s17] =	ssyncset.done $0x0  }
0x4c: {  	s28 =	rddreg [dreg:$0x7];
	[sflag:s17] =	ssyncadd.s32 $0xFFFFC000  }
0x4d: {  	[spmem:s2] =	stream.indirect.scatter.add.f32 [tilespmem:s14], [sflag:$0x3], $0x80, s28, s13, $0xb8;
	[tilespmem:$0x1F000] =	vst v63  }
0x4e: {  	_ =	swait.ge [sflag:s10], $0x4000  }
0x4f: {  	[sflag:s10] =	ssyncset.done $0x0  }
0x50: {  	s30 =	simm.s32 $0x300;
	[sflag:s10] =	ssyncadd.s32 $0xFFFFC000  }
0x51: {  	[tilespmem:s14], [sflag:$0x1] =	stream.indirect.gather [hbm4b:s4+s13], $0x80, s30, s13, $0xb8;
	[tilespmem:$0x1F000] =	vst v63  }
0x52: {  	_ =	swait.ge [sflag:s18], $0x4000  }
0x53: {  	[sflag:s18] =	ssyncset.done $0x0  }
0x54: {  	s31 =	rddreg [dreg:$0x8];
	[sflag:s18] =	ssyncadd.s32 $0xFFFFC000  }
0x55: {  	[spmem:s2] =	stream.indirect.scatter.add.f32 [tilespmem:s15], [sflag:$0x3], $0x80, s31, s13, $0xb8;
	[tilespmem:$0x1F000] =	vst v63  }
0x56: {  	_ =	swait.ge [sflag:s10], $0x4000  }
0x57: {  	[sflag:s10] =	ssyncset.done $0x0  }
0x58: {  	s25 =	simm.s32 $0x380;
	[sflag:s10] =	ssyncadd.s32 $0xFFFFC000  }
0x59: {  	[tilespmem:s15], [sflag:$0x2] =	stream.indirect.gather [hbm4b:s4+s13], $0x80, s25, s13, $0xb8;
	[tilespmem:$0x1F000] =	vst v63  }
0x5a: {  	_ =	swait.ge [sflag:s17], $0x4000  }
0x5b: {  	[sflag:s17] =	ssyncset.done $0x0  }
0x5c: {  	s26 =	rddreg [dreg:$0x9];
	[sflag:s17] =	ssyncadd.s32 $0xFFFFC000  }
0x5d: {  	[spmem:s2] =	stream.indirect.scatter.add.f32 [tilespmem:s14], [sflag:$0x3], $0x80, s26, s13, $0xb8;
	[tilespmem:$0x1F000] =	vst v63  }
0x5e: {  	_ =	swait.ge [sflag:s10], $0x4000  }
0x5f: {  	[sflag:s10] =	ssyncset.done $0x0  }
0x60: {  	s28 =	simm.s32 $0x400;
	[sflag:s10] =	ssyncadd.s32 $0xFFFFC000  }
0x61: {  	[tilespmem:s14], [sflag:$0x1] =	stream.indirect.gather [hbm4b:s4+s13], $0x80, s28, s13, $0xb8;
	[tilespmem:$0x1F000] =	vst v63  }
0x62: {  	_ =	swait.ge [sflag:s18], $0x4000  }
0x63: {  	[sflag:s18] =	ssyncset.done $0x0  }
0x64: {  	s30 =	rddreg [dreg:$0xa];
	[sflag:s18] =	ssyncadd.s32 $0xFFFFC000  }
0x65: {  	[spmem:s2] =	stream.indirect.scatter.add.f32 [tilespmem:s15], [sflag:$0x3], $0x80, s30, s13, $0xb8;
	[tilespmem:$0x1F000] =	vst v63  }
0x66: {  	_ =	swait.ge [sflag:s10], $0x4000  }
0x67: {  	[sflag:s10] =	ssyncset.done $0x0  }
0x68: {  	s31 =	simm.s32 $0x480;
	[sflag:s10] =	ssyncadd.s32 $0xFFFFC000  }
0x69: {  	[tilespmem:s15], [sflag:$0x2] =	stream.indirect.gather [hbm4b:s4+s13], $0x80, s31, s13, $0xb8;
	[tilespmem:$0x1F000] =	vst v63  }
0x6a: {  	_ =	swait.ge [sflag:s17], $0x4000  }
0x6b: {  	[sflag:s17] =	ssyncset.done $0x0  }
0x6c: {  	s25 =	rddreg [dreg:$0xb];
	[sflag:s17] =	ssyncadd.s32 $0xFFFFC000  }
0x6d: {  	[spmem:s2] =	stream.indirect.scatter.add.f32 [tilespmem:s14], [sflag:$0x3], $0x80, s25, s13, $0xb8;
	[tilespmem:$0x1F000] =	vst v63  }
0x6e: {  	_ =	swait.ge [sflag:s10], $0x4000  }
0x6f: {  	[sflag:s10] =	ssyncset.done $0x0  }
0x70: {  	s26 =	simm.s32 $0x500;
	[sflag:s10] =	ssyncadd.s32 $0xFFFFC000  }
0x71: {  	[tilespmem:s14], [sflag:$0x1] =	stream.indirect.gather [hbm4b:s4+s13], $0x80, s26, s13, $0xb8;
	[tilespmem:$0x1F000] =	vst v63  }
0x72: {  	_ =	swait.ge [sflag:s18], $0x4000  }
0x73: {  	[sflag:s18] =	ssyncset.done $0x0  }
0x74: {  	s28 =	rddreg [dreg:$0xc];
	[sflag:s18] =	ssyncadd.s32 $0xFFFFC000  }
0x75: {  	[spmem:s2] =	stream.indirect.scatter.add.f32 [tilespmem:s15], [sflag:$0x3], $0x80, s28, s13, $0xb8;
	[tilespmem:$0x1F000] =	vst v63  }
0x76: {  	_ =	swait.ge [sflag:s10], $0x4000  }
0x77: {  	[sflag:s10] =	ssyncset.done $0x0  }
0x78: {  	s30 =	simm.s32 $0x580;
	[sflag:s10] =	ssyncadd.s32 $0xFFFFC000  }
0x79: {  	[tilespmem:s15], [sflag:$0x2] =	stream.indirect.gather [hbm4b:s4+s13], $0x80, s30, s13, $0xb8;
	[tilespmem:$0x1F000] =	vst v63  }
0x7a: {  	_ =	swait.ge [sflag:s17], $0x4000  }
0x7b: {  	[sflag:s17] =	ssyncset.done $0x0  }
0x7c: {  	s31 =	rddreg [dreg:$0xd];
	[sflag:s17] =	ssyncadd.s32 $0xFFFFC000  }
0x7d: {  	[spmem:s2] =	stream.indirect.scatter.add.f32 [tilespmem:s14], [sflag:$0x3], $0x80, s31, s13, $0xb8;
	[tilespmem:$0x1F000] =	vst v63  }
0x7e: {  	_ =	swait.ge [sflag:s10], $0x4000  }
0x7f: {  	[sflag:s10] =	ssyncset.done $0x0  }
0x80: {  	s25 =	simm.s32 $0x600;
	[sflag:s10] =	ssyncadd.s32 $0xFFFFC000  }
0x81: {  	[tilespmem:s14], [sflag:$0x1] =	stream.indirect.gather [hbm4b:s4+s13], $0x80, s25, s13, $0xb8;
	[tilespmem:$0x1F000] =	vst v63  }
0x82: {  	_ =	swait.ge [sflag:s18], $0x4000  }
0x83: {  	[sflag:s18] =	ssyncset.done $0x0  }
0x84: {  	s26 =	rddreg [dreg:$0xe];
	[sflag:s18] =	ssyncadd.s32 $0xFFFFC000  }
0x85: {  	[spmem:s2] =	stream.indirect.scatter.add.f32 [tilespmem:s15], [sflag:$0x3], $0x80, s26, s13, $0xb8;
	[tilespmem:$0x1F000] =	vst v63  }
0x86: {  	_ =	swait.ge [sflag:s10], $0x4000  }
0x87: {  	[sflag:s10] =	ssyncset.done $0x0  }
0x88: {  	s28 =	simm.s32 $0x680;
	[sflag:s10] =	ssyncadd.s32 $0xFFFFC000  }
0x89: {  	[tilespmem:s15], [sflag:$0x2] =	stream.indirect.gather [hbm4b:s4+s13], $0x80, s28, s13, $0xb8;
	[tilespmem:$0x1F000] =	vst v63  }
0x8a: {  	_ =	swait.ge [sflag:s17], $0x4000  }
0x8b: {  	[sflag:s17] =	ssyncset.done $0x0  }
0x8c: {  	[sflag:s17] =	ssyncadd.s32 $0xFFFFC000  }
0x8d: {  	[spmem:s2] =	stream.indirect.scatter.add.f32 [tilespmem:s14], [sflag:$0x3], $0x80, s19, s13, $0xb8;
	[tilespmem:$0x1F000] =	vst v63  }
0x8e: {  	_ =	swait.ge [sflag:s10], $0x4000  }
0x8f: {  	[sflag:s10] =	ssyncset.done $0x0  }
0x90: {  	s30 =	simm.s32 $0x700;
	[sflag:s10] =	ssyncadd.s32 $0xFFFFC000  }
0x91: {  	[tilespmem:s14], [sflag:$0x1] =	stream.indirect.gather [hbm4b:s4+s13], $0x80, s30, s13, $0xb8;
	[tilespmem:$0x1F000] =	vst v63  }
0x92: {  	_ =	swait.ge [sflag:s18], $0x4000  }
0x93: {  	[sflag:s18] =	ssyncset.done $0x0  }
0x94: {  	[sflag:s18] =	ssyncadd.s32 $0xFFFFC000  }
0x95: {  	[spmem:s2] =	stream.indirect.scatter.add.f32 [tilespmem:s15], [sflag:$0x3], $0x80, s20, s13, $0xb8;
	[tilespmem:$0x1F000] =	vst v63  }
0x96: {  	_ =	swait.ge [sflag:s10], $0x4000  }
0x97: {  	[sflag:s10] =	ssyncset.done $0x0  }
0x98: {  	s31 =	simm.s32 $0x780;
	[sflag:s10] =	ssyncadd.s32 $0xFFFFC000  }
0x99: {  	[tilespmem:s15], [sflag:$0x2] =	stream.indirect.gather [hbm4b:s4+s13], $0x80, s31, s13, $0xb8;
	[tilespmem:$0x1F000] =	vst v63  }
0x9a: {  	_ =	swait.ge [sflag:s17], $0x4000  }
0x9b: {  	[sflag:s17] =	ssyncset.done $0x0  }
0x9c: {  	[sflag:s17] =	ssyncadd.s32 $0xFFFFC000  }
0x9d: {  	[spmem:s2] =	stream.indirect.scatter.add.f32 [tilespmem:s14], [sflag:$0x3], $0x80, s21, s13, $0xb8;
	[tilespmem:$0x1F000] =	vst v63  }
0x9e: {  	_ =	swait.ge [sflag:s10], $0x4000  }
0x9f: {  	[sflag:s10] =	ssyncset.done $0x0  }
0xa0: {  	[sflag:s10] =	ssyncadd.s32 $0xFFFFC000  }
0xa1: {  	_ =	swait.ge [sflag:s18], $0x4000  }
0xa2: {  	[sflag:s18] =	ssyncset.done $0x0  }
0xa3: {  	[sflag:s18] =	ssyncadd.s32 $0xFFFFC000  }
0xa4: {  	[spmem:s2] =	stream.indirect.scatter.add.f32 [tilespmem:s15], [sflag:$0x3], $0x80, s22, s13, $0xb8;
	[tilespmem:$0x1F000] =	vst v63  }
0xa5: {  	s29 =	simm.s32 $0x4000;
	_ =	swait.ge [sflag:s10], $0x4000  }
0xa6: {  	s24 =	sadd.s32 $0x100, s9;
	s25 =	simm.s32 $0x2000;
	[sflag:s10] =	ssyncset.done $0x0  }
.LBB2_2:
0xa7: {  	s28 =	sshra.s32 s25, $0x2;
	[sflag:s10] =	ssyncadd.s32 $0xFFFFC000;
	s25 =	smov.u32 s29  }
0xa8: {  	[tilespmem:s14], [sflag:$0x1] =	stream.indirect.gather [hbm4b:s4+s13], $0x80, s28, s13, $0xb8;
	[tilespmem:$0x1F000] =	vst v63  }
0xa9: {  	s26 =	sadd.s32 $0x2000, s29;
	p0 =	sne.s32 s29, $0x8000;
	s29 =	sadd.s32 $0x80, s28  }
0xaa: {  	[tilespmem:s15], [sflag:$0x2] =	stream.indirect.gather [hbm4b:s4+s13], $0x80, s29, s13, $0xb8;
	[tilespmem:$0x1F000] =	vst v63  }
0xab: {  	_ = 	snop  }
0xac: {  	[tilespmem:s16], [sflag:$0x3] =	stream.linear.gather [hbm4b:s24+s3], $0x800, $0x38;
	[tilespmem:$0x1F000] =	vst v63  }
0xad: {  	_ =	swait.ge [sflag:s10], $0x800  }
0xae: {  	[sflag:s10] =	ssyncset.done $0x0  }
0xaf: {  	[sflag:s10] =	ssyncadd.s32 $0xFFFFF800  }
0xb0: {  	_ =	swait.ge [sflag:s17], $0x4000  }
0xb1: {  	[sflag:s17] =	ssyncset.done $0x0  }
0xb2: {  	[sflag:s17] =	ssyncadd.s32 $0xFFFFC000  }
0xb3: {  	[spmem:s2] =	stream.indirect.scatter.add.f32 [tilespmem:s14], [sflag:$0x3], $0x80, s16, s13, $0xb8;
	[tilespmem:$0x1F000] =	vst v63  }
0xb4: {  	_ =	swait.ge [sflag:s10], $0x4000  }
0xb5: {  	[sflag:s10] =	ssyncset.done $0x0  }
0xb6: {  	s29 =	sadd.s32 $0x100, s28;
	[sflag:s10] =	ssyncadd.s32 $0xFFFFC000  }
0xb7: {  	[tilespmem:s14], [sflag:$0x1] =	stream.indirect.gather [hbm4b:s4+s13], $0x80, s29, s13, $0xb8;
	[tilespmem:$0x1F000] =	vst v63  }
0xb8: {  	_ =	swait.ge [sflag:s18], $0x4000  }
0xb9: {  	[sflag:s18] =	ssyncset.done $0x0  }
0xba: {  	s29 =	rddreg [dreg:$0x4];
	[sflag:s18] =	ssyncadd.s32 $0xFFFFC000  }
0xbb: {  	[spmem:s2] =	stream.indirect.scatter.add.f32 [tilespmem:s15], [sflag:$0x3], $0x80, s29, s13, $0xb8;
	[tilespmem:$0x1F000] =	vst v63  }
0xbc: {  	_ =	swait.ge [sflag:s10], $0x4000  }
0xbd: {  	[sflag:s10] =	ssyncset.done $0x0  }
0xbe: {  	s29 =	sadd.s32 $0x180, s28;
	[sflag:s10] =	ssyncadd.s32 $0xFFFFC000  }
0xbf: {  	[tilespmem:s15], [sflag:$0x2] =	stream.indirect.gather [hbm4b:s4+s13], $0x80, s29, s13, $0xb8;
	[tilespmem:$0x1F000] =	vst v63  }
0xc0: {  	_ =	swait.ge [sflag:s17], $0x4000  }
0xc1: {  	[sflag:s17] =	ssyncset.done $0x0  }
0xc2: {  	s29 =	rddreg [dreg:$0x5];
	[sflag:s17] =	ssyncadd.s32 $0xFFFFC000  }
0xc3: {  	[spmem:s2] =	stream.indirect.scatter.add.f32 [tilespmem:s14], [sflag:$0x3], $0x80, s29, s13, $0xb8;
	[tilespmem:$0x1F000] =	vst v63  }
0xc4: {  	_ =	swait.ge [sflag:s10], $0x4000  }
0xc5: {  	[sflag:s10] =	ssyncset.done $0x0  }
0xc6: {  	s29 =	sadd.s32 $0x200, s28;
	[sflag:s10] =	ssyncadd.s32 $0xFFFFC000  }
0xc7: {  	[tilespmem:s14], [sflag:$0x1] =	stream.indirect.gather [hbm4b:s4+s13], $0x80, s29, s13, $0xb8;
	[tilespmem:$0x1F000] =	vst v63  }
0xc8: {  	_ =	swait.ge [sflag:s18], $0x4000  }
0xc9: {  	[sflag:s18] =	ssyncset.done $0x0  }
0xca: {  	s29 =	rddreg [dreg:$0x6];
	[sflag:s18] =	ssyncadd.s32 $0xFFFFC000  }
0xcb: {  	[spmem:s2] =	stream.indirect.scatter.add.f32 [tilespmem:s15], [sflag:$0x3], $0x80, s29, s13, $0xb8;
	[tilespmem:$0x1F000] =	vst v63  }
0xcc: {  	_ =	swait.ge [sflag:s10], $0x4000  }
0xcd: {  	[sflag:s10] =	ssyncset.done $0x0  }
0xce: {  	s29 =	sadd.s32 $0x280, s28;
	[sflag:s10] =	ssyncadd.s32 $0xFFFFC000  }
0xcf: {  	[tilespmem:s15], [sflag:$0x2] =	stream.indirect.gather [hbm4b:s4+s13], $0x80, s29, s13, $0xb8;
	[tilespmem:$0x1F000] =	vst v63  }
0xd0: {  	_ =	swait.ge [sflag:s17], $0x4000  }
0xd1: {  	[sflag:s17] =	ssyncset.done $0x0  }
0xd2: {  	s29 =	rddreg [dreg:$0x7];
	[sflag:s17] =	ssyncadd.s32 $0xFFFFC000  }
0xd3: {  	[spmem:s2] =	stream.indirect.scatter.add.f32 [tilespmem:s14], [sflag:$0x3], $0x80, s29, s13, $0xb8;
	[tilespmem:$0x1F000] =	vst v63  }
0xd4: {  	_ =	swait.ge [sflag:s10], $0x4000  }
0xd5: {  	[sflag:s10] =	ssyncset.done $0x0  }
0xd6: {  	s29 =	sadd.s32 $0x300, s28;
	[sflag:s10] =	ssyncadd.s32 $0xFFFFC000  }
0xd7: {  	[tilespmem:s14], [sflag:$0x1] =	stream.indirect.gather [hbm4b:s4+s13], $0x80, s29, s13, $0xb8;
	[tilespmem:$0x1F000] =	vst v63  }
0xd8: {  	_ =	swait.ge [sflag:s18], $0x4000  }
0xd9: {  	[sflag:s18] =	ssyncset.done $0x0  }
0xda: {  	s29 =	rddreg [dreg:$0x8];
	[sflag:s18] =	ssyncadd.s32 $0xFFFFC000  }
0xdb: {  	[spmem:s2] =	stream.indirect.scatter.add.f32 [tilespmem:s15], [sflag:$0x3], $0x80, s29, s13, $0xb8;
	[tilespmem:$0x1F000] =	vst v63  }
0xdc: {  	_ =	swait.ge [sflag:s10], $0x4000  }
0xdd: {  	[sflag:s10] =	ssyncset.done $0x0  }
0xde: {  	s29 =	sadd.s32 $0x380, s28;
	[sflag:s10] =	ssyncadd.s32 $0xFFFFC000  }
0xdf: {  	[tilespmem:s15], [sflag:$0x2] =	stream.indirect.gather [hbm4b:s4+s13], $0x80, s29, s13, $0xb8;
	[tilespmem:$0x1F000] =	vst v63  }
0xe0: {  	_ =	swait.ge [sflag:s17], $0x4000  }
0xe1: {  	[sflag:s17] =	ssyncset.done $0x0  }
0xe2: {  	s29 =	rddreg [dreg:$0x9];
	[sflag:s17] =	ssyncadd.s32 $0xFFFFC000  }
0xe3: {  	[spmem:s2] =	stream.indirect.scatter.add.f32 [tilespmem:s14], [sflag:$0x3], $0x80, s29, s13, $0xb8;
	[tilespmem:$0x1F000] =	vst v63  }
0xe4: {  	_ =	swait.ge [sflag:s10], $0x4000  }
0xe5: {  	[sflag:s10] =	ssyncset.done $0x0  }
0xe6: {  	s29 =	sadd.s32 $0x400, s28;
	[sflag:s10] =	ssyncadd.s32 $0xFFFFC000  }
0xe7: {  	[tilespmem:s14], [sflag:$0x1] =	stream.indirect.gather [hbm4b:s4+s13], $0x80, s29, s13, $0xb8;
	[tilespmem:$0x1F000] =	vst v63  }
0xe8: {  	_ =	swait.ge [sflag:s18], $0x4000  }
0xe9: {  	[sflag:s18] =	ssyncset.done $0x0  }
0xea: {  	s29 =	rddreg [dreg:$0xa];
	[sflag:s18] =	ssyncadd.s32 $0xFFFFC000  }
0xeb: {  	[spmem:s2] =	stream.indirect.scatter.add.f32 [tilespmem:s15], [sflag:$0x3], $0x80, s29, s13, $0xb8;
	[tilespmem:$0x1F000] =	vst v63  }
0xec: {  	_ =	swait.ge [sflag:s10], $0x4000  }
0xed: {  	[sflag:s10] =	ssyncset.done $0x0  }
0xee: {  	s29 =	sadd.s32 $0x480, s28;
	[sflag:s10] =	ssyncadd.s32 $0xFFFFC000  }
0xef: {  	[tilespmem:s15], [sflag:$0x2] =	stream.indirect.gather [hbm4b:s4+s13], $0x80, s29, s13, $0xb8;
	[tilespmem:$0x1F000] =	vst v63  }
0xf0: {  	_ =	swait.ge [sflag:s17], $0x4000  }
0xf1: {  	[sflag:s17] =	ssyncset.done $0x0  }
0xf2: {  	s29 =	rddreg [dreg:$0xb];
	[sflag:s17] =	ssyncadd.s32 $0xFFFFC000  }
0xf3: {  	[spmem:s2] =	stream.indirect.scatter.add.f32 [tilespmem:s14], [sflag:$0x3], $0x80, s29, s13, $0xb8;
	[tilespmem:$0x1F000] =	vst v63  }
0xf4: {  	_ =	swait.ge [sflag:s10], $0x4000  }
0xf5: {  	[sflag:s10] =	ssyncset.done $0x0  }
0xf6: {  	s29 =	sadd.s32 $0x500, s28;
	[sflag:s10] =	ssyncadd.s32 $0xFFFFC000  }
0xf7: {  	[tilespmem:s14], [sflag:$0x1] =	stream.indirect.gather [hbm4b:s4+s13], $0x80, s29, s13, $0xb8;
	[tilespmem:$0x1F000] =	vst v63  }
0xf8: {  	_ =	swait.ge [sflag:s18], $0x4000  }
0xf9: {  	[sflag:s18] =	ssyncset.done $0x0  }
0xfa: {  	s29 =	rddreg [dreg:$0xc];
	[sflag:s18] =	ssyncadd.s32 $0xFFFFC000  }
0xfb: {  	[spmem:s2] =	stream.indirect.scatter.add.f32 [tilespmem:s15], [sflag:$0x3], $0x80, s29, s13, $0xb8;
	[tilespmem:$0x1F000] =	vst v63  }
0xfc: {  	_ =	swait.ge [sflag:s10], $0x4000  }
0xfd: {  	[sflag:s10] =	ssyncset.done $0x0  }
0xfe: {  	s29 =	sadd.s32 $0x580, s28;
	[sflag:s10] =	ssyncadd.s32 $0xFFFFC000  }
0xff: {  	[tilespmem:s15], [sflag:$0x2] =	stream.indirect.gather [hbm4b:s4+s13], $0x80, s29, s13, $0xb8;
	[tilespmem:$0x1F000] =	vst v63  }
0x100: {  	_ =	swait.ge [sflag:s17], $0x4000  }
0x101: {  	[sflag:s17] =	ssyncset.done $0x0  }
0x102: {  	s29 =	rddreg [dreg:$0xd];
	[sflag:s17] =	ssyncadd.s32 $0xFFFFC000  }
0x103: {  	[spmem:s2] =	stream.indirect.scatter.add.f32 [tilespmem:s14], [sflag:$0x3], $0x80, s29, s13, $0xb8;
	[tilespmem:$0x1F000] =	vst v63  }
0x104: {  	_ =	swait.ge [sflag:s10], $0x4000  }
0x105: {  	[sflag:s10] =	ssyncset.done $0x0  }
0x106: {  	s29 =	sadd.s32 $0x600, s28;
	[sflag:s10] =	ssyncadd.s32 $0xFFFFC000  }
0x107: {  	[tilespmem:s14], [sflag:$0x1] =	stream.indirect.gather [hbm4b:s4+s13], $0x80, s29, s13, $0xb8;
	[tilespmem:$0x1F000] =	vst v63  }
0x108: {  	_ =	swait.ge [sflag:s18], $0x4000  }
0x109: {  	[sflag:s18] =	ssyncset.done $0x0  }
0x10a: {  	s29 =	rddreg [dreg:$0xe];
	[sflag:s18] =	ssyncadd.s32 $0xFFFFC000  }
0x10b: {  	[spmem:s2] =	stream.indirect.scatter.add.f32 [tilespmem:s15], [sflag:$0x3], $0x80, s29, s13, $0xb8;
	[tilespmem:$0x1F000] =	vst v63  }
0x10c: {  	_ =	swait.ge [sflag:s10], $0x4000  }
0x10d: {  	[sflag:s10] =	ssyncset.done $0x0  }
0x10e: {  	s29 =	sadd.s32 $0x680, s28;
	[sflag:s10] =	ssyncadd.s32 $0xFFFFC000  }
0x10f: {  	[tilespmem:s15], [sflag:$0x2] =	stream.indirect.gather [hbm4b:s4+s13], $0x80, s29, s13, $0xb8;
	[tilespmem:$0x1F000] =	vst v63  }
0x110: {  	_ =	swait.ge [sflag:s17], $0x4000  }
0x111: {  	[sflag:s17] =	ssyncset.done $0x0  }
0x112: {  	[sflag:s17] =	ssyncadd.s32 $0xFFFFC000  }
0x113: {  	[spmem:s2] =	stream.indirect.scatter.add.f32 [tilespmem:s14], [sflag:$0x3], $0x80, s19, s13, $0xb8;
	[tilespmem:$0x1F000] =	vst v63  }
0x114: {  	_ =	swait.ge [sflag:s10], $0x4000  }
0x115: {  	[sflag:s10] =	ssyncset.done $0x0  }
0x116: {  	s29 =	sadd.s32 $0x700, s28;
	[sflag:s10] =	ssyncadd.s32 $0xFFFFC000  }
0x117: {  	[tilespmem:s14], [sflag:$0x1] =	stream.indirect.gather [hbm4b:s4+s13], $0x80, s29, s13, $0xb8;
	[tilespmem:$0x1F000] =	vst v63  }
0x118: {  	_ =	swait.ge [sflag:s18], $0x4000  }
0x119: {  	[sflag:s18] =	ssyncset.done $0x0  }
0x11a: {  	[sflag:s18] =	ssyncadd.s32 $0xFFFFC000  }
0x11b: {  	[spmem:s2] =	stream.indirect.scatter.add.f32 [tilespmem:s15], [sflag:$0x3], $0x80, s20, s13, $0xb8;
	[tilespmem:$0x1F000] =	vst v63  }
0x11c: {  	_ =	swait.ge [sflag:s10], $0x4000  }
0x11d: {  	[sflag:s10] =	ssyncset.done $0x0  }
0x11e: {  	s28 =	sadd.s32 $0x780, s28;
	[sflag:s10] =	ssyncadd.s32 $0xFFFFC000  }
0x11f: {  	[tilespmem:s15], [sflag:$0x2] =	stream.indirect.gather [hbm4b:s4+s13], $0x80, s28, s13, $0xb8;
	[tilespmem:$0x1F000] =	vst v63  }
0x120: {  	_ =	swait.ge [sflag:s17], $0x4000  }
0x121: {  	[sflag:s17] =	ssyncset.done $0x0  }
0x122: {  	[sflag:s17] =	ssyncadd.s32 $0xFFFFC000  }
0x123: {  	[spmem:s2] =	stream.indirect.scatter.add.f32 [tilespmem:s14], [sflag:$0x3], $0x80, s21, s13, $0xb8;
	[tilespmem:$0x1F000] =	vst v63  }
0x124: {  	_ =	swait.ge [sflag:s10], $0x4000  }
0x125: {  	[sflag:s10] =	ssyncset.done $0x0  }
0x126: {  	[sflag:s10] =	ssyncadd.s32 $0xFFFFC000  }
0x127: {  	_ =	swait.ge [sflag:s18], $0x4000  }
.Ltmp0:
0x128: {  	[sflag:s18] =	ssyncset.done $0x0;
	(pc) =	sbr.rel @p0 .LBB2_2-.Ltmp0, $4  }
0x129: {  	[sflag:s18] =	ssyncadd.s32 $0xFFFFC000  }
0x12a: {  	[spmem:s2] =	stream.indirect.scatter.add.f32 [tilespmem:s15], [sflag:$0x3], $0x80, s22, s13, $0xb8;
	[tilespmem:$0x1F000] =	vst v63  }
0x12b: {  	_ =	swait.ge [sflag:s10], $0x4000  }
0x12c: {  	s24 =	sadd.s32 $0x100, s24;
	s29 =	smov.u32 s26;
	[sflag:s10] =	ssyncset.done $0x0  }
0x12d: {  	s25 =	sshra.s32 s25, $0x2;
	[sflag:s10] =	ssyncadd.s32 $0xFFFFC000  }
0x12e: {  	[tilespmem:s14], [sflag:$0x1] =	stream.indirect.gather [hbm4b:s4+s13], $0x80, s25, s13, $0xb8;
	[tilespmem:$0x1F000] =	vst v63  }
0x12f: {  	s26 =	sadd.s32 $0x80, s25  }
0x130: {  	[tilespmem:s15], [sflag:$0x2] =	stream.indirect.gather [hbm4b:s4+s13], $0x80, s26, s13, $0xb8;
	[tilespmem:$0x1F000] =	vst v63  }
0x131: {  	_ = 	snop  }
0x132: {  	[tilespmem:s16], [sflag:$0x3] =	stream.linear.gather [hbm4b:s24+s3], $0x800, $0x38;
	[tilespmem:$0x1F000] =	vst v63  }
0x133: {  	_ =	swait.ge [sflag:s10], $0x800  }
0x134: {  	[sflag:s10] =	ssyncset.done $0x0  }
0x135: {  	[sflag:s10] =	ssyncadd.s32 $0xFFFFF800  }
0x136: {  	_ =	swait.ge [sflag:s17], $0x4000  }
0x137: {  	[sflag:s17] =	ssyncset.done $0x0  }
0x138: {  	[sflag:s17] =	ssyncadd.s32 $0xFFFFC000  }
0x139: {  	[spmem:s2] =	stream.indirect.scatter.add.f32 [tilespmem:s14], [sflag:$0x3], $0x80, s16, s13, $0xb8;
	[tilespmem:$0x1F000] =	vst v63  }
0x13a: {  	_ =	swait.ge [sflag:s10], $0x4000  }
0x13b: {  	[sflag:s10] =	ssyncset.done $0x0  }
0x13c: {  	s26 =	sadd.s32 $0x100, s25;
	[sflag:s10] =	ssyncadd.s32 $0xFFFFC000  }
0x13d: {  	[tilespmem:s14], [sflag:$0x1] =	stream.indirect.gather [hbm4b:s4+s13], $0x80, s26, s13, $0xb8;
	[tilespmem:$0x1F000] =	vst v63  }
0x13e: {  	_ =	swait.ge [sflag:s18], $0x4000  }
0x13f: {  	[sflag:s18] =	ssyncset.done $0x0  }
0x140: {  	s28 =	rddreg [dreg:$0x4];
	[sflag:s18] =	ssyncadd.s32 $0xFFFFC000  }
0x141: {  	[spmem:s2] =	stream.indirect.scatter.add.f32 [tilespmem:s15], [sflag:$0x3], $0x80, s28, s13, $0xb8;
	[tilespmem:$0x1F000] =	vst v63  }
0x142: {  	_ =	swait.ge [sflag:s10], $0x4000  }
0x143: {  	[sflag:s10] =	ssyncset.done $0x0  }
0x144: {  	s29 =	sadd.s32 $0x180, s25;
	[sflag:s10] =	ssyncadd.s32 $0xFFFFC000  }
0x145: {  	[tilespmem:s15], [sflag:$0x2] =	stream.indirect.gather [hbm4b:s4+s13], $0x80, s29, s13, $0xb8;
	[tilespmem:$0x1F000] =	vst v63  }
0x146: {  	_ =	swait.ge [sflag:s17], $0x4000  }
0x147: {  	[sflag:s17] =	ssyncset.done $0x0  }
0x148: {  	s30 =	rddreg [dreg:$0x5];
	[sflag:s17] =	ssyncadd.s32 $0xFFFFC000  }
0x149: {  	[spmem:s2] =	stream.indirect.scatter.add.f32 [tilespmem:s14], [sflag:$0x3], $0x80, s30, s13, $0xb8;
	[tilespmem:$0x1F000] =	vst v63  }
0x14a: {  	_ =	swait.ge [sflag:s10], $0x4000  }
0x14b: {  	[sflag:s10] =	ssyncset.done $0x0  }
0x14c: {  	s31 =	sadd.s32 $0x200, s25;
	[sflag:s10] =	ssyncadd.s32 $0xFFFFC000  }
0x14d: {  	[tilespmem:s14], [sflag:$0x1] =	stream.indirect.gather [hbm4b:s4+s13], $0x80, s31, s13, $0xb8;
	[tilespmem:$0x1F000] =	vst v63  }
0x14e: {  	_ =	swait.ge [sflag:s18], $0x4000  }
0x14f: {  	[sflag:s18] =	ssyncset.done $0x0  }
0x150: {  	s26 =	rddreg [dreg:$0x6];
	[sflag:s18] =	ssyncadd.s32 $0xFFFFC000  }
0x151: {  	[spmem:s2] =	stream.indirect.scatter.add.f32 [tilespmem:s15], [sflag:$0x3], $0x80, s26, s13, $0xb8;
	[tilespmem:$0x1F000] =	vst v63  }
0x152: {  	_ =	swait.ge [sflag:s10], $0x4000  }
0x153: {  	[sflag:s10] =	ssyncset.done $0x0  }
0x154: {  	s28 =	sadd.s32 $0x280, s25;
	[sflag:s10] =	ssyncadd.s32 $0xFFFFC000  }
0x155: {  	[tilespmem:s15], [sflag:$0x2] =	stream.indirect.gather [hbm4b:s4+s13], $0x80, s28, s13, $0xb8;
	[tilespmem:$0x1F000] =	vst v63  }
0x156: {  	_ =	swait.ge [sflag:s17], $0x4000  }
0x157: {  	[sflag:s17] =	ssyncset.done $0x0  }
0x158: {  	s29 =	rddreg [dreg:$0x7];
	[sflag:s17] =	ssyncadd.s32 $0xFFFFC000  }
0x159: {  	[spmem:s2] =	stream.indirect.scatter.add.f32 [tilespmem:s14], [sflag:$0x3], $0x80, s29, s13, $0xb8;
	[tilespmem:$0x1F000] =	vst v63  }
0x15a: {  	_ =	swait.ge [sflag:s10], $0x4000  }
0x15b: {  	[sflag:s10] =	ssyncset.done $0x0  }
0x15c: {  	s30 =	sadd.s32 $0x300, s25;
	[sflag:s10] =	ssyncadd.s32 $0xFFFFC000  }
0x15d: {  	[tilespmem:s14], [sflag:$0x1] =	stream.indirect.gather [hbm4b:s4+s13], $0x80, s30, s13, $0xb8;
	[tilespmem:$0x1F000] =	vst v63  }
0x15e: {  	_ =	swait.ge [sflag:s18], $0x4000  }
0x15f: {  	[sflag:s18] =	ssyncset.done $0x0  }
0x160: {  	s31 =	rddreg [dreg:$0x8];
	[sflag:s18] =	ssyncadd.s32 $0xFFFFC000  }
0x161: {  	[spmem:s2] =	stream.indirect.scatter.add.f32 [tilespmem:s15], [sflag:$0x3], $0x80, s31, s13, $0xb8;
	[tilespmem:$0x1F000] =	vst v63  }
0x162: {  	_ =	swait.ge [sflag:s10], $0x4000  }
0x163: {  	[sflag:s10] =	ssyncset.done $0x0  }
0x164: {  	s26 =	sadd.s32 $0x380, s25;
	[sflag:s10] =	ssyncadd.s32 $0xFFFFC000  }
0x165: {  	[tilespmem:s15], [sflag:$0x2] =	stream.indirect.gather [hbm4b:s4+s13], $0x80, s26, s13, $0xb8;
	[tilespmem:$0x1F000] =	vst v63  }
0x166: {  	_ =	swait.ge [sflag:s17], $0x4000  }
0x167: {  	[sflag:s17] =	ssyncset.done $0x0  }
0x168: {  	s28 =	rddreg [dreg:$0x9];
	[sflag:s17] =	ssyncadd.s32 $0xFFFFC000  }
0x169: {  	[spmem:s2] =	stream.indirect.scatter.add.f32 [tilespmem:s14], [sflag:$0x3], $0x80, s28, s13, $0xb8;
	[tilespmem:$0x1F000] =	vst v63  }
0x16a: {  	_ =	swait.ge [sflag:s10], $0x4000  }
0x16b: {  	[sflag:s10] =	ssyncset.done $0x0  }
0x16c: {  	s29 =	sadd.s32 $0x400, s25;
	[sflag:s10] =	ssyncadd.s32 $0xFFFFC000  }
0x16d: {  	[tilespmem:s14], [sflag:$0x1] =	stream.indirect.gather [hbm4b:s4+s13], $0x80, s29, s13, $0xb8;
	[tilespmem:$0x1F000] =	vst v63  }
0x16e: {  	_ =	swait.ge [sflag:s18], $0x4000  }
0x16f: {  	[sflag:s18] =	ssyncset.done $0x0  }
0x170: {  	s30 =	rddreg [dreg:$0xa];
	[sflag:s18] =	ssyncadd.s32 $0xFFFFC000  }
0x171: {  	[spmem:s2] =	stream.indirect.scatter.add.f32 [tilespmem:s15], [sflag:$0x3], $0x80, s30, s13, $0xb8;
	[tilespmem:$0x1F000] =	vst v63  }
0x172: {  	_ =	swait.ge [sflag:s10], $0x4000  }
0x173: {  	[sflag:s10] =	ssyncset.done $0x0  }
0x174: {  	s31 =	sadd.s32 $0x480, s25;
	[sflag:s10] =	ssyncadd.s32 $0xFFFFC000  }
0x175: {  	[tilespmem:s15], [sflag:$0x2] =	stream.indirect.gather [hbm4b:s4+s13], $0x80, s31, s13, $0xb8;
	[tilespmem:$0x1F000] =	vst v63  }
0x176: {  	_ =	swait.ge [sflag:s17], $0x4000  }
0x177: {  	[sflag:s17] =	ssyncset.done $0x0  }
0x178: {  	s26 =	rddreg [dreg:$0xb];
	[sflag:s17] =	ssyncadd.s32 $0xFFFFC000  }
0x179: {  	[spmem:s2] =	stream.indirect.scatter.add.f32 [tilespmem:s14], [sflag:$0x3], $0x80, s26, s13, $0xb8;
	[tilespmem:$0x1F000] =	vst v63  }
0x17a: {  	_ =	swait.ge [sflag:s10], $0x4000  }
0x17b: {  	[sflag:s10] =	ssyncset.done $0x0  }
0x17c: {  	s28 =	sadd.s32 $0x500, s25;
	[sflag:s10] =	ssyncadd.s32 $0xFFFFC000  }
0x17d: {  	[tilespmem:s14], [sflag:$0x1] =	stream.indirect.gather [hbm4b:s4+s13], $0x80, s28, s13, $0xb8;
	[tilespmem:$0x1F000] =	vst v63  }
0x17e: {  	_ =	swait.ge [sflag:s18], $0x4000  }
0x17f: {  	[sflag:s18] =	ssyncset.done $0x0  }
0x180: {  	s29 =	rddreg [dreg:$0xc];
	[sflag:s18] =	ssyncadd.s32 $0xFFFFC000  }
0x181: {  	[spmem:s2] =	stream.indirect.scatter.add.f32 [tilespmem:s15], [sflag:$0x3], $0x80, s29, s13, $0xb8;
	[tilespmem:$0x1F000] =	vst v63  }
0x182: {  	_ =	swait.ge [sflag:s10], $0x4000  }
0x183: {  	[sflag:s10] =	ssyncset.done $0x0  }
0x184: {  	s30 =	sadd.s32 $0x580, s25;
	[sflag:s10] =	ssyncadd.s32 $0xFFFFC000  }
0x185: {  	[tilespmem:s15], [sflag:$0x2] =	stream.indirect.gather [hbm4b:s4+s13], $0x80, s30, s13, $0xb8;
	[tilespmem:$0x1F000] =	vst v63  }
0x186: {  	_ =	swait.ge [sflag:s17], $0x4000  }
0x187: {  	[sflag:s17] =	ssyncset.done $0x0  }
0x188: {  	s31 =	rddreg [dreg:$0xd];
	[sflag:s17] =	ssyncadd.s32 $0xFFFFC000  }
0x189: {  	[spmem:s2] =	stream.indirect.scatter.add.f32 [tilespmem:s14], [sflag:$0x3], $0x80, s31, s13, $0xb8;
	[tilespmem:$0x1F000] =	vst v63  }
0x18a: {  	_ =	swait.ge [sflag:s10], $0x4000  }
0x18b: {  	[sflag:s10] =	ssyncset.done $0x0  }
0x18c: {  	s26 =	sadd.s32 $0x600, s25;
	[sflag:s10] =	ssyncadd.s32 $0xFFFFC000  }
0x18d: {  	[tilespmem:s14], [sflag:$0x1] =	stream.indirect.gather [hbm4b:s4+s13], $0x80, s26, s13, $0xb8;
	[tilespmem:$0x1F000] =	vst v63  }
0x18e: {  	_ =	swait.ge [sflag:s18], $0x4000  }
0x18f: {  	[sflag:s18] =	ssyncset.done $0x0  }
0x190: {  	s28 =	rddreg [dreg:$0xe];
	[sflag:s18] =	ssyncadd.s32 $0xFFFFC000  }
0x191: {  	[spmem:s2] =	stream.indirect.scatter.add.f32 [tilespmem:s15], [sflag:$0x3], $0x80, s28, s13, $0xb8;
	[tilespmem:$0x1F000] =	vst v63  }
0x192: {  	_ =	swait.ge [sflag:s10], $0x4000  }
0x193: {  	[sflag:s10] =	ssyncset.done $0x0  }
0x194: {  	s29 =	sadd.s32 $0x680, s25;
	[sflag:s10] =	ssyncadd.s32 $0xFFFFC000  }
0x195: {  	[tilespmem:s15], [sflag:$0x2] =	stream.indirect.gather [hbm4b:s4+s13], $0x80, s29, s13, $0xb8;
	[tilespmem:$0x1F000] =	vst v63  }
0x196: {  	_ =	swait.ge [sflag:s17], $0x4000  }
0x197: {  	[sflag:s17] =	ssyncset.done $0x0  }
0x198: {  	[sflag:s17] =	ssyncadd.s32 $0xFFFFC000  }
0x199: {  	[spmem:s2] =	stream.indirect.scatter.add.f32 [tilespmem:s14], [sflag:$0x3], $0x80, s19, s13, $0xb8;
	[tilespmem:$0x1F000] =	vst v63  }
0x19a: {  	_ =	swait.ge [sflag:s10], $0x4000  }
0x19b: {  	[sflag:s10] =	ssyncset.done $0x0  }
0x19c: {  	s30 =	sadd.s32 $0x700, s25;
	[sflag:s10] =	ssyncadd.s32 $0xFFFFC000  }
0x19d: {  	[tilespmem:s14], [sflag:$0x1] =	stream.indirect.gather [hbm4b:s4+s13], $0x80, s30, s13, $0xb8;
	[tilespmem:$0x1F000] =	vst v63  }
0x19e: {  	_ =	swait.ge [sflag:s18], $0x4000  }
0x19f: {  	[sflag:s18] =	ssyncset.done $0x0  }
0x1a0: {  	[sflag:s18] =	ssyncadd.s32 $0xFFFFC000  }
0x1a1: {  	[spmem:s2] =	stream.indirect.scatter.add.f32 [tilespmem:s15], [sflag:$0x3], $0x80, s20, s13, $0xb8;
	[tilespmem:$0x1F000] =	vst v63  }
0x1a2: {  	_ =	swait.ge [sflag:s10], $0x4000  }
0x1a3: {  	[sflag:s10] =	ssyncset.done $0x0  }
0x1a4: {  	s31 =	sadd.s32 $0x780, s25;
	[sflag:s10] =	ssyncadd.s32 $0xFFFFC000  }
0x1a5: {  	[tilespmem:s15], [sflag:$0x2] =	stream.indirect.gather [hbm4b:s4+s13], $0x80, s31, s13, $0xb8;
	[tilespmem:$0x1F000] =	vst v63  }
0x1a6: {  	_ =	swait.ge [sflag:s17], $0x4000  }
0x1a7: {  	[sflag:s17] =	ssyncset.done $0x0  }
0x1a8: {  	[sflag:s17] =	ssyncadd.s32 $0xFFFFC000  }
0x1a9: {  	[spmem:s2] =	stream.indirect.scatter.add.f32 [tilespmem:s14], [sflag:$0x3], $0x80, s21, s13, $0xb8;
	[tilespmem:$0x1F000] =	vst v63  }
0x1aa: {  	_ =	swait.ge [sflag:s10], $0x4000  }
0x1ab: {  	[sflag:s10] =	ssyncset.done $0x0  }
0x1ac: {  	[sflag:s10] =	ssyncadd.s32 $0xFFFFC000  }
0x1ad: {  	_ =	swait.ge [sflag:s18], $0x4000  }
0x1ae: {  	[sflag:s18] =	ssyncset.done $0x0  }
0x1af: {  	[sflag:s18] =	ssyncadd.s32 $0xFFFFC000  }
0x1b0: {  	[spmem:s2] =	stream.indirect.scatter.add.f32 [tilespmem:s15], [sflag:$0x3], $0x80, s22, s13, $0xb8;
	[tilespmem:$0x1F000] =	vst v63  }
0x1b1: {  	_ =	swait.ge [sflag:s10], $0x4000  }
0x1b2: {  	s23 =	sadd.s32 $0x1, s23;
	[sflag:s10] =	ssyncset.done $0x0  }
0x1b3: {  	p0 =	sne.s32 s23, s8;
	[sflag:s10] =	ssyncadd.s32 $0xFFFFC000  }
.Ltmp1:
0x1b4: {  	[bflag:$0x0] =	sbarrier.arrive $0xFFFF;
	(pc) =	sbr.rel @p0 .LBB2_1-.Ltmp1, $4  }
0x1b5: {  	[hbm:s7], [sflag:s11] =	dma.local [spmem:s12], $0x2800  }
0x1b6: {  	_ =	swait.ge [sflag:s10], $0x2800  }
0x1b7: {  	[sflag:s10] =	ssyncset.done $0x0  }
0x1b8: {  	[sflag:s10] =	ssyncadd.s32 $0xFFFFD800  }
0x1b9: {  	_ =	sfence.sel $0x180000  }
0x1ba: {  	[bflag:$0x0] =	sbarrier.arrive $0xFFFF  }
0x1bb: {  	p0 =	sne.s32 s0, $0x0;
	_ =	strace $0x9000004A  }
0x1bc: {  	s0 =	sadd.s32 @!p0 $0x100000, s1;
	[bflag:$0x2] =	sbarrier.arrive $0xFFFF  }
0x1bd: {  	[sflag:s0] =	ssyncadd.tile.s32 @!p0 $0x1;
	_ =	shalt  }
.Lfunc_end2:
_tile_overlayer_lowered:
.L_overlay_start_2:
0x1be: {  	(tag) =	ssettag $0x2  }
0x1bf: {  	s0 =	rddreg [dreg:$0x0];
	s2 =	stileid.u32  }
0x1c0: {  	s1 =	rddreg [dreg:$0x1];
	p0 =	sne.s32 s2, $0x0  }
0x1c1: {  	s3 =	rddreg [dreg:$0x2];
	[bflag:$0x3] =	sbarrier.arrive $0xFFFF;
	s2 =	simm.s32 @!p0 $0x1C03  }
0x1c2: {  	[timem:s3], [sflag:s2] =	dma.local @!p0 [hbm:s0], s1  }
0x1c3: {  	s0 =	simm.s32 @!p0 $0x3  }
0x1c4: {  	_ =	swait.ge @!p0 [sflag:s0], s1  }
0x1c5: {  	s1 =	ssub.s32 @!p0 $0x0, s1;
	[sflag:s0] =	ssyncset.done @!p0 $0x0  }
0x1c6: {  	[sflag:s0] =	ssyncadd.s32 @!p0 s1  }
0x1c7: {  	[bflag:$0x3] =	sbarrier.arrive $0xFFFF  }
0x1c8: {  	_ =	shalt  }

// kernel: kernel.14.cloned.1.call-start
scs
__scs_entry_jumppad:
0x0: {  	(pc) =	sbr.rel $0x88, $3  }
0x1: {  	(tag) =	ssettag $0x0;
	lr =	simm.s32 $0x1  }
0x2: {  	[smem:$0x3F99] =	sst lr;
	_ =	strace $0xD0000000  }
0x3: {  	_ = 	snop  }
0x4: {  	_ = 	snop  }
0x5: {  	_ = 	snop  }
0x6: {  	_ = 	snop  }
0x7: {  	_ = 	snop  }
__scs_overlays_trampoline_lowered:
0x8: {  	[smem:$0x3FA8] =	sst s0  }
0x9: {  	[smem:$0x3FA9] =	sst s1  }
0xa: {  	[smem:$0x3FAA] =	sst s2  }
0xb: {  	[smem:$0x3FAB] =	sst s3  }
0xc: {  	[smem:$0x3FAC] =	sst s4  }
0xd: {  	[smem:$0x3FAD] =	sst s5  }
0xe: {  	[smem:$0x3FAE] =	sst s6  }
0xf: {  	[smem:$0x3FAF] =	sst s7  }
0x10: {  	[smem:$0x3FB0] =	sst s8  }
0x11: {  	[smem:$0x3FB1] =	sst s9;
	s0 =	simm.s32 @!p0 $0x0  }
0x12: {  	s1 =	sld [smem:$0x3F97];
	s0 =	simm.s32 @p0 $0x1  }
0x13: {  	[smem:$0x3FB2] =	sst s0;
	s0 =	simm.s32 @!p1 $0x0  }
0x14: {  	s2 =	sld [smem:$0x3F96];
	s0 =	simm.s32 @p1 $0x1  }
0x15: {  	[smem:$0x3FB3] =	sst s0;
	s0 =	simm.s32 @!p2 $0x0  }
0x16: {  	s3 =	sld [smem:$0x3FDB];
	s0 =	simm.s32 @p2 $0x1  }
0x17: {  	s4 =	simm.s32 $0x1BF5;
	[smem:$0x3FB5] =	sst s0  }
0x18: {  	s0 =	sld [smem:$0x3F98];
	_ =	swait.ge [sflag:s4], $0x0  }
0x19: {  	s7 =	sld [smem:$0x3F99]  }
0x1a: {  	s8 =	sadd.s32 $0xFFFFE003, lr  }
0x1b: {  	s9 =	sadd.s32 $0xFFFFFEF7, lr;
	s5 =	simm.s32 $0xFFFFFFFF;
	p2 =	slt.u32 s8, $0xFFFFF086  }
0x1c: {  	p1 =	slt.u32 s9, $0xF7A;
	s5 =	simm.s32 @!p2 $0x0  }
0x1d: {  	s5 =	simm.s32 @p1 $0x1;
	p0 =	seq.s32 s7, s2  }
0x1e: {  	s7 =	smul.u32 @!p0 $0xF7A, s2;
	p2 =	seq.s32 @!p0 s5, $0x0  }
0x1f: {  	s9 =	smul.u32 $0xF7A, s1;
	s8 =	simm.s32 @!p0 $0x1BF5;
	p2 =	por !p2, p0  }
0x20: {  	[sflag:s8] =	ssyncset.s32 @!p0 $0xFFFFF086;
	s6 =	sadd.s32 @!p0 s3, s7;
	s7 =	simm.s32 @!p0 $0x108  }
0x21: {  	s3 =	sadd.s32 s3, s9;
	s6 =	sadd.s32 @!p0 $0x88, s6;
	s7 =	simm.s32 @p2 $0x1082  }
0x22: {  	[simem:s7], [sflag:s8] =	dma.local @!p0 [hbm:s6], $0xF7A  }
0x23: {  	s9 =	sor.u32 $0xD0000000, s2;
	s6 =	simm.s32 $0x108;
	_ =	swait.ge @!p0 [sflag:s8], $0x0  }
0x24: {  	s3 =	sadd.s32 $0x88, s3;
	s6 =	simm.s32 @!p1 $0x1082;
	[sflag:s4] =	ssyncset.s32 $0xFFFFF086  }
0x25: {  	[simem:s6], [sflag:s4] =	dma.local [hbm:s3], $0xF7A  }
0x26: {  	[smem:$0x3F99] =	sst s1;
	(tag) =	ssettag s2;
	_ =	strace s9  }
0x27: {  	s1 =	sld [smem:$0x3FA9]  }
0x28: {  	s2 =	sld [smem:$0x3FAA]  }
0x29: {  	s4 =	sld [smem:$0x3FAC]  }
0x2a: {  	p0 =	seq.s32 s5, $0x0;
	s5 =	sld [smem:$0x3FAD]  }
0x2b: {  	s6 =	sld [smem:$0x3FAE]  }
0x2c: {  	s7 =	sld [smem:$0x3FAF]  }
0x2d: {  	s3 =	simm.s32 $0x108;
	s8 =	sld [smem:$0x3FB0]  }
0x2e: {  	s3 =	simm.s32 @!p0 $0x1082;
	s9 =	sld [smem:$0x3FB1]  }
0x2f: {  	lr =	sadd.s32 s0, s3;
	s0 =	sld [smem:$0x3FA8]  }
0x30: {  	s3 =	sld [smem:$0x3FAB]  }
0x31: {  	[smem:$0x3FB4] =	sst s10  }
0x32: {  	s10 =	sld [smem:$0x3FB2];
	_ =	sdelay $0x3  }
0x33: {  	p0 =	seq.s32 s10, $0x1;
	s10 =	sld [smem:$0x3FB4];
	_ =	sdelay $0x3  }
0x34: {  	[smem:$0x3FB4] =	sst s10  }
0x35: {  	s10 =	sld [smem:$0x3FB3];
	_ =	sdelay $0x3  }
0x36: {  	p1 =	seq.s32 s10, $0x1;
	s10 =	sld [smem:$0x3FB4];
	_ =	sdelay $0x3  }
0x37: {  	[smem:$0x3FB4] =	sst s10  }
0x38: {  	s10 =	sld [smem:$0x3FB5]  }
0x39: {  	_ = 	snop;
	(pc) =	sbr.ind lr, $3  }
0x3a: {  	_ = 	snop  }
0x3b: {  	_ = 	snop  }
0x3c: {  	p2 =	seq.s32 s10, $0x1;
	s10 =	sld [smem:$0x3FB4]  }
0x3d: {  	_ =	shalt  }
0x3e: {  	_ =	shalt  }
0x3f: {  	_ =	shalt  }
0x40: {  	_ =	shalt  }
0x41: {  	_ =	shalt  }
0x42: {  	_ =	shalt  }
0x43: {  	_ =	shalt  }
0x44: {  	_ =	shalt  }
0x45: {  	_ =	shalt  }
0x46: {  	_ =	shalt  }
0x47: {  	_ =	shalt  }
0x48: {  	_ =	shalt  }
0x49: {  	_ =	shalt  }
0x4a: {  	_ =	shalt  }
0x4b: {  	_ =	shalt  }
0x4c: {  	_ =	shalt  }
0x4d: {  	_ =	shalt  }
0x4e: {  	_ =	shalt  }
0x4f: {  	_ =	shalt  }
0x50: {  	_ =	shalt  }
0x51: {  	_ =	shalt  }
0x52: {  	_ =	shalt  }
0x53: {  	_ =	shalt  }
0x54: {  	_ =	shalt  }
0x55: {  	_ =	shalt  }
0x56: {  	_ =	shalt  }
0x57: {  	_ =	shalt  }
0x58: {  	_ =	shalt  }
0x59: {  	_ =	shalt  }
0x5a: {  	_ =	shalt  }
0x5b: {  	_ =	shalt  }
0x5c: {  	_ =	shalt  }
0x5d: {  	_ =	shalt  }
0x5e: {  	_ =	shalt  }
0x5f: {  	_ =	shalt  }
0x60: {  	_ =	shalt  }
0x61: {  	_ =	shalt  }
0x62: {  	_ =	shalt  }
0x63: {  	_ =	shalt  }
0x64: {  	_ =	shalt  }
0x65: {  	_ =	shalt  }
0x66: {  	_ =	shalt  }
0x67: {  	_ =	shalt  }
0x68: {  	_ =	shalt  }
0x69: {  	_ =	shalt  }
0x6a: {  	_ =	shalt  }
0x6b: {  	_ =	shalt  }
0x6c: {  	_ =	shalt  }
0x6d: {  	_ =	shalt  }
0x6e: {  	_ =	shalt  }
0x6f: {  	_ =	shalt  }
0x70: {  	_ =	shalt  }
0x71: {  	_ =	shalt  }
0x72: {  	_ =	shalt  }
0x73: {  	_ =	shalt  }
0x74: {  	_ =	shalt  }
0x75: {  	_ =	shalt  }
0x76: {  	_ =	shalt  }
0x77: {  	_ =	shalt  }
0x78: {  	_ =	shalt  }
0x79: {  	_ =	shalt  }
0x7a: {  	_ =	shalt  }
0x7b: {  	_ =	shalt  }
0x7c: {  	_ =	shalt  }
0x7d: {  	_ =	shalt  }
0x7e: {  	_ =	shalt  }
0x7f: {  	_ =	shalt  }
0x80: {  	_ =	shalt  }
0x81: {  	_ =	shalt  }
0x82: {  	_ =	shalt  }
0x83: {  	_ =	shalt  }
0x84: {  	_ =	shalt  }
0x85: {  	_ =	shalt  }
0x86: {  	_ =	shalt  }
0x87: {  	_ =	shalt  }
.Lfunc_end0:
.L_simem_size_0:
called_computation.2_lowered:
.L_overlay_start_0:
0x88: {  	s2 =	sld [smem:$0x3FD9]  }
0x89: {  	s3 =	sld [smem:$0x3FFE];
	_ =	sdelay $0x1  }
0x8a: {  	s1 =	srdreg.scid  }
0x8b: {  	s0 =	sand.u32 $0x1, s1  }
0x8c: {  	s14 =	sshll.u32 s0, $0xA;
	s2 =	sadd.s32 s3, s2  }
0x8d: {  	s2 =	sadd.s32 s2, s14  }
0x8e: {  	[smem:$0x3FC0] =	sst s2  }
0x8f: {  	_ = 	snop  }
0x90: {  	s2 =	sld [smem:$0x3FD0];
	_ =	sdelay $0x2  }
0x91: {  	s15 =	simm.s32 $0xA;
	s4 =	simm.s32 $0x10  }
0x92: {  	[smem:s4], [sflag:s15] =	dma.local [hbm:s2], $0x1  }
0x93: {  	_ =	swait.eq [sflag:s15], $0x1  }
0x94: {  	[sflag:s15] =	ssyncset.done $0x0  }
0x95: {  	[sflag:s15] =	ssyncadd.s32 $0xFFFFFFFF  }
0x96: {  	s16 =	sld [smem:$0x10];
	(tm) =	ssettm $0x1  }
0x97: {  	s17 =	sld [smem:$0x3FFB];
	_ =	sdelay $0x3  }
0x98: {  	_ =	strace s17  }
0x99: {  	s3 =	sld [smem:$0x3FFC];
	_ =	sdelay $0x3  }
0x9a: {  	_ =	strace s3  }
0x9b: {  	s3 =	sld [smem:$0x3FFD];
	_ =	sdelay $0x3  }
0x9c: {  	_ =	strace s3  }
0x9d: {  	_ =	strace $0x8FFFFFFF  }
0x9e: {  	s18 =	sld [smem:$0x3FDB];
	_ =	sdelay $0x1  }
0x9f: {  	s19 =	simm.s32 $_scs_section_size  }
0xa0: {  	s5 =	simm.s32 $_size__tile_overlayer_lowered;
	s6 =	simm.s32 $_tile_overlayer_lowered  }
0xa1: {  	s22 =	simm.s32 $0x1BFF;
	s21 =	sshll.u32 s6, $0x1;
	s3 =	sadd.s32 s19, s18  }
0xa2: {  	s7 =	simm.s32 $0x0;
	s20 =	sshll.u32 s5, $0x1;
	s5 =	sadd.s32 s21, s3  }
0xa3: {  	[timem:s7], [sflag:s22] =	dma.local [hbm:s5], s20  }
0xa4: {  	_ =	swait.ge [sflag:s22], s20  }
0xa5: {  	s4 =	ssub.s32 $0x0, s20;
	[sflag:s22] =	ssyncset.done $0x0  }
0xa6: {  	[sflag:s22] =	ssyncadd.s32 s4;
	_ =	sdelay $0x1  }
0xa7: {  	s23 =	simm.s32 $0x1B8B  }
0xa8: {  	_ =	swait.ge [sflag:s23], $0x1  }
0xa9: {  	[sflag:s23] =	ssyncset.done $0x0  }
0xaa: {  	s25 =	simm.s32 $0x1B8E;
	s24 =	sld [smem:$0x3FFE];
	[sflag:s23] =	ssyncadd.s32 $0xFFFFFFFF  }
0xab: {  	s26 =	simm.s32 $execute0_lowered;
	[smem:$0x3FD2] =	sst s25  }
0xac: {  	s5 =	sshll.u32 s26, $0x1;
	_ =	strace $0x8000004C;
	[dreg:$0x1] =	wrdreg $0xFFFFFFFF  }
0xad: {  	s28 =	simm.s32 $_size_execute0_lowered;
	s3 =	sadd.s32 s3, s5;
	[dreg:$0x0] =	wrdreg $0x0  }
0xae: {  	s5 =	sshll.u32 s28, $0x1;
	[dreg:$0x2] =	wrdreg s3  }
0xaf: {  	[dreg:$0x3] =	wrdreg s5  }
0xb0: {  	[dreg:$0x4] =	wrdreg $0xC0  }
0xb1: {  	_ =	task [dreg:s7], $0x5FFFF  }
0xb2: {  	[dreg:$0x1] =	wrdreg $0xFFFFFFFF  }
0xb3: {  	[dreg:$0x0] =	wrdreg $0x60  }
0xb4: {  	[dreg:$0x2] =	wrdreg s24  }
0xb5: {  	[dreg:$0x3] =	wrdreg s16  }
0xb6: {  	[dreg:$0x4] =	wrdreg $0xB0000  }
0xb7: {  	[dreg:$0x5] =	wrdreg $0x9  }
0xb8: {  	_ =	task.clear_ibuf [dreg:s7], $0x6FFFF;
	_ =	strace $0x9000004C  }
0xb9: {  	s29 =	simm.s32 $0x9;
	_ =	strace $0x8000004E  }
0xba: {  	_ =	swait.ge [sflag:s29], $0x1  }
0xbb: {  	[sflag:s29] =	ssyncadd.s32 $0xFFFFFFFF  }
0xbc: {  	_ =	strace $0x9000004E  }
0xbd: {  	_ =	sfence  }
0xbe: {  	s30 =	sld [smem:$0x0];
	_ =	sdelay $0x2  }
0xbf: {  	s31 =	sshll.u32 s1, $0xD;
	s1 =	sshrl.u32 s1, $0x2  }
0xc0: {  	s3 =	sand.u32 $0x4000, s31;
	s1 =	sadd.s32 s1, s30  }
0xc1: {  	s0 =	sor.u32 s3, s0;
	s1 =	sshll.u32 s1, $0x11  }
0xc2: {  	s0 =	sor.u32 s1, s0  }
0xc3: {  	s0 =	sadd.s32 $0x8F2B, s0  }
0xc4: {  	[sflag:s0] =	ssyncadd.remote.s32 $0x1  }
0xc5: {  	_ =	sfence.sel $0xFFFF  }
0xc6: {  	[dreg:$0x0] =	wrdreg $0xFFFFFFFF;
	(pc) =	sbr.abs _section_cstart, $3  }
0xc7: {  	[dreg:$0x1] =	wrdreg $0xFFFFFFFF  }
0xc8: {  	_ =	task.clear_ibuf [dreg:s7], $0x2FFFF;
	_ =	strace $0x9FFFFFFF  }
0xc9: {  	(tm) =	ssettm $0x7FFFFFFF  }
tec
execute0_lowered:
.L_overlay_start_1:
0x0: {  	(tag) =	ssettag $0x1  }
0x1: {  	s5 =	rddreg [dreg:$0x0];
	s0 =	stileid.u32  }
0x2: {  	s1 =	srdreg.scid;
	s6 =	rddreg [dreg:$0x1]  }
0x3: {  	s2 =	rddreg [dreg:$0x2];
	s3 =	simm.s32 $0x0;
	s25 =	simm.s32 $0x2880  }
0x4: {  	s26 =	simm.s32 $0x2900;
	s8 =	sand.u32 $0x1, s1;
	s1 =	rddreg [dreg:$0x3]  }
0x5: {  	s14 =	simm.s32 $0x2980;
	s29 =	simm.s32 $0x2A00;
	[smem:$0x7FF] =	sst s3  }
0x6: {  	s30 =	simm.s32 $0x2A80;
	_ =	strace $0x8000004D;
	[dreg:$0x4] =	wrdreg s25  }
0x7: {  	s15 =	simm.s32 $0x2B00;
	s7 =	smul.u32 $0x500, s0;
	[dreg:$0x5] =	wrdreg s26  }
0x8: {  	s16 =	simm.s32 $0x2B80;
	s9 =	smul.u32 $0x280, s0;
	[dreg:$0x6] =	wrdreg s14  }
0x9: {  	s17 =	simm.s32 $0x2C00;
	s10 =	smul.u32 $0x2800, s0;
	[dreg:$0x7] =	wrdreg s29  }
0xa: {  	s18 =	simm.s32 $0x2C80;
	s21 =	smul.u32 $0x50000, s0;
	[dreg:$0x8] =	wrdreg s30  }
0xb: {  	s31 =	simm.s32 $0x2D80;
	s4 =	smul.u32 $0x2800, s8;
	[dreg:$0x9] =	wrdreg s15  }
0xc: {  	s28 =	sshll.u32 s0, $0x6;
	s11 =	smul.u32 $0x28000, s8;
	[dreg:$0xa] =	wrdreg s16  }
0xd: {  	s8 =	ssub.s32 $0x2, s8;
	s14 =	simm.s32 $0x3000;
	[dreg:$0xb] =	wrdreg s17  }
0xe: {  	s15 =	simm.s32 $0x7000;
	s16 =	simm.s32 $0x2800;
	[dreg:$0xc] =	wrdreg s18  }
0xf: {  	s17 =	simm.s32 $0x1;
	s18 =	simm.s32 $0x2;
	[dreg:$0xe] =	wrdreg s31  }
0x10: {  	s12 =	sadd.s32 s7, s5;
	s23 =	sshrl.u32 s8, $0x1;
	s24 =	sshrl.u32 s21, $0x2  }
0x11: {  	s21 =	simm.s32 $0x2F00;
	s9 =	sadd.s32 s9, s4;
	s4 =	sadd.s32 $0x7400, s5  }
0x12: {  	s20 =	sadd.s32 s10, s11;
	s8 =	ssub.s32 s8, s23;
	s13 =	sadd.s32 s24, s2  }
0x13: {  	s10 =	simm.s32 $0x3;
	s11 =	sor.u32 $0x1C03, s28;
	s23 =	simm.s32 $0x0  }
0x14: {  	s19 =	sshll.u32 s9, $0x4;
	s9 =	sshrl.u32 s20, $0x3;
	s8 =	smax.u32 s8, $0x1  }
0x15: {  	s20 =	simm.s32 $0x2E80;
	s22 =	sadd.s32 s19, s5;
	s5 =	sadd.s32 s6, s9  }
0x16: {  	s6 =	sadd.s32 s4, s19;
	s9 =	sadd.s32 $0x2400, s12;
	s12 =	sshrl.u32 s13, $0x3  }
0x17: {  	s13 =	simm.s32 $0x80;
	s19 =	simm.s32 $0x2D00;
	s7 =	sadd.s32 $0x57400, s22  }
0x18: {  	[dreg:$0xd] =	wrdreg s19;
	s19 =	simm.s32 $0x2E00;
	s22 =	simm.s32 $0x2F80  }
.LBB2_1:
0x19: {  	[tilespmem:s3], [sflag:$0x3] =	stream.linear.gather [hbm4b:s5+s3], $0x2800, $0x38;
	[tilespmem:$0x1F000] =	vst v63  }
0x1a: {  	_ =	swait.ge [sflag:s10], $0x2800  }
0x1b: {  	[sflag:s10] =	ssyncset.done $0x0  }
0x1c: {  	[sflag:s10] =	ssyncadd.s32 $0xFFFFD800  }
0x1d: {  	[spmem:s12], [sflag:s11] =	dma.local [hbm:s6], $0x2800  }
0x1e: {  	_ =	swait.ge [sflag:s10], $0x2800  }
0x1f: {  	[sflag:s10] =	ssyncset.done $0x0  }
0x20: {  	[sflag:s10] =	ssyncadd.s32 $0xFFFFD800  }
0x21: {  	s24 =	simm.s32 $0x0;
	[bflag:$0x0] =	sbarrier.arrive $0xFFFF  }
0x22: {  	[tilespmem:s14], [sflag:$0x1] =	stream.indirect.gather [hbm4b:s4+s13], $0x80, s24, s13, $0xb8;
	[tilespmem:$0x1F000] =	vst v63  }
0x23: {  	s31 =	simm.s32 $0x80  }
0x24: {  	[tilespmem:s15], [sflag:$0x2] =	stream.indirect.gather [hbm4b:s4+s13], $0x80, s31, s13, $0xb8;
	[tilespmem:$0x1F000] =	vst v63  }
0x25: {  	_ = 	snop  }
0x26: {  	[tilespmem:s16], [sflag:$0x3] =	stream.linear.gather [hbm4b:s9+s3], $0x800, $0x38;
	[tilespmem:$0x1F000] =	vst v63  }
0x27: {  	_ =	swait.ge [sflag:s10], $0x800  }
0x28: {  	[sflag:s10] =	ssyncset.done $0x0  }
0x29: {  	[sflag:s10] =	ssyncadd.s32 $0xFFFFF800  }
0x2a: {  	_ =	swait.ge [sflag:s17], $0x4000  }
0x2b: {  	[sflag:s17] =	ssyncset.done $0x0  }
0x2c: {  	[sflag:s17] =	ssyncadd.s32 $0xFFFFC000  }
0x2d: {  	[spmem:s2] =	stream.indirect.scatter.add.f32 [tilespmem:s14], [sflag:$0x3], $0x80, s16, s13, $0xb8;
	[tilespmem:$0x1F000] =	vst v63  }
0x2e: {  	_ =	swait.ge [sflag:s10], $0x4000  }
0x2f: {  	[sflag:s10] =	ssyncset.done $0x0  }
0x30: {  	s25 =	simm.s32 $0x100;
	[sflag:s10] =	ssyncadd.s32 $0xFFFFC000  }
0x31: {  	[tilespmem:s14], [sflag:$0x1] =	stream.indirect.gather [hbm4b:s4+s13], $0x80, s25, s13, $0xb8;
	[tilespmem:$0x1F000] =	vst v63  }
0x32: {  	_ =	swait.ge [sflag:s18], $0x4000  }
0x33: {  	[sflag:s18] =	ssyncset.done $0x0  }
0x34: {  	s26 =	rddreg [dreg:$0x4];
	[sflag:s18] =	ssyncadd.s32 $0xFFFFC000  }
0x35: {  	[spmem:s2] =	stream.indirect.scatter.add.f32 [tilespmem:s15], [sflag:$0x3], $0x80, s26, s13, $0xb8;
	[tilespmem:$0x1F000] =	vst v63  }
0x36: {  	_ =	swait.ge [sflag:s10], $0x4000  }
0x37: {  	[sflag:s10] =	ssyncset.done $0x0  }
0x38: {  	s28 =	simm.s32 $0x180;
	[sflag:s10] =	ssyncadd.s32 $0xFFFFC000  }
0x39: {  	[tilespmem:s15], [sflag:$0x2] =	stream.indirect.gather [hbm4b:s4+s13], $0x80, s28, s13, $0xb8;
	[tilespmem:$0x1F000] =	vst v63  }
0x3a: {  	_ =	swait.ge [sflag:s17], $0x4000  }
0x3b: {  	[sflag:s17] =	ssyncset.done $0x0  }
0x3c: {  	s30 =	rddreg [dreg:$0x5];
	[sflag:s17] =	ssyncadd.s32 $0xFFFFC000  }
0x3d: {  	[spmem:s2] =	stream.indirect.scatter.add.f32 [tilespmem:s14], [sflag:$0x3], $0x80, s30, s13, $0xb8;
	[tilespmem:$0x1F000] =	vst v63  }
0x3e: {  	_ =	swait.ge [sflag:s10], $0x4000  }
0x3f: {  	[sflag:s10] =	ssyncset.done $0x0  }
0x40: {  	s31 =	simm.s32 $0x200;
	[sflag:s10] =	ssyncadd.s32 $0xFFFFC000  }
0x41: {  	[tilespmem:s14], [sflag:$0x1] =	stream.indirect.gather [hbm4b:s4+s13], $0x80, s31, s13, $0xb8;
	[tilespmem:$0x1F000] =	vst v63  }
0x42: {  	_ =	swait.ge [sflag:s18], $0x4000  }
0x43: {  	[sflag:s18] =	ssyncset.done $0x0  }
0x44: {  	s25 =	rddreg [dreg:$0x6];
	[sflag:s18] =	ssyncadd.s32 $0xFFFFC000  }
0x45: {  	[spmem:s2] =	stream.indirect.scatter.add.f32 [tilespmem:s15], [sflag:$0x3], $0x80, s25, s13, $0xb8;
	[tilespmem:$0x1F000] =	vst v63  }
0x46: {  	_ =	swait.ge [sflag:s10], $0x4000  }
0x47: {  	[sflag:s10] =	ssyncset.done $0x0  }
0x48: {  	s26 =	simm.s32 $0x280;
	[sflag:s10] =	ssyncadd.s32 $0xFFFFC000  }
0x49: {  	[tilespmem:s15], [sflag:$0x2] =	stream.indirect.gather [hbm4b:s4+s13], $0x80, s26, s13, $0xb8;
	[tilespmem:$0x1F000] =	vst v63  }
0x4a: {  	_ =	swait.ge [sflag:s17], $0x4000  }
0x4b: {  	[sflag:s17] =	ssyncset.done $0x0  }
0x4c: {  	s28 =	rddreg [dreg:$0x7];
	[sflag:s17] =	ssyncadd.s32 $0xFFFFC000  }
0x4d: {  	[spmem:s2] =	stream.indirect.scatter.add.f32 [tilespmem:s14], [sflag:$0x3], $0x80, s28, s13, $0xb8;
	[tilespmem:$0x1F000] =	vst v63  }
0x4e: {  	_ =	swait.ge [sflag:s10], $0x4000  }
0x4f: {  	[sflag:s10] =	ssyncset.done $0x0  }
0x50: {  	s30 =	simm.s32 $0x300;
	[sflag:s10] =	ssyncadd.s32 $0xFFFFC000  }
0x51: {  	[tilespmem:s14], [sflag:$0x1] =	stream.indirect.gather [hbm4b:s4+s13], $0x80, s30, s13, $0xb8;
	[tilespmem:$0x1F000] =	vst v63  }
0x52: {  	_ =	swait.ge [sflag:s18], $0x4000  }
0x53: {  	[sflag:s18] =	ssyncset.done $0x0  }
0x54: {  	s31 =	rddreg [dreg:$0x8];
	[sflag:s18] =	ssyncadd.s32 $0xFFFFC000  }
0x55: {  	[spmem:s2] =	stream.indirect.scatter.add.f32 [tilespmem:s15], [sflag:$0x3], $0x80, s31, s13, $0xb8;
	[tilespmem:$0x1F000] =	vst v63  }
0x56: {  	_ =	swait.ge [sflag:s10], $0x4000  }
0x57: {  	[sflag:s10] =	ssyncset.done $0x0  }
0x58: {  	s25 =	simm.s32 $0x380;
	[sflag:s10] =	ssyncadd.s32 $0xFFFFC000  }
0x59: {  	[tilespmem:s15], [sflag:$0x2] =	stream.indirect.gather [hbm4b:s4+s13], $0x80, s25, s13, $0xb8;
	[tilespmem:$0x1F000] =	vst v63  }
0x5a: {  	_ =	swait.ge [sflag:s17], $0x4000  }
0x5b: {  	[sflag:s17] =	ssyncset.done $0x0  }
0x5c: {  	s26 =	rddreg [dreg:$0x9];
	[sflag:s17] =	ssyncadd.s32 $0xFFFFC000  }
0x5d: {  	[spmem:s2] =	stream.indirect.scatter.add.f32 [tilespmem:s14], [sflag:$0x3], $0x80, s26, s13, $0xb8;
	[tilespmem:$0x1F000] =	vst v63  }
0x5e: {  	_ =	swait.ge [sflag:s10], $0x4000  }
0x5f: {  	[sflag:s10] =	ssyncset.done $0x0  }
0x60: {  	s28 =	simm.s32 $0x400;
	[sflag:s10] =	ssyncadd.s32 $0xFFFFC000  }
0x61: {  	[tilespmem:s14], [sflag:$0x1] =	stream.indirect.gather [hbm4b:s4+s13], $0x80, s28, s13, $0xb8;
	[tilespmem:$0x1F000] =	vst v63  }
0x62: {  	_ =	swait.ge [sflag:s18], $0x4000  }
0x63: {  	[sflag:s18] =	ssyncset.done $0x0  }
0x64: {  	s30 =	rddreg [dreg:$0xa];
	[sflag:s18] =	ssyncadd.s32 $0xFFFFC000  }
0x65: {  	[spmem:s2] =	stream.indirect.scatter.add.f32 [tilespmem:s15], [sflag:$0x3], $0x80, s30, s13, $0xb8;
	[tilespmem:$0x1F000] =	vst v63  }
0x66: {  	_ =	swait.ge [sflag:s10], $0x4000  }
0x67: {  	[sflag:s10] =	ssyncset.done $0x0  }
0x68: {  	s31 =	simm.s32 $0x480;
	[sflag:s10] =	ssyncadd.s32 $0xFFFFC000  }
0x69: {  	[tilespmem:s15], [sflag:$0x2] =	stream.indirect.gather [hbm4b:s4+s13], $0x80, s31, s13, $0xb8;
	[tilespmem:$0x1F000] =	vst v63  }
0x6a: {  	_ =	swait.ge [sflag:s17], $0x4000  }
0x6b: {  	[sflag:s17] =	ssyncset.done $0x0  }
0x6c: {  	s25 =	rddreg [dreg:$0xb];
	[sflag:s17] =	ssyncadd.s32 $0xFFFFC000  }
0x6d: {  	[spmem:s2] =	stream.indirect.scatter.add.f32 [tilespmem:s14], [sflag:$0x3], $0x80, s25, s13, $0xb8;
	[tilespmem:$0x1F000] =	vst v63  }
0x6e: {  	_ =	swait.ge [sflag:s10], $0x4000  }
0x6f: {  	[sflag:s10] =	ssyncset.done $0x0  }
0x70: {  	s26 =	simm.s32 $0x500;
	[sflag:s10] =	ssyncadd.s32 $0xFFFFC000  }
0x71: {  	[tilespmem:s14], [sflag:$0x1] =	stream.indirect.gather [hbm4b:s4+s13], $0x80, s26, s13, $0xb8;
	[tilespmem:$0x1F000] =	vst v63  }
0x72: {  	_ =	swait.ge [sflag:s18], $0x4000  }
0x73: {  	[sflag:s18] =	ssyncset.done $0x0  }
0x74: {  	s28 =	rddreg [dreg:$0xc];
	[sflag:s18] =	ssyncadd.s32 $0xFFFFC000  }
0x75: {  	[spmem:s2] =	stream.indirect.scatter.add.f32 [tilespmem:s15], [sflag:$0x3], $0x80, s28, s13, $0xb8;
	[tilespmem:$0x1F000] =	vst v63  }
0x76: {  	_ =	swait.ge [sflag:s10], $0x4000  }
0x77: {  	[sflag:s10] =	ssyncset.done $0x0  }
0x78: {  	s30 =	simm.s32 $0x580;
	[sflag:s10] =	ssyncadd.s32 $0xFFFFC000  }
0x79: {  	[tilespmem:s15], [sflag:$0x2] =	stream.indirect.gather [hbm4b:s4+s13], $0x80, s30, s13, $0xb8;
	[tilespmem:$0x1F000] =	vst v63  }
0x7a: {  	_ =	swait.ge [sflag:s17], $0x4000  }
0x7b: {  	[sflag:s17] =	ssyncset.done $0x0  }
0x7c: {  	s31 =	rddreg [dreg:$0xd];
	[sflag:s17] =	ssyncadd.s32 $0xFFFFC000  }
0x7d: {  	[spmem:s2] =	stream.indirect.scatter.add.f32 [tilespmem:s14], [sflag:$0x3], $0x80, s31, s13, $0xb8;
	[tilespmem:$0x1F000] =	vst v63  }
0x7e: {  	_ =	swait.ge [sflag:s10], $0x4000  }
0x7f: {  	[sflag:s10] =	ssyncset.done $0x0  }
0x80: {  	s25 =	simm.s32 $0x600;
	[sflag:s10] =	ssyncadd.s32 $0xFFFFC000  }
0x81: {  	[tilespmem:s14], [sflag:$0x1] =	stream.indirect.gather [hbm4b:s4+s13], $0x80, s25, s13, $0xb8;
	[tilespmem:$0x1F000] =	vst v63  }
0x82: {  	_ =	swait.ge [sflag:s18], $0x4000  }
0x83: {  	[sflag:s18] =	ssyncset.done $0x0  }
0x84: {  	s26 =	rddreg [dreg:$0xe];
	[sflag:s18] =	ssyncadd.s32 $0xFFFFC000  }
0x85: {  	[spmem:s2] =	stream.indirect.scatter.add.f32 [tilespmem:s15], [sflag:$0x3], $0x80, s26, s13, $0xb8;
	[tilespmem:$0x1F000] =	vst v63  }
0x86: {  	_ =	swait.ge [sflag:s10], $0x4000  }
0x87: {  	[sflag:s10] =	ssyncset.done $0x0  }
0x88: {  	s28 =	simm.s32 $0x680;
	[sflag:s10] =	ssyncadd.s32 $0xFFFFC000  }
0x89: {  	[tilespmem:s15], [sflag:$0x2] =	stream.indirect.gather [hbm4b:s4+s13], $0x80, s28, s13, $0xb8;
	[tilespmem:$0x1F000] =	vst v63  }
0x8a: {  	_ =	swait.ge [sflag:s17], $0x4000  }
0x8b: {  	[sflag:s17] =	ssyncset.done $0x0  }
0x8c: {  	[sflag:s17] =	ssyncadd.s32 $0xFFFFC000  }
0x8d: {  	[spmem:s2] =	stream.indirect.scatter.add.f32 [tilespmem:s14], [sflag:$0x3], $0x80, s19, s13, $0xb8;
	[tilespmem:$0x1F000] =	vst v63  }
0x8e: {  	_ =	swait.ge [sflag:s10], $0x4000  }
0x8f: {  	[sflag:s10] =	ssyncset.done $0x0  }
0x90: {  	s30 =	simm.s32 $0x700;
	[sflag:s10] =	ssyncadd.s32 $0xFFFFC000  }
0x91: {  	[tilespmem:s14], [sflag:$0x1] =	stream.indirect.gather [hbm4b:s4+s13], $0x80, s30, s13, $0xb8;
	[tilespmem:$0x1F000] =	vst v63  }
0x92: {  	_ =	swait.ge [sflag:s18], $0x4000  }
0x93: {  	[sflag:s18] =	ssyncset.done $0x0  }
0x94: {  	[sflag:s18] =	ssyncadd.s32 $0xFFFFC000  }
0x95: {  	[spmem:s2] =	stream.indirect.scatter.add.f32 [tilespmem:s15], [sflag:$0x3], $0x80, s20, s13, $0xb8;
	[tilespmem:$0x1F000] =	vst v63  }
0x96: {  	_ =	swait.ge [sflag:s10], $0x4000  }
0x97: {  	[sflag:s10] =	ssyncset.done $0x0  }
0x98: {  	s31 =	simm.s32 $0x780;
	[sflag:s10] =	ssyncadd.s32 $0xFFFFC000  }
0x99: {  	[tilespmem:s15], [sflag:$0x2] =	stream.indirect.gather [hbm4b:s4+s13], $0x80, s31, s13, $0xb8;
	[tilespmem:$0x1F000] =	vst v63  }
0x9a: {  	_ =	swait.ge [sflag:s17], $0x4000  }
0x9b: {  	[sflag:s17] =	ssyncset.done $0x0  }
0x9c: {  	[sflag:s17] =	ssyncadd.s32 $0xFFFFC000  }
0x9d: {  	[spmem:s2] =	stream.indirect.scatter.add.f32 [tilespmem:s14], [sflag:$0x3], $0x80, s21, s13, $0xb8;
	[tilespmem:$0x1F000] =	vst v63  }
0x9e: {  	_ =	swait.ge [sflag:s10], $0x4000  }
0x9f: {  	[sflag:s10] =	ssyncset.done $0x0  }
0xa0: {  	[sflag:s10] =	ssyncadd.s32 $0xFFFFC000  }
0xa1: {  	_ =	swait.ge [sflag:s18], $0x4000  }
0xa2: {  	[sflag:s18] =	ssyncset.done $0x0  }
0xa3: {  	[sflag:s18] =	ssyncadd.s32 $0xFFFFC000  }
0xa4: {  	[spmem:s2] =	stream.indirect.scatter.add.f32 [tilespmem:s15], [sflag:$0x3], $0x80, s22, s13, $0xb8;
	[tilespmem:$0x1F000] =	vst v63  }
0xa5: {  	s29 =	simm.s32 $0x4000;
	_ =	swait.ge [sflag:s10], $0x4000  }
0xa6: {  	s24 =	sadd.s32 $0x100, s9;
	s25 =	simm.s32 $0x2000;
	[sflag:s10] =	ssyncset.done $0x0  }
.LBB2_2:
0xa7: {  	s28 =	sshra.s32 s25, $0x2;
	[sflag:s10] =	ssyncadd.s32 $0xFFFFC000;
	s25 =	smov.u32 s29  }
0xa8: {  	[tilespmem:s14], [sflag:$0x1] =	stream.indirect.gather [hbm4b:s4+s13], $0x80, s28, s13, $0xb8;
	[tilespmem:$0x1F000] =	vst v63  }
0xa9: {  	s26 =	sadd.s32 $0x2000, s29;
	p0 =	sne.s32 s29, $0x8000;
	s29 =	sadd.s32 $0x80, s28  }
0xaa: {  	[tilespmem:s15], [sflag:$0x2] =	stream.indirect.gather [hbm4b:s4+s13], $0x80, s29, s13, $0xb8;
	[tilespmem:$0x1F000] =	vst v63  }
0xab: {  	_ = 	snop  }
0xac: {  	[tilespmem:s16], [sflag:$0x3] =	stream.linear.gather [hbm4b:s24+s3], $0x800, $0x38;
	[tilespmem:$0x1F000] =	vst v63  }
0xad: {  	_ =	swait.ge [sflag:s10], $0x800  }
0xae: {  	[sflag:s10] =	ssyncset.done $0x0  }
0xaf: {  	[sflag:s10] =	ssyncadd.s32 $0xFFFFF800  }
0xb0: {  	_ =	swait.ge [sflag:s17], $0x4000  }
0xb1: {  	[sflag:s17] =	ssyncset.done $0x0  }
0xb2: {  	[sflag:s17] =	ssyncadd.s32 $0xFFFFC000  }
0xb3: {  	[spmem:s2] =	stream.indirect.scatter.add.f32 [tilespmem:s14], [sflag:$0x3], $0x80, s16, s13, $0xb8;
	[tilespmem:$0x1F000] =	vst v63  }
0xb4: {  	_ =	swait.ge [sflag:s10], $0x4000  }
0xb5: {  	[sflag:s10] =	ssyncset.done $0x0  }
0xb6: {  	s29 =	sadd.s32 $0x100, s28;
	[sflag:s10] =	ssyncadd.s32 $0xFFFFC000  }
0xb7: {  	[tilespmem:s14], [sflag:$0x1] =	stream.indirect.gather [hbm4b:s4+s13], $0x80, s29, s13, $0xb8;
	[tilespmem:$0x1F000] =	vst v63  }
0xb8: {  	_ =	swait.ge [sflag:s18], $0x4000  }
0xb9: {  	[sflag:s18] =	ssyncset.done $0x0  }
0xba: {  	s29 =	rddreg [dreg:$0x4];
	[sflag:s18] =	ssyncadd.s32 $0xFFFFC000  }
0xbb: {  	[spmem:s2] =	stream.indirect.scatter.add.f32 [tilespmem:s15], [sflag:$0x3], $0x80, s29, s13, $0xb8;
	[tilespmem:$0x1F000] =	vst v63  }
0xbc: {  	_ =	swait.ge [sflag:s10], $0x4000  }
0xbd: {  	[sflag:s10] =	ssyncset.done $0x0  }
0xbe: {  	s29 =	sadd.s32 $0x180, s28;
	[sflag:s10] =	ssyncadd.s32 $0xFFFFC000  }
0xbf: {  	[tilespmem:s15], [sflag:$0x2] =	stream.indirect.gather [hbm4b:s4+s13], $0x80, s29, s13, $0xb8;
	[tilespmem:$0x1F000] =	vst v63  }
0xc0: {  	_ =	swait.ge [sflag:s17], $0x4000  }
0xc1: {  	[sflag:s17] =	ssyncset.done $0x0  }
0xc2: {  	s29 =	rddreg [dreg:$0x5];
	[sflag:s17] =	ssyncadd.s32 $0xFFFFC000  }
0xc3: {  	[spmem:s2] =	stream.indirect.scatter.add.f32 [tilespmem:s14], [sflag:$0x3], $0x80, s29, s13, $0xb8;
	[tilespmem:$0x1F000] =	vst v63  }
0xc4: {  	_ =	swait.ge [sflag:s10], $0x4000  }
0xc5: {  	[sflag:s10] =	ssyncset.done $0x0  }
0xc6: {  	s29 =	sadd.s32 $0x200, s28;
	[sflag:s10] =	ssyncadd.s32 $0xFFFFC000  }
0xc7: {  	[tilespmem:s14], [sflag:$0x1] =	stream.indirect.gather [hbm4b:s4+s13], $0x80, s29, s13, $0xb8;
	[tilespmem:$0x1F000] =	vst v63  }
0xc8: {  	_ =	swait.ge [sflag:s18], $0x4000  }
0xc9: {  	[sflag:s18] =	ssyncset.done $0x0  }
0xca: {  	s29 =	rddreg [dreg:$0x6];
	[sflag:s18] =	ssyncadd.s32 $0xFFFFC000  }
0xcb: {  	[spmem:s2] =	stream.indirect.scatter.add.f32 [tilespmem:s15], [sflag:$0x3], $0x80, s29, s13, $0xb8;
	[tilespmem:$0x1F000] =	vst v63  }
0xcc: {  	_ =	swait.ge [sflag:s10], $0x4000  }
0xcd: {  	[sflag:s10] =	ssyncset.done $0x0  }
0xce: {  	s29 =	sadd.s32 $0x280, s28;
	[sflag:s10] =	ssyncadd.s32 $0xFFFFC000  }
0xcf: {  	[tilespmem:s15], [sflag:$0x2] =	stream.indirect.gather [hbm4b:s4+s13], $0x80, s29, s13, $0xb8;
	[tilespmem:$0x1F000] =	vst v63  }
0xd0: {  	_ =	swait.ge [sflag:s17], $0x4000  }
0xd1: {  	[sflag:s17] =	ssyncset.done $0x0  }
0xd2: {  	s29 =	rddreg [dreg:$0x7];
	[sflag:s17] =	ssyncadd.s32 $0xFFFFC000  }
0xd3: {  	[spmem:s2] =	stream.indirect.scatter.add.f32 [tilespmem:s14], [sflag:$0x3], $0x80, s29, s13, $0xb8;
	[tilespmem:$0x1F000] =	vst v63  }
0xd4: {  	_ =	swait.ge [sflag:s10], $0x4000  }
0xd5: {  	[sflag:s10] =	ssyncset.done $0x0  }
0xd6: {  	s29 =	sadd.s32 $0x300, s28;
	[sflag:s10] =	ssyncadd.s32 $0xFFFFC000  }
0xd7: {  	[tilespmem:s14], [sflag:$0x1] =	stream.indirect.gather [hbm4b:s4+s13], $0x80, s29, s13, $0xb8;
	[tilespmem:$0x1F000] =	vst v63  }
0xd8: {  	_ =	swait.ge [sflag:s18], $0x4000  }
0xd9: {  	[sflag:s18] =	ssyncset.done $0x0  }
0xda: {  	s29 =	rddreg [dreg:$0x8];
	[sflag:s18] =	ssyncadd.s32 $0xFFFFC000  }
0xdb: {  	[spmem:s2] =	stream.indirect.scatter.add.f32 [tilespmem:s15], [sflag:$0x3], $0x80, s29, s13, $0xb8;
	[tilespmem:$0x1F000] =	vst v63  }
0xdc: {  	_ =	swait.ge [sflag:s10], $0x4000  }
0xdd: {  	[sflag:s10] =	ssyncset.done $0x0  }
0xde: {  	s29 =	sadd.s32 $0x380, s28;
	[sflag:s10] =	ssyncadd.s32 $0xFFFFC000  }
0xdf: {  	[tilespmem:s15], [sflag:$0x2] =	stream.indirect.gather [hbm4b:s4+s13], $0x80, s29, s13, $0xb8;
	[tilespmem:$0x1F000] =	vst v63  }
0xe0: {  	_ =	swait.ge [sflag:s17], $0x4000  }
0xe1: {  	[sflag:s17] =	ssyncset.done $0x0  }
0xe2: {  	s29 =	rddreg [dreg:$0x9];
	[sflag:s17] =	ssyncadd.s32 $0xFFFFC000  }
0xe3: {  	[spmem:s2] =	stream.indirect.scatter.add.f32 [tilespmem:s14], [sflag:$0x3], $0x80, s29, s13, $0xb8;
	[tilespmem:$0x1F000] =	vst v63  }
0xe4: {  	_ =	swait.ge [sflag:s10], $0x4000  }
0xe5: {  	[sflag:s10] =	ssyncset.done $0x0  }
0xe6: {  	s29 =	sadd.s32 $0x400, s28;
	[sflag:s10] =	ssyncadd.s32 $0xFFFFC000  }
0xe7: {  	[tilespmem:s14], [sflag:$0x1] =	stream.indirect.gather [hbm4b:s4+s13], $0x80, s29, s13, $0xb8;
	[tilespmem:$0x1F000] =	vst v63  }
0xe8: {  	_ =	swait.ge [sflag:s18], $0x4000  }
0xe9: {  	[sflag:s18] =	ssyncset.done $0x0  }
0xea: {  	s29 =	rddreg [dreg:$0xa];
	[sflag:s18] =	ssyncadd.s32 $0xFFFFC000  }
0xeb: {  	[spmem:s2] =	stream.indirect.scatter.add.f32 [tilespmem:s15], [sflag:$0x3], $0x80, s29, s13, $0xb8;
	[tilespmem:$0x1F000] =	vst v63  }
0xec: {  	_ =	swait.ge [sflag:s10], $0x4000  }
0xed: {  	[sflag:s10] =	ssyncset.done $0x0  }
0xee: {  	s29 =	sadd.s32 $0x480, s28;
	[sflag:s10] =	ssyncadd.s32 $0xFFFFC000  }
0xef: {  	[tilespmem:s15], [sflag:$0x2] =	stream.indirect.gather [hbm4b:s4+s13], $0x80, s29, s13, $0xb8;
	[tilespmem:$0x1F000] =	vst v63  }
0xf0: {  	_ =	swait.ge [sflag:s17], $0x4000  }
0xf1: {  	[sflag:s17] =	ssyncset.done $0x0  }
0xf2: {  	s29 =	rddreg [dreg:$0xb];
	[sflag:s17] =	ssyncadd.s32 $0xFFFFC000  }
0xf3: {  	[spmem:s2] =	stream.indirect.scatter.add.f32 [tilespmem:s14], [sflag:$0x3], $0x80, s29, s13, $0xb8;
	[tilespmem:$0x1F000] =	vst v63  }
0xf4: {  	_ =	swait.ge [sflag:s10], $0x4000  }
0xf5: {  	[sflag:s10] =	ssyncset.done $0x0  }
0xf6: {  	s29 =	sadd.s32 $0x500, s28;
	[sflag:s10] =	ssyncadd.s32 $0xFFFFC000  }
0xf7: {  	[tilespmem:s14], [sflag:$0x1] =	stream.indirect.gather [hbm4b:s4+s13], $0x80, s29, s13, $0xb8;
	[tilespmem:$0x1F000] =	vst v63  }
0xf8: {  	_ =	swait.ge [sflag:s18], $0x4000  }
0xf9: {  	[sflag:s18] =	ssyncset.done $0x0  }
0xfa: {  	s29 =	rddreg [dreg:$0xc];
	[sflag:s18] =	ssyncadd.s32 $0xFFFFC000  }
0xfb: {  	[spmem:s2] =	stream.indirect.scatter.add.f32 [tilespmem:s15], [sflag:$0x3], $0x80, s29, s13, $0xb8;
	[tilespmem:$0x1F000] =	vst v63  }
0xfc: {  	_ =	swait.ge [sflag:s10], $0x4000  }
0xfd: {  	[sflag:s10] =	ssyncset.done $0x0  }
0xfe: {  	s29 =	sadd.s32 $0x580, s28;
	[sflag:s10] =	ssyncadd.s32 $0xFFFFC000  }
0xff: {  	[tilespmem:s15], [sflag:$0x2] =	stream.indirect.gather [hbm4b:s4+s13], $0x80, s29, s13, $0xb8;
	[tilespmem:$0x1F000] =	vst v63  }
0x100: {  	_ =	swait.ge [sflag:s17], $0x4000  }
0x101: {  	[sflag:s17] =	ssyncset.done $0x0  }
0x102: {  	s29 =	rddreg [dreg:$0xd];
	[sflag:s17] =	ssyncadd.s32 $0xFFFFC000  }
0x103: {  	[spmem:s2] =	stream.indirect.scatter.add.f32 [tilespmem:s14], [sflag:$0x3], $0x80, s29, s13, $0xb8;
	[tilespmem:$0x1F000] =	vst v63  }
0x104: {  	_ =	swait.ge [sflag:s10], $0x4000  }
0x105: {  	[sflag:s10] =	ssyncset.done $0x0  }
0x106: {  	s29 =	sadd.s32 $0x600, s28;
	[sflag:s10] =	ssyncadd.s32 $0xFFFFC000  }
0x107: {  	[tilespmem:s14], [sflag:$0x1] =	stream.indirect.gather [hbm4b:s4+s13], $0x80, s29, s13, $0xb8;
	[tilespmem:$0x1F000] =	vst v63  }
0x108: {  	_ =	swait.ge [sflag:s18], $0x4000  }
0x109: {  	[sflag:s18] =	ssyncset.done $0x0  }
0x10a: {  	s29 =	rddreg [dreg:$0xe];
	[sflag:s18] =	ssyncadd.s32 $0xFFFFC000  }
0x10b: {  	[spmem:s2] =	stream.indirect.scatter.add.f32 [tilespmem:s15], [sflag:$0x3], $0x80, s29, s13, $0xb8;
	[tilespmem:$0x1F000] =	vst v63  }
0x10c: {  	_ =	swait.ge [sflag:s10], $0x4000  }
0x10d: {  	[sflag:s10] =	ssyncset.done $0x0  }
0x10e: {  	s29 =	sadd.s32 $0x680, s28;
	[sflag:s10] =	ssyncadd.s32 $0xFFFFC000  }
0x10f: {  	[tilespmem:s15], [sflag:$0x2] =	stream.indirect.gather [hbm4b:s4+s13], $0x80, s29, s13, $0xb8;
	[tilespmem:$0x1F000] =	vst v63  }
0x110: {  	_ =	swait.ge [sflag:s17], $0x4000  }
0x111: {  	[sflag:s17] =	ssyncset.done $0x0  }
0x112: {  	[sflag:s17] =	ssyncadd.s32 $0xFFFFC000  }
0x113: {  	[spmem:s2] =	stream.indirect.scatter.add.f32 [tilespmem:s14], [sflag:$0x3], $0x80, s19, s13, $0xb8;
	[tilespmem:$0x1F000] =	vst v63  }
0x114: {  	_ =	swait.ge [sflag:s10], $0x4000  }
0x115: {  	[sflag:s10] =	ssyncset.done $0x0  }
0x116: {  	s29 =	sadd.s32 $0x700, s28;
	[sflag:s10] =	ssyncadd.s32 $0xFFFFC000  }
0x117: {  	[tilespmem:s14], [sflag:$0x1] =	stream.indirect.gather [hbm4b:s4+s13], $0x80, s29, s13, $0xb8;
	[tilespmem:$0x1F000] =	vst v63  }
0x118: {  	_ =	swait.ge [sflag:s18], $0x4000  }
0x119: {  	[sflag:s18] =	ssyncset.done $0x0  }
0x11a: {  	[sflag:s18] =	ssyncadd.s32 $0xFFFFC000  }
0x11b: {  	[spmem:s2] =	stream.indirect.scatter.add.f32 [tilespmem:s15], [sflag:$0x3], $0x80, s20, s13, $0xb8;
	[tilespmem:$0x1F000] =	vst v63  }
0x11c: {  	_ =	swait.ge [sflag:s10], $0x4000  }
0x11d: {  	[sflag:s10] =	ssyncset.done $0x0  }
0x11e: {  	s28 =	sadd.s32 $0x780, s28;
	[sflag:s10] =	ssyncadd.s32 $0xFFFFC000  }
0x11f: {  	[tilespmem:s15], [sflag:$0x2] =	stream.indirect.gather [hbm4b:s4+s13], $0x80, s28, s13, $0xb8;
	[tilespmem:$0x1F000] =	vst v63  }
0x120: {  	_ =	swait.ge [sflag:s17], $0x4000  }
0x121: {  	[sflag:s17] =	ssyncset.done $0x0  }
0x122: {  	[sflag:s17] =	ssyncadd.s32 $0xFFFFC000  }
0x123: {  	[spmem:s2] =	stream.indirect.scatter.add.f32 [tilespmem:s14], [sflag:$0x3], $0x80, s21, s13, $0xb8;
	[tilespmem:$0x1F000] =	vst v63  }
0x124: {  	_ =	swait.ge [sflag:s10], $0x4000  }
0x125: {  	[sflag:s10] =	ssyncset.done $0x0  }
0x126: {  	[sflag:s10] =	ssyncadd.s32 $0xFFFFC000  }
0x127: {  	_ =	swait.ge [sflag:s18], $0x4000  }
.Ltmp0:
0x128: {  	[sflag:s18] =	ssyncset.done $0x0;
	(pc) =	sbr.rel @p0 .LBB2_2-.Ltmp0, $4  }
0x129: {  	[sflag:s18] =	ssyncadd.s32 $0xFFFFC000  }
0x12a: {  	[spmem:s2] =	stream.indirect.scatter.add.f32 [tilespmem:s15], [sflag:$0x3], $0x80, s22, s13, $0xb8;
	[tilespmem:$0x1F000] =	vst v63  }
0x12b: {  	_ =	swait.ge [sflag:s10], $0x4000  }
0x12c: {  	s24 =	sadd.s32 $0x100, s24;
	s29 =	smov.u32 s26;
	[sflag:s10] =	ssyncset.done $0x0  }
0x12d: {  	s25 =	sshra.s32 s25, $0x2;
	[sflag:s10] =	ssyncadd.s32 $0xFFFFC000  }
0x12e: {  	[tilespmem:s14], [sflag:$0x1] =	stream.indirect.gather [hbm4b:s4+s13], $0x80, s25, s13, $0xb8;
	[tilespmem:$0x1F000] =	vst v63  }
0x12f: {  	s26 =	sadd.s32 $0x80, s25  }
0x130: {  	[tilespmem:s15], [sflag:$0x2] =	stream.indirect.gather [hbm4b:s4+s13], $0x80, s26, s13, $0xb8;
	[tilespmem:$0x1F000] =	vst v63  }
0x131: {  	_ = 	snop  }
0x132: {  	[tilespmem:s16], [sflag:$0x3] =	stream.linear.gather [hbm4b:s24+s3], $0x800, $0x38;
	[tilespmem:$0x1F000] =	vst v63  }
0x133: {  	_ =	swait.ge [sflag:s10], $0x800  }
0x134: {  	[sflag:s10] =	ssyncset.done $0x0  }
0x135: {  	[sflag:s10] =	ssyncadd.s32 $0xFFFFF800  }
0x136: {  	_ =	swait.ge [sflag:s17], $0x4000  }
0x137: {  	[sflag:s17] =	ssyncset.done $0x0  }
0x138: {  	[sflag:s17] =	ssyncadd.s32 $0xFFFFC000  }
0x139: {  	[spmem:s2] =	stream.indirect.scatter.add.f32 [tilespmem:s14], [sflag:$0x3], $0x80, s16, s13, $0xb8;
	[tilespmem:$0x1F000] =	vst v63  }
0x13a: {  	_ =	swait.ge [sflag:s10], $0x4000  }
0x13b: {  	[sflag:s10] =	ssyncset.done $0x0  }
0x13c: {  	s26 =	sadd.s32 $0x100, s25;
	[sflag:s10] =	ssyncadd.s32 $0xFFFFC000  }
0x13d: {  	[tilespmem:s14], [sflag:$0x1] =	stream.indirect.gather [hbm4b:s4+s13], $0x80, s26, s13, $0xb8;
	[tilespmem:$0x1F000] =	vst v63  }
0x13e: {  	_ =	swait.ge [sflag:s18], $0x4000  }
0x13f: {  	[sflag:s18] =	ssyncset.done $0x0  }
0x140: {  	s28 =	rddreg [dreg:$0x4];
	[sflag:s18] =	ssyncadd.s32 $0xFFFFC000  }
0x141: {  	[spmem:s2] =	stream.indirect.scatter.add.f32 [tilespmem:s15], [sflag:$0x3], $0x80, s28, s13, $0xb8;
	[tilespmem:$0x1F000] =	vst v63  }
0x142: {  	_ =	swait.ge [sflag:s10], $0x4000  }
0x143: {  	[sflag:s10] =	ssyncset.done $0x0  }
0x144: {  	s29 =	sadd.s32 $0x180, s25;
	[sflag:s10] =	ssyncadd.s32 $0xFFFFC000  }
0x145: {  	[tilespmem:s15], [sflag:$0x2] =	stream.indirect.gather [hbm4b:s4+s13], $0x80, s29, s13, $0xb8;
	[tilespmem:$0x1F000] =	vst v63  }
0x146: {  	_ =	swait.ge [sflag:s17], $0x4000  }
0x147: {  	[sflag:s17] =	ssyncset.done $0x0  }
0x148: {  	s30 =	rddreg [dreg:$0x5];
	[sflag:s17] =	ssyncadd.s32 $0xFFFFC000  }
0x149: {  	[spmem:s2] =	stream.indirect.scatter.add.f32 [tilespmem:s14], [sflag:$0x3], $0x80, s30, s13, $0xb8;
	[tilespmem:$0x1F000] =	vst v63  }
0x14a: {  	_ =	swait.ge [sflag:s10], $0x4000  }
0x14b: {  	[sflag:s10] =	ssyncset.done $0x0  }
0x14c: {  	s31 =	sadd.s32 $0x200, s25;
	[sflag:s10] =	ssyncadd.s32 $0xFFFFC000  }
0x14d: {  	[tilespmem:s14], [sflag:$0x1] =	stream.indirect.gather [hbm4b:s4+s13], $0x80, s31, s13, $0xb8;
	[tilespmem:$0x1F000] =	vst v63  }
0x14e: {  	_ =	swait.ge [sflag:s18], $0x4000  }
0x14f: {  	[sflag:s18] =	ssyncset.done $0x0  }
0x150: {  	s26 =	rddreg [dreg:$0x6];
	[sflag:s18] =	ssyncadd.s32 $0xFFFFC000  }
0x151: {  	[spmem:s2] =	stream.indirect.scatter.add.f32 [tilespmem:s15], [sflag:$0x3], $0x80, s26, s13, $0xb8;
	[tilespmem:$0x1F000] =	vst v63  }
0x152: {  	_ =	swait.ge [sflag:s10], $0x4000  }
0x153: {  	[sflag:s10] =	ssyncset.done $0x0  }
0x154: {  	s28 =	sadd.s32 $0x280, s25;
	[sflag:s10] =	ssyncadd.s32 $0xFFFFC000  }
0x155: {  	[tilespmem:s15], [sflag:$0x2] =	stream.indirect.gather [hbm4b:s4+s13], $0x80, s28, s13, $0xb8;
	[tilespmem:$0x1F000] =	vst v63  }
0x156: {  	_ =	swait.ge [sflag:s17], $0x4000  }
0x157: {  	[sflag:s17] =	ssyncset.done $0x0  }
0x158: {  	s29 =	rddreg [dreg:$0x7];
	[sflag:s17] =	ssyncadd.s32 $0xFFFFC000  }
0x159: {  	[spmem:s2] =	stream.indirect.scatter.add.f32 [tilespmem:s14], [sflag:$0x3], $0x80, s29, s13, $0xb8;
	[tilespmem:$0x1F000] =	vst v63  }
0x15a: {  	_ =	swait.ge [sflag:s10], $0x4000  }
0x15b: {  	[sflag:s10] =	ssyncset.done $0x0  }
0x15c: {  	s30 =	sadd.s32 $0x300, s25;
	[sflag:s10] =	ssyncadd.s32 $0xFFFFC000  }
0x15d: {  	[tilespmem:s14], [sflag:$0x1] =	stream.indirect.gather [hbm4b:s4+s13], $0x80, s30, s13, $0xb8;
	[tilespmem:$0x1F000] =	vst v63  }
0x15e: {  	_ =	swait.ge [sflag:s18], $0x4000  }
0x15f: {  	[sflag:s18] =	ssyncset.done $0x0  }
0x160: {  	s31 =	rddreg [dreg:$0x8];
	[sflag:s18] =	ssyncadd.s32 $0xFFFFC000  }
0x161: {  	[spmem:s2] =	stream.indirect.scatter.add.f32 [tilespmem:s15], [sflag:$0x3], $0x80, s31, s13, $0xb8;
	[tilespmem:$0x1F000] =	vst v63  }
0x162: {  	_ =	swait.ge [sflag:s10], $0x4000  }
0x163: {  	[sflag:s10] =	ssyncset.done $0x0  }
0x164: {  	s26 =	sadd.s32 $0x380, s25;
	[sflag:s10] =	ssyncadd.s32 $0xFFFFC000  }
0x165: {  	[tilespmem:s15], [sflag:$0x2] =	stream.indirect.gather [hbm4b:s4+s13], $0x80, s26, s13, $0xb8;
	[tilespmem:$0x1F000] =	vst v63  }
0x166: {  	_ =	swait.ge [sflag:s17], $0x4000  }
0x167: {  	[sflag:s17] =	ssyncset.done $0x0  }
0x168: {  	s28 =	rddreg [dreg:$0x9];
	[sflag:s17] =	ssyncadd.s32 $0xFFFFC000  }
0x169: {  	[spmem:s2] =	stream.indirect.scatter.add.f32 [tilespmem:s14], [sflag:$0x3], $0x80, s28, s13, $0xb8;
	[tilespmem:$0x1F000] =	vst v63  }
0x16a: {  	_ =	swait.ge [sflag:s10], $0x4000  }
0x16b: {  	[sflag:s10] =	ssyncset.done $0x0  }
0x16c: {  	s29 =	sadd.s32 $0x400, s25;
	[sflag:s10] =	ssyncadd.s32 $0xFFFFC000  }
0x16d: {  	[tilespmem:s14], [sflag:$0x1] =	stream.indirect.gather [hbm4b:s4+s13], $0x80, s29, s13, $0xb8;
	[tilespmem:$0x1F000] =	vst v63  }
0x16e: {  	_ =	swait.ge [sflag:s18], $0x4000  }
0x16f: {  	[sflag:s18] =	ssyncset.done $0x0  }
0x170: {  	s30 =	rddreg [dreg:$0xa];
	[sflag:s18] =	ssyncadd.s32 $0xFFFFC000  }
0x171: {  	[spmem:s2] =	stream.indirect.scatter.add.f32 [tilespmem:s15], [sflag:$0x3], $0x80, s30, s13, $0xb8;
	[tilespmem:$0x1F000] =	vst v63  }
0x172: {  	_ =	swait.ge [sflag:s10], $0x4000  }
0x173: {  	[sflag:s10] =	ssyncset.done $0x0  }
0x174: {  	s31 =	sadd.s32 $0x480, s25;
	[sflag:s10] =	ssyncadd.s32 $0xFFFFC000  }
0x175: {  	[tilespmem:s15], [sflag:$0x2] =	stream.indirect.gather [hbm4b:s4+s13], $0x80, s31, s13, $0xb8;
	[tilespmem:$0x1F000] =	vst v63  }
0x176: {  	_ =	swait.ge [sflag:s17], $0x4000  }
0x177: {  	[sflag:s17] =	ssyncset.done $0x0  }
0x178: {  	s26 =	rddreg [dreg:$0xb];
	[sflag:s17] =	ssyncadd.s32 $0xFFFFC000  }
0x179: {  	[spmem:s2] =	stream.indirect.scatter.add.f32 [tilespmem:s14], [sflag:$0x3], $0x80, s26, s13, $0xb8;
	[tilespmem:$0x1F000] =	vst v63  }
0x17a: {  	_ =	swait.ge [sflag:s10], $0x4000  }
0x17b: {  	[sflag:s10] =	ssyncset.done $0x0  }
0x17c: {  	s28 =	sadd.s32 $0x500, s25;
	[sflag:s10] =	ssyncadd.s32 $0xFFFFC000  }
0x17d: {  	[tilespmem:s14], [sflag:$0x1] =	stream.indirect.gather [hbm4b:s4+s13], $0x80, s28, s13, $0xb8;
	[tilespmem:$0x1F000] =	vst v63  }
0x17e: {  	_ =	swait.ge [sflag:s18], $0x4000  }
0x17f: {  	[sflag:s18] =	ssyncset.done $0x0  }
0x180: {  	s29 =	rddreg [dreg:$0xc];
	[sflag:s18] =	ssyncadd.s32 $0xFFFFC000  }
0x181: {  	[spmem:s2] =	stream.indirect.scatter.add.f32 [tilespmem:s15], [sflag:$0x3], $0x80, s29, s13, $0xb8;
	[tilespmem:$0x1F000] =	vst v63  }
0x182: {  	_ =	swait.ge [sflag:s10], $0x4000  }
0x183: {  	[sflag:s10] =	ssyncset.done $0x0  }
0x184: {  	s30 =	sadd.s32 $0x580, s25;
	[sflag:s10] =	ssyncadd.s32 $0xFFFFC000  }
0x185: {  	[tilespmem:s15], [sflag:$0x2] =	stream.indirect.gather [hbm4b:s4+s13], $0x80, s30, s13, $0xb8;
	[tilespmem:$0x1F000] =	vst v63  }
0x186: {  	_ =	swait.ge [sflag:s17], $0x4000  }
0x187: {  	[sflag:s17] =	ssyncset.done $0x0  }
0x188: {  	s31 =	rddreg [dreg:$0xd];
	[sflag:s17] =	ssyncadd.s32 $0xFFFFC000  }
0x189: {  	[spmem:s2] =	stream.indirect.scatter.add.f32 [tilespmem:s14], [sflag:$0x3], $0x80, s31, s13, $0xb8;
	[tilespmem:$0x1F000] =	vst v63  }
0x18a: {  	_ =	swait.ge [sflag:s10], $0x4000  }
0x18b: {  	[sflag:s10] =	ssyncset.done $0x0  }
0x18c: {  	s26 =	sadd.s32 $0x600, s25;
	[sflag:s10] =	ssyncadd.s32 $0xFFFFC000  }
0x18d: {  	[tilespmem:s14], [sflag:$0x1] =	stream.indirect.gather [hbm4b:s4+s13], $0x80, s26, s13, $0xb8;
	[tilespmem:$0x1F000] =	vst v63  }
0x18e: {  	_ =	swait.ge [sflag:s18], $0x4000  }
0x18f: {  	[sflag:s18] =	ssyncset.done $0x0  }
0x190: {  	s28 =	rddreg [dreg:$0xe];
	[sflag:s18] =	ssyncadd.s32 $0xFFFFC000  }
0x191: {  	[spmem:s2] =	stream.indirect.scatter.add.f32 [tilespmem:s15], [sflag:$0x3], $0x80, s28, s13, $0xb8;
	[tilespmem:$0x1F000] =	vst v63  }
0x192: {  	_ =	swait.ge [sflag:s10], $0x4000  }
0x193: {  	[sflag:s10] =	ssyncset.done $0x0  }
0x194: {  	s29 =	sadd.s32 $0x680, s25;
	[sflag:s10] =	ssyncadd.s32 $0xFFFFC000  }
0x195: {  	[tilespmem:s15], [sflag:$0x2] =	stream.indirect.gather [hbm4b:s4+s13], $0x80, s29, s13, $0xb8;
	[tilespmem:$0x1F000] =	vst v63  }
0x196: {  	_ =	swait.ge [sflag:s17], $0x4000  }
0x197: {  	[sflag:s17] =	ssyncset.done $0x0  }
0x198: {  	[sflag:s17] =	ssyncadd.s32 $0xFFFFC000  }
0x199: {  	[spmem:s2] =	stream.indirect.scatter.add.f32 [tilespmem:s14], [sflag:$0x3], $0x80, s19, s13, $0xb8;
	[tilespmem:$0x1F000] =	vst v63  }
0x19a: {  	_ =	swait.ge [sflag:s10], $0x4000  }
0x19b: {  	[sflag:s10] =	ssyncset.done $0x0  }
0x19c: {  	s30 =	sadd.s32 $0x700, s25;
	[sflag:s10] =	ssyncadd.s32 $0xFFFFC000  }
0x19d: {  	[tilespmem:s14], [sflag:$0x1] =	stream.indirect.gather [hbm4b:s4+s13], $0x80, s30, s13, $0xb8;
	[tilespmem:$0x1F000] =	vst v63  }
0x19e: {  	_ =	swait.ge [sflag:s18], $0x4000  }
0x19f: {  	[sflag:s18] =	ssyncset.done $0x0  }
0x1a0: {  	[sflag:s18] =	ssyncadd.s32 $0xFFFFC000  }
0x1a1: {  	[spmem:s2] =	stream.indirect.scatter.add.f32 [tilespmem:s15], [sflag:$0x3], $0x80, s20, s13, $0xb8;
	[tilespmem:$0x1F000] =	vst v63  }
0x1a2: {  	_ =	swait.ge [sflag:s10], $0x4000  }
0x1a3: {  	[sflag:s10] =	ssyncset.done $0x0  }
0x1a4: {  	s31 =	sadd.s32 $0x780, s25;
	[sflag:s10] =	ssyncadd.s32 $0xFFFFC000  }
0x1a5: {  	[tilespmem:s15], [sflag:$0x2] =	stream.indirect.gather [hbm4b:s4+s13], $0x80, s31, s13, $0xb8;
	[tilespmem:$0x1F000] =	vst v63  }
0x1a6: {  	_ =	swait.ge [sflag:s17], $0x4000  }
0x1a7: {  	[sflag:s17] =	ssyncset.done $0x0  }
0x1a8: {  	[sflag:s17] =	ssyncadd.s32 $0xFFFFC000  }
0x1a9: {  	[spmem:s2] =	stream.indirect.scatter.add.f32 [tilespmem:s14], [sflag:$0x3], $0x80, s21, s13, $0xb8;
	[tilespmem:$0x1F000] =	vst v63  }
0x1aa: {  	_ =	swait.ge [sflag:s10], $0x4000  }
0x1ab: {  	[sflag:s10] =	ssyncset.done $0x0  }
0x1ac: {  	[sflag:s10] =	ssyncadd.s32 $0xFFFFC000  }
0x1ad: {  	_ =	swait.ge [sflag:s18], $0x4000  }
0x1ae: {  	[sflag:s18] =	ssyncset.done $0x0  }
0x1af: {  	[sflag:s18] =	ssyncadd.s32 $0xFFFFC000  }
0x1b0: {  	[spmem:s2] =	stream.indirect.scatter.add.f32 [tilespmem:s15], [sflag:$0x3], $0x80, s22, s13, $0xb8;
	[tilespmem:$0x1F000] =	vst v63  }
0x1b1: {  	_ =	swait.ge [sflag:s10], $0x4000  }
0x1b2: {  	s23 =	sadd.s32 $0x1, s23;
	[sflag:s10] =	ssyncset.done $0x0  }
0x1b3: {  	p0 =	sne.s32 s23, s8;
	[sflag:s10] =	ssyncadd.s32 $0xFFFFC000  }
.Ltmp1:
0x1b4: {  	[bflag:$0x0] =	sbarrier.arrive $0xFFFF;
	(pc) =	sbr.rel @p0 .LBB2_1-.Ltmp1, $4  }
0x1b5: {  	[hbm:s7], [sflag:s11] =	dma.local [spmem:s12], $0x2800  }
0x1b6: {  	_ =	swait.ge [sflag:s10], $0x2800  }
0x1b7: {  	[sflag:s10] =	ssyncset.done $0x0  }
0x1b8: {  	[sflag:s10] =	ssyncadd.s32 $0xFFFFD800  }
0x1b9: {  	_ =	sfence.sel $0x180000  }
0x1ba: {  	[bflag:$0x0] =	sbarrier.arrive $0xFFFF  }
0x1bb: {  	p0 =	sne.s32 s0, $0x0;
	_ =	strace $0x9000004D  }
0x1bc: {  	s0 =	sadd.s32 @!p0 $0x100000, s1;
	[bflag:$0x2] =	sbarrier.arrive $0xFFFF  }
0x1bd: {  	[sflag:s0] =	ssyncadd.tile.s32 @!p0 $0x1;
	_ =	shalt  }
.Lfunc_end2:
_tile_overlayer_lowered:
.L_overlay_start_2:
0x1be: {  	(tag) =	ssettag $0x2  }
0x1bf: {  	s0 =	rddreg [dreg:$0x0];
	s2 =	stileid.u32  }
0x1c0: {  	s1 =	rddreg [dreg:$0x1];
	p0 =	sne.s32 s2, $0x0  }
0x1c1: {  	s3 =	rddreg [dreg:$0x2];
	[bflag:$0x3] =	sbarrier.arrive $0xFFFF;
	s2 =	simm.s32 @!p0 $0x1C03  }
0x1c2: {  	[timem:s3], [sflag:s2] =	dma.local @!p0 [hbm:s0], s1  }
0x1c3: {  	s0 =	simm.s32 @!p0 $0x3  }
0x1c4: {  	_ =	swait.ge @!p0 [sflag:s0], s1  }
0x1c5: {  	s1 =	ssub.s32 @!p0 $0x0, s1;
	[sflag:s0] =	ssyncset.done @!p0 $0x0  }
0x1c6: {  	[sflag:s0] =	ssyncadd.s32 @!p0 s1  }
0x1c7: {  	[bflag:$0x3] =	sbarrier.arrive $0xFFFF  }
0x1c8: {  	_ =	shalt  }

// kernel: kernel.8.cloned.1.call-start
scs
__scs_entry_jumppad:
0x0: {  	(pc) =	sbr.rel $0x88, $3  }
0x1: {  	(tag) =	ssettag $0x0;
	lr =	simm.s32 $0x1  }
0x2: {  	[smem:$0x3F99] =	sst lr;
	_ =	strace $0xD0000000  }
0x3: {  	_ = 	snop  }
0x4: {  	_ = 	snop  }
0x5: {  	_ = 	snop  }
0x6: {  	_ = 	snop  }
0x7: {  	_ = 	snop  }
__scs_overlays_trampoline_lowered:
0x8: {  	[smem:$0x3FA8] =	sst s0  }
0x9: {  	[smem:$0x3FA9] =	sst s1  }
0xa: {  	[smem:$0x3FAA] =	sst s2  }
0xb: {  	[smem:$0x3FAB] =	sst s3  }
0xc: {  	[smem:$0x3FAC] =	sst s4  }
0xd: {  	[smem:$0x3FAD] =	sst s5  }
0xe: {  	[smem:$0x3FAE] =	sst s6  }
0xf: {  	[smem:$0x3FAF] =	sst s7  }
0x10: {  	[smem:$0x3FB0] =	sst s8  }
0x11: {  	[smem:$0x3FB1] =	sst s9;
	s0 =	simm.s32 @!p0 $0x0  }
0x12: {  	s1 =	sld [smem:$0x3F97];
	s0 =	simm.s32 @p0 $0x1  }
0x13: {  	[smem:$0x3FB2] =	sst s0;
	s0 =	simm.s32 @!p1 $0x0  }
0x14: {  	s2 =	sld [smem:$0x3F96];
	s0 =	simm.s32 @p1 $0x1  }
0x15: {  	[smem:$0x3FB3] =	sst s0;
	s0 =	simm.s32 @!p2 $0x0  }
0x16: {  	s3 =	sld [smem:$0x3FDB];
	s0 =	simm.s32 @p2 $0x1  }
0x17: {  	s4 =	simm.s32 $0x1BF5;
	[smem:$0x3FB5] =	sst s0  }
0x18: {  	s0 =	sld [smem:$0x3F98];
	_ =	swait.ge [sflag:s4], $0x0  }
0x19: {  	s7 =	sld [smem:$0x3F99]  }
0x1a: {  	s8 =	sadd.s32 $0xFFFFE003, lr  }
0x1b: {  	s9 =	sadd.s32 $0xFFFFFEF7, lr;
	s5 =	simm.s32 $0xFFFFFFFF;
	p2 =	slt.u32 s8, $0xFFFFF086  }
0x1c: {  	p1 =	slt.u32 s9, $0xF7A;
	s5 =	simm.s32 @!p2 $0x0  }
0x1d: {  	s5 =	simm.s32 @p1 $0x1;
	p0 =	seq.s32 s7, s2  }
0x1e: {  	s7 =	smul.u32 @!p0 $0xF7A, s2;
	p2 =	seq.s32 @!p0 s5, $0x0  }
0x1f: {  	s9 =	smul.u32 $0xF7A, s1;
	s8 =	simm.s32 @!p0 $0x1BF5;
	p2 =	por !p2, p0  }
0x20: {  	[sflag:s8] =	ssyncset.s32 @!p0 $0xFFFFF086;
	s6 =	sadd.s32 @!p0 s3, s7;
	s7 =	simm.s32 @!p0 $0x108  }
0x21: {  	s3 =	sadd.s32 s3, s9;
	s6 =	sadd.s32 @!p0 $0x88, s6;
	s7 =	simm.s32 @p2 $0x1082  }
0x22: {  	[simem:s7], [sflag:s8] =	dma.local @!p0 [hbm:s6], $0xF7A  }
0x23: {  	s9 =	sor.u32 $0xD0000000, s2;
	s6 =	simm.s32 $0x108;
	_ =	swait.ge @!p0 [sflag:s8], $0x0  }
0x24: {  	s3 =	sadd.s32 $0x88, s3;
	s6 =	simm.s32 @!p1 $0x1082;
	[sflag:s4] =	ssyncset.s32 $0xFFFFF086  }
0x25: {  	[simem:s6], [sflag:s4] =	dma.local [hbm:s3], $0xF7A  }
0x26: {  	[smem:$0x3F99] =	sst s1;
	(tag) =	ssettag s2;
	_ =	strace s9  }
0x27: {  	s1 =	sld [smem:$0x3FA9]  }
0x28: {  	s2 =	sld [smem:$0x3FAA]  }
0x29: {  	s4 =	sld [smem:$0x3FAC]  }
0x2a: {  	p0 =	seq.s32 s5, $0x0;
	s5 =	sld [smem:$0x3FAD]  }
0x2b: {  	s6 =	sld [smem:$0x3FAE]  }
0x2c: {  	s7 =	sld [smem:$0x3FAF]  }
0x2d: {  	s3 =	simm.s32 $0x108;
	s8 =	sld [smem:$0x3FB0]  }
0x2e: {  	s3 =	simm.s32 @!p0 $0x1082;
	s9 =	sld [smem:$0x3FB1]  }
0x2f: {  	lr =	sadd.s32 s0, s3;
	s0 =	sld [smem:$0x3FA8]  }
0x30: {  	s3 =	sld [smem:$0x3FAB]  }
0x31: {  	[smem:$0x3FB4] =	sst s10  }
0x32: {  	s10 =	sld [smem:$0x3FB2];
	_ =	sdelay $0x3  }
0x33: {  	p0 =	seq.s32 s10, $0x1;
	s10 =	sld [smem:$0x3FB4];
	_ =	sdelay $0x3  }
0x34: {  	[smem:$0x3FB4] =	sst s10  }
0x35: {  	s10 =	sld [smem:$0x3FB3];
	_ =	sdelay $0x3  }
0x36: {  	p1 =	seq.s32 s10, $0x1;
	s10 =	sld [smem:$0x3FB4];
	_ =	sdelay $0x3  }
0x37: {  	[smem:$0x3FB4] =	sst s10  }
0x38: {  	s10 =	sld [smem:$0x3FB5]  }
0x39: {  	_ = 	snop;
	(pc) =	sbr.ind lr, $3  }
0x3a: {  	_ = 	snop  }
0x3b: {  	_ = 	snop  }
0x3c: {  	p2 =	seq.s32 s10, $0x1;
	s10 =	sld [smem:$0x3FB4]  }
0x3d: {  	_ =	shalt  }
0x3e: {  	_ =	shalt  }
0x3f: {  	_ =	shalt  }
0x40: {  	_ =	shalt  }
0x41: {  	_ =	shalt  }
0x42: {  	_ =	shalt  }
0x43: {  	_ =	shalt  }
0x44: {  	_ =	shalt  }
0x45: {  	_ =	shalt  }
0x46: {  	_ =	shalt  }
0x47: {  	_ =	shalt  }
0x48: {  	_ =	shalt  }
0x49: {  	_ =	shalt  }
0x4a: {  	_ =	shalt  }
0x4b: {  	_ =	shalt  }
0x4c: {  	_ =	shalt  }
0x4d: {  	_ =	shalt  }
0x4e: {  	_ =	shalt  }
0x4f: {  	_ =	shalt  }
0x50: {  	_ =	shalt  }
0x51: {  	_ =	shalt  }
0x52: {  	_ =	shalt  }
0x53: {  	_ =	shalt  }
0x54: {  	_ =	shalt  }
0x55: {  	_ =	shalt  }
0x56: {  	_ =	shalt  }
0x57: {  	_ =	shalt  }
0x58: {  	_ =	shalt  }
0x59: {  	_ =	shalt  }
0x5a: {  	_ =	shalt  }
0x5b: {  	_ =	shalt  }
0x5c: {  	_ =	shalt  }
0x5d: {  	_ =	shalt  }
0x5e: {  	_ =	shalt  }
0x5f: {  	_ =	shalt  }
0x60: {  	_ =	shalt  }
0x61: {  	_ =	shalt  }
0x62: {  	_ =	shalt  }
0x63: {  	_ =	shalt  }
0x64: {  	_ =	shalt  }
0x65: {  	_ =	shalt  }
0x66: {  	_ =	shalt  }
0x67: {  	_ =	shalt  }
0x68: {  	_ =	shalt  }
0x69: {  	_ =	shalt  }
0x6a: {  	_ =	shalt  }
0x6b: {  	_ =	shalt  }
0x6c: {  	_ =	shalt  }
0x6d: {  	_ =	shalt  }
0x6e: {  	_ =	shalt  }
0x6f: {  	_ =	shalt  }
0x70: {  	_ =	shalt  }
0x71: {  	_ =	shalt  }
0x72: {  	_ =	shalt  }
0x73: {  	_ =	shalt  }
0x74: {  	_ =	shalt  }
0x75: {  	_ =	shalt  }
0x76: {  	_ =	shalt  }
0x77: {  	_ =	shalt  }
0x78: {  	_ =	shalt  }
0x79: {  	_ =	shalt  }
0x7a: {  	_ =	shalt  }
0x7b: {  	_ =	shalt  }
0x7c: {  	_ =	shalt  }
0x7d: {  	_ =	shalt  }
0x7e: {  	_ =	shalt  }
0x7f: {  	_ =	shalt  }
0x80: {  	_ =	shalt  }
0x81: {  	_ =	shalt  }
0x82: {  	_ =	shalt  }
0x83: {  	_ =	shalt  }
0x84: {  	_ =	shalt  }
0x85: {  	_ =	shalt  }
0x86: {  	_ =	shalt  }
0x87: {  	_ =	shalt  }
.Lfunc_end0:
.L_simem_size_0:
called_computation_lowered:
.L_overlay_start_0:
0x88: {  	s2 =	sld [smem:$0x3FD9]  }
0x89: {  	s3 =	sld [smem:$0x3FFE];
	_ =	sdelay $0x1  }
0x8a: {  	s1 =	srdreg.scid  }
0x8b: {  	s0 =	sand.u32 $0x1, s1  }
0x8c: {  	s14 =	sshll.u32 s0, $0xA;
	s2 =	sadd.s32 s3, s2  }
0x8d: {  	s2 =	sadd.s32 s2, s14  }
0x8e: {  	[smem:$0x3FC0] =	sst s2  }
0x8f: {  	_ = 	snop  }
0x90: {  	s2 =	sld [smem:$0x3FD0];
	_ =	sdelay $0x2  }
0x91: {  	s15 =	simm.s32 $0xA;
	s4 =	simm.s32 $0x10  }
0x92: {  	[smem:s4], [sflag:s15] =	dma.local [hbm:s2], $0x1  }
0x93: {  	_ =	swait.eq [sflag:s15], $0x1  }
0x94: {  	[sflag:s15] =	ssyncset.done $0x0  }
0x95: {  	[sflag:s15] =	ssyncadd.s32 $0xFFFFFFFF  }
0x96: {  	s16 =	sld [smem:$0x11];
	(tm) =	ssettm $0x1  }
0x97: {  	s17 =	sld [smem:$0x3FFB];
	_ =	sdelay $0x3  }
0x98: {  	_ =	strace s17  }
0x99: {  	s3 =	sld [smem:$0x3FFC];
	_ =	sdelay $0x3  }
0x9a: {  	_ =	strace s3  }
0x9b: {  	s3 =	sld [smem:$0x3FFD];
	_ =	sdelay $0x3  }
0x9c: {  	_ =	strace s3  }
0x9d: {  	_ =	strace $0x8FFFFFFF  }
0x9e: {  	s18 =	sld [smem:$0x3FDB];
	_ =	sdelay $0x1  }
0x9f: {  	s19 =	simm.s32 $_scs_section_size  }
0xa0: {  	s5 =	simm.s32 $_size__tile_overlayer_lowered;
	s6 =	simm.s32 $_tile_overlayer_lowered  }
0xa1: {  	s22 =	simm.s32 $0x1BFF;
	s21 =	sshll.u32 s6, $0x1;
	s3 =	sadd.s32 s19, s18  }
0xa2: {  	s7 =	simm.s32 $0x0;
	s20 =	sshll.u32 s5, $0x1;
	s5 =	sadd.s32 s21, s3  }
0xa3: {  	[timem:s7], [sflag:s22] =	dma.local [hbm:s5], s20  }
0xa4: {  	_ =	swait.ge [sflag:s22], s20  }
0xa5: {  	s4 =	ssub.s32 $0x0, s20;
	[sflag:s22] =	ssyncset.done $0x0  }
0xa6: {  	[sflag:s22] =	ssyncadd.s32 s4;
	_ =	sdelay $0x1  }
0xa7: {  	s23 =	simm.s32 $0x1B8B  }
0xa8: {  	_ =	swait.ge [sflag:s23], $0x1  }
0xa9: {  	[sflag:s23] =	ssyncset.done $0x0  }
0xaa: {  	s25 =	simm.s32 $0x1B8E;
	s24 =	sld [smem:$0x3FFE];
	[sflag:s23] =	ssyncadd.s32 $0xFFFFFFFF  }
0xab: {  	s26 =	simm.s32 $execute0_lowered;
	[smem:$0x3FD2] =	sst s25  }
0xac: {  	s5 =	sshll.u32 s26, $0x1;
	_ =	strace $0x80000046;
	[dreg:$0x1] =	wrdreg $0xFFFFFFFF  }
0xad: {  	s28 =	simm.s32 $_size_execute0_lowered;
	s3 =	sadd.s32 s3, s5;
	[dreg:$0x0] =	wrdreg $0x0  }
0xae: {  	s5 =	sshll.u32 s28, $0x1;
	[dreg:$0x2] =	wrdreg s3  }
0xaf: {  	[dreg:$0x3] =	wrdreg s5  }
0xb0: {  	[dreg:$0x4] =	wrdreg $0xC0  }
0xb1: {  	_ =	task [dreg:s7], $0x5FFFF  }
0xb2: {  	[dreg:$0x1] =	wrdreg $0xFFFFFFFF  }
0xb3: {  	[dreg:$0x0] =	wrdreg $0x60  }
0xb4: {  	[dreg:$0x2] =	wrdreg s24  }
0xb5: {  	[dreg:$0x3] =	wrdreg s16  }
0xb6: {  	[dreg:$0x4] =	wrdreg $0x54000  }
0xb7: {  	[dreg:$0x5] =	wrdreg $0x9  }
0xb8: {  	_ =	task.clear_ibuf [dreg:s7], $0x6FFFF;
	_ =	strace $0x90000046  }
0xb9: {  	s29 =	simm.s32 $0x9;
	_ =	strace $0x80000048  }
0xba: {  	_ =	swait.ge [sflag:s29], $0x1  }
0xbb: {  	[sflag:s29] =	ssyncadd.s32 $0xFFFFFFFF  }
0xbc: {  	_ =	strace $0x90000048  }
0xbd: {  	_ =	sfence  }
0xbe: {  	s30 =	sld [smem:$0x0];
	_ =	sdelay $0x2  }
0xbf: {  	s31 =	sshll.u32 s1, $0xD;
	s1 =	sshrl.u32 s1, $0x2  }
0xc0: {  	s3 =	sand.u32 $0x4000, s31;
	s1 =	sadd.s32 s1, s30  }
0xc1: {  	s0 =	sor.u32 s3, s0;
	s1 =	sshll.u32 s1, $0x11  }
0xc2: {  	s0 =	sor.u32 s1, s0  }
0xc3: {  	s0 =	sadd.s32 $0x8F2B, s0  }
0xc4: {  	[sflag:s0] =	ssyncadd.remote.s32 $0x1  }
0xc5: {  	_ =	sfence.sel $0xFFFF  }
0xc6: {  	[dreg:$0x0] =	wrdreg $0xFFFFFFFF;
	(pc) =	sbr.abs _section_cstart, $3  }
0xc7: {  	[dreg:$0x1] =	wrdreg $0xFFFFFFFF  }
0xc8: {  	_ =	task.clear_ibuf [dreg:s7], $0x2FFFF;
	_ =	strace $0x9FFFFFFF  }
0xc9: {  	(tm) =	ssettm $0x7FFFFFFF  }
tec
execute0_lowered:
.L_overlay_start_1:
0x0: {  	(tag) =	ssettag $0x1  }
0x1: {  	s5 =	rddreg [dreg:$0x0]  }
0x2: {  	s1 =	srdreg.scid;
	s2 =	rddreg [dreg:$0x1]  }
0x3: {  	s0 =	stileid.u32;
	s3 =	rddreg [dreg:$0x2]  }
0x4: {  	s4 =	simm.s32 $0x0;
	s13 =	simm.s32 $0x80;
	s14 =	simm.s32 $0x0  }
0x5: {  	s6 =	sand.u32 $0x1, s1;
	s29 =	sshll.u32 s0, $0x1;
	s8 =	smul.u32 $0x2800, s0  }
0x6: {  	[smem:$0x7FF] =	sst s4;
	s10 =	smul.u32 $0x50000, s0;
	s31 =	sshll.u32 s0, $0x6  }
0x7: {  	s1 =	sor.u32 s6, s29;
	s9 =	smul.u32 $0x28000, s6;
	s6 =	ssub.s32 $0x2, s6  }
0x8: {  	s7 =	smul.u32 $0x280, s1;
	s1 =	rddreg [dreg:$0x3];
	_ =	strace $0x80000047  }
0x9: {  	s11 =	sshrl.u32 s6, $0x1;
	s30 =	sshrl.u32 s10, $0x2;
	s10 =	simm.s32 $0x1400  }
0xa: {  	s9 =	sadd.s32 s8, s9;
	s11 =	ssub.s32 s6, s11;
	s12 =	sadd.s32 s30, s3  }
0xb: {  	s6 =	sadd.s32 s2, s8;
	s7 =	sadd.s32 s7, s5;
	s9 =	sadd.s32 s9, s5  }
0xc: {  	s8 =	smax.u32 s11, $0x1;
	s11 =	sor.u32 $0x1C01, s31;
	s12 =	sshrl.u32 s12, $0x3  }
0xd: {  	s5 =	sadd.s32 $0x2400, s7;
	s7 =	sadd.s32 $0x7400, s9;
	s9 =	simm.s32 $0x1  }
.LBB2_1:
0xe: {  	[tilespmem:s4], [sflag:$0x1] =	stream.linear.gather [hbm4b:s5+s4], $0x1400, $0x38;
	[tilespmem:$0x19400] =	vst v63  }
0xf: {  	_ =	swait.ge [sflag:s9], $0x1400  }
0x10: {  	[sflag:s9] =	ssyncset.done $0x0  }
0x11: {  	[sflag:s9] =	ssyncadd.s32 $0xFFFFEC00  }
0x12: {  	[tilespmem:s10], [sflag:$0x1] =	stream.linear.gather [hbm4b:s2+s4], $0x4000, $0x38;
	[tilespmem:$0x19400] =	vst v63  }
0x13: {  	_ =	swait.ge [sflag:s9], $0x4000  }
0x14: {  	[sflag:s9] =	ssyncset.done $0x0  }
0x15: {  	[sflag:s9] =	ssyncadd.s32 $0xFFFFC000  }
0x16: {  	[spmem:s12], [sflag:s11] =	dma.local [hbm:s6], $0x2800  }
0x17: {  	_ =	swait.ge [sflag:s9], $0x2800  }
0x18: {  	[sflag:s9] =	ssyncset.done $0x0  }
0x19: {  	[sflag:s9] =	ssyncadd.s32 $0xFFFFD800  }
0x1a: {  	s15 =	simm.s32 $0x0;
	[bflag:$0x0] =	sbarrier.arrive $0xFFFF  }
0x1b: {  	[spmem:s3] =	stream.indirect.scatter.add.f32 [tilespmem:s10], [sflag:$0x1], $0x80, s15, s13, $0xb8;
	[tilespmem:$0x19400] =	vst v63  }
0x1c: {  	_ =	swait.ge [sflag:s9], $0x4000  }
0x1d: {  	s15 =	simm.s32 $0x200;
	[sflag:s9] =	ssyncset.done $0x0  }
.LBB2_2:
0x1e: {  	s16 =	sshra.s32 s15, $0x2;
	[sflag:s9] =	ssyncadd.s32 $0xFFFFC000;
	p0 =	sne.s32 s15, $0x4E00  }
0x1f: {  	[spmem:s3] =	stream.indirect.scatter.add.f32 [tilespmem:s10], [sflag:$0x1], $0x80, s16, s13, $0xb8;
	[tilespmem:$0x19400] =	vst v63  }
.Ltmp0:
0x20: {  	_ = 	snop;
	(pc) =	sbr.rel @p0 .LBB2_2-.Ltmp0, $4  }
0x21: {  	_ = 	snop  }
0x22: {  	s15 =	sadd.s32 $0x200, s15  }
0x23: {  	_ =	swait.ge [sflag:s9], $0x4000  }
0x24: {  	[sflag:s9] =	ssyncset.done $0x0  }
0x25: {  	s14 =	sadd.s32 $0x1, s14  }
0x26: {  	[sflag:s9] =	ssyncadd.s32 $0xFFFFC000;
	p0 =	sne.s32 s14, s8  }
.Ltmp1:
0x27: {  	[bflag:$0x0] =	sbarrier.arrive $0xFFFF;
	(pc) =	sbr.rel @p0 .LBB2_1-.Ltmp1, $4  }
0x28: {  	[hbm:s7], [sflag:s11] =	dma.local [spmem:s12], $0x2800  }
0x29: {  	_ =	swait.ge [sflag:s9], $0x2800  }
0x2a: {  	[sflag:s9] =	ssyncset.done $0x0  }
0x2b: {  	[sflag:s9] =	ssyncadd.s32 $0xFFFFD800  }
0x2c: {  	_ =	sfence.sel $0x180000  }
0x2d: {  	[bflag:$0x0] =	sbarrier.arrive $0xFFFF  }
0x2e: {  	p0 =	sne.s32 s0, $0x0;
	_ =	strace $0x90000047  }
0x2f: {  	s0 =	sadd.s32 @!p0 $0x100000, s1;
	[bflag:$0x2] =	sbarrier.arrive $0xFFFF  }
0x30: {  	[sflag:s0] =	ssyncadd.tile.s32 @!p0 $0x1;
	_ =	shalt  }
.Lfunc_end2:
_tile_overlayer_lowered:
.L_overlay_start_2:
0x31: {  	(tag) =	ssettag $0x2  }
0x32: {  	s0 =	rddreg [dreg:$0x0];
	s2 =	stileid.u32  }
0x33: {  	s1 =	rddreg [dreg:$0x1];
	p0 =	sne.s32 s2, $0x0  }
0x34: {  	s3 =	rddreg [dreg:$0x2];
	[bflag:$0x3] =	sbarrier.arrive $0xFFFF;
	s2 =	simm.s32 @!p0 $0x1C01  }
0x35: {  	[timem:s3], [sflag:s2] =	dma.local @!p0 [hbm:s0], s1  }
0x36: {  	s0 =	simm.s32 @!p0 $0x1  }
0x37: {  	_ =	swait.ge @!p0 [sflag:s0], s1  }
0x38: {  	s1 =	ssub.s32 @!p0 $0x0, s1;
	[sflag:s0] =	ssyncset.done @!p0 $0x0  }
0x39: {  	[sflag:s0] =	ssyncadd.s32 @!p0 s1  }
0x3a: {  	[bflag:$0x3] =	sbarrier.arrive $0xFFFF  }
0x3b: {  	_ =	shalt  }

</sc_bundles>
